<compile_context>
chip_gen: v7x
topology: tpu7x:2x2x1
jax: 0.10.2.dev20260603
libtpu: 0.0.44.dev20260713+nightly
codegen_flags: <defaults>
</compile_context>

<pallas_src>
import jax
import jax.numpy as jnp
from jax import lax
from jax.experimental import pallas as pl
from jax.experimental.pallas import tpu as pltpu
from jax.experimental.pallas import tpu_sc as plsc

N = 10000
D = 128
NHID = 128
NCLS = 40
E = 320000

NC, NS, L = 2, 16, 16
NW = NC * NS
PADN = 10112
CH = 128
EPAD = 327680
NCH = EPAD // NW // CH
SUP = 4
NSUP = NCH // SUP
TP = NSUP // 2
PADP = 12288
PR_T = PADP // NW
SC_ROWS = PADN // NS

_mesh = plsc.VectorSubcoreMesh(
    core_axis_name="c", subcore_axis_name="s", num_cores=NC, num_subcores=NS)


def _sc_body(h_hbm, src_hbm, dst_hbm, prev_hbm, za_hbm, z1_hbm,
             prevrows_out, agg_out, deg_out,
             src0_v, dst0_v, src1_v, dst1_v, ebuf0_v, ebuf1_v, hist_v,
             agg_sh, sem0, sem1, ssem0, ssem1, isem0, isem1):
  c = lax.axis_index("c")
  s = lax.axis_index("s")
  wid = s * NC + c
  ones16 = jnp.ones((L,), jnp.float32)
  ebufs = (ebuf0_v, ebuf1_v)
  sems = (sem0, sem1)
  ssems = (ssem0, ssem1)
  slots = ((src0_v, dst0_v, isem0), (src1_v, dst1_v, isem1))

  pltpu.sync_copy(z1_hbm, hist_v)
  pltpu.sync_copy(za_hbm, agg_sh.at[pl.ds(s * SC_ROWS, SC_ROWS)])

  for j in range(PR_T // CH):
    pltpu.sync_copy(prev_hbm.at[pl.ds(wid * PR_T + j * CH, CH)],
                    src0_v.at[0])
    pltpu.async_copy(h_hbm.at[src0_v.at[0]], ebuf0_v, sem0).wait()
    pltpu.sync_copy(ebuf0_v, prevrows_out.at[pl.ds(wid * PR_T + j * CH, CH)])
  plsc.subcore_barrier()

  def prefetch(slot, sup_idx):
    sv, dv, isem = slots[slot]
    d1 = pltpu.async_copy(src_hbm.at[pl.ds(wid * NCH + sup_idx * SUP, SUP)],
                          sv, isem)
    d2 = pltpu.async_copy(dst_hbm.at[pl.ds(wid * NCH + sup_idx * SUP, SUP)],
                          dv, isem)
    return d1, d2

  def wait_prefetch(slot):
    sv, dv, isem = slots[slot]
    pltpu.make_async_copy(src_hbm.at[pl.ds(0, SUP)], sv, isem).wait()
    pltpu.make_async_copy(dst_hbm.at[pl.ds(0, SUP)], dv, isem).wait()

  d1, d2 = prefetch(0, 0)
  d1.wait()
  d2.wait()
  prefetch(1, 1)
  pltpu.async_copy(h_hbm.at[src0_v.at[0]], ebuf0_v, sem0)

  def pair(t, carry):
    gd = [None] * 8
    sd = [None] * 8
    nxt0 = 2 * t + 2
    nxt1 = 2 * t + 3
    for G in range(8):
      half, j = G // 4, G % 4
      sv, dv, _ = slots[half]
      if G == 3:
        wait_prefetch(1)
      if G == 5:
        @pl.when(t + 1 < TP)
        def _():
          prefetch(0, nxt0)
      if G >= 1:
        sd[G - 1].wait()
      if G + 1 < 8:
        nh, nj = (G + 1) // 4, (G + 1) % 4
        nsv = slots[nh][0]
        gd[G + 1] = pltpu.async_copy(
            h_hbm.at[nsv.at[nj]], ebufs[(G + 1) % 2], sems[(G + 1) % 2])
      else:
        @pl.when(t + 1 < TP)
        def _():
          wait_prefetch(0)
          pltpu.async_copy(h_hbm.at[src0_v.at[0]], ebuf0_v, sem0)
      if gd[G] is None:
        pltpu.make_async_copy(h_hbm.at[src0_v.at[0]], ebuf0_v, sem0).wait()
      else:
        gd[G].wait()
      sd[G] = pltpu.async_copy(ebufs[G % 2], agg_sh.at[dv.at[j]],
                               ssems[G % 2], add=True)
      for k in range(CH // L):
        plsc.addupdate_scatter(hist_v, [dv[j, pl.ds(k * L, L)]], ones16)
    sd[7].wait()

    @pl.when(t + 1 < TP)
    def _():
      prefetch(1, nxt1)

    return carry

  lax.fori_loop(0, TP, pair, 0)
  plsc.subcore_barrier()

  rows = pl.ds(s * SC_ROWS, SC_ROWS)
  pltpu.sync_copy(agg_sh.at[rows], agg_out.at[c, rows])
  pltpu.sync_copy(hist_v, deg_out.at[pl.ds(wid * PADN, PADN)])


_sc_layer = pl.kernel(
    _sc_body,
    out_type=(
        jax.ShapeDtypeStruct((PADP, D), jnp.float32),
        jax.ShapeDtypeStruct((NC, PADN, D), jnp.float32),
        jax.ShapeDtypeStruct((NW * PADN,), jnp.float32),
    ),
    mesh=_mesh,
    compiler_params=pltpu.CompilerParams(needs_layout_passes=False),
    scratch_types=[
        pltpu.VMEM((SUP, CH), jnp.int32),
        pltpu.VMEM((SUP, CH), jnp.int32),
        pltpu.VMEM((SUP, CH), jnp.int32),
        pltpu.VMEM((SUP, CH), jnp.int32),
        pltpu.VMEM((CH, D), jnp.float32),
        pltpu.VMEM((CH, D), jnp.float32),
        pltpu.VMEM((PADN,), jnp.float32),
        pltpu.VMEM_SHARED((PADN, D), jnp.float32),
        pltpu.SemaphoreType.DMA,
        pltpu.SemaphoreType.DMA,
        pltpu.SemaphoreType.DMA,
        pltpu.SemaphoreType.DMA,
        pltpu.SemaphoreType.DMA,
        pltpu.SemaphoreType.DMA,
    ],
)

BR = 632


def _row_mask(i):
  gid = i * BR + lax.broadcasted_iota(jnp.int32, (BR, 1), 0)
  return gid < N


def _mm_body(x_ref, w_ref, b_ref, o_ref):
  out = jnp.dot(x_ref[...], w_ref[...],
                preferred_element_type=jnp.float32,
                precision=lax.Precision.HIGHEST) + b_ref[...]
  o_ref[...] = jnp.where(_row_mask(pl.program_id(0)), out, 0.0)


def _tc_matmul(x, w, b):
  return pl.pallas_call(
      _mm_body,
      grid=(PADN // BR,),
      in_specs=[
          pl.BlockSpec((BR, D), lambda i: (i, 0)),
          pl.BlockSpec((D, D), lambda i: (0, 0)),
          pl.BlockSpec((1, D), lambda i: (0, 0)),
      ],
      out_specs=pl.BlockSpec((BR, D), lambda i: (i, 0)),
      out_shape=jax.ShapeDtypeStruct((PADN, D), jnp.float32),
  )(x, w, b)


def _comb_body(prev_ref, aggA_ref, aggB_ref, dh_ref,
               wt_ref, wb_ref, b_ref, o_ref):
  deg = jnp.maximum(jnp.sum(dh_ref[...], axis=1, keepdims=True), 1.0)
  hn = jnp.maximum((aggA_ref[...] + aggB_ref[...]) / deg, 0.0)
  hp = jnp.maximum(prev_ref[...], 0.0)
  out = (
      jnp.dot(hp, wt_ref[...], preferred_element_type=jnp.float32,
              precision=lax.Precision.HIGHEST)
      + jnp.dot(hn, wb_ref[...], preferred_element_type=jnp.float32,
                precision=lax.Precision.HIGHEST)
      + b_ref[...])
  o_ref[...] = jnp.where(_row_mask(pl.program_id(0)), out, 0.0)


def _tc_combine(prevrows, agg, dh, wt, wb, b):
  return pl.pallas_call(
      _comb_body,
      grid=(PADN // BR,),
      in_specs=[
          pl.BlockSpec((BR, D), lambda i: (i, 0)),
          pl.BlockSpec((BR, D), lambda i: (i, 0)),
          pl.BlockSpec((BR, D), lambda i: (i, 0)),
          pl.BlockSpec((BR, NW), lambda i: (i, 0)),
          pl.BlockSpec((D, D), lambda i: (0, 0)),
          pl.BlockSpec((D, D), lambda i: (0, 0)),
          pl.BlockSpec((1, D), lambda i: (0, 0)),
      ],
      out_specs=pl.BlockSpec((BR, D), lambda i: (i, 0)),
      out_shape=jax.ShapeDtypeStruct((PADN, D), jnp.float32),
  )(prevrows, agg[0], agg[1], dh, wt, wb, b)


def kernel(x, adjs, previous_indices, W1, b1, W2, b2, Wo, bo):
  f32 = jnp.float32
  xp = jnp.zeros((PADN, D), f32).at[:N].set(x)
  za = jnp.zeros((SC_ROWS, D), f32)
  z1 = jnp.zeros((PADN,), f32)

  pad_dst = (N + (jnp.arange(EPAD - E) % (PADN - N))).astype(jnp.int32)
  pad_src = pad_dst
  pad_prev = jnp.zeros((PADP - N,), jnp.int32)

  def prep(layer):
    src = jnp.concatenate([adjs[layer, 1].astype(jnp.int32), pad_src])
    dst = jnp.concatenate([adjs[layer, 0].astype(jnp.int32), pad_dst])
    prev = jnp.concatenate(
        [previous_indices[layer].astype(jnp.int32), pad_prev])
    return src.reshape(-1, CH), dst.reshape(-1, CH), prev

  h1 = _tc_matmul(xp, W1, b1.reshape(1, D))

  src0, dst0, prev0 = prep(0)
  pr1, agg1, deg1 = _sc_layer(h1, src0, dst0, prev0, za, z1)
  dh1 = deg1.reshape(NW, PADN).T
  h2 = _tc_combine(pr1, agg1, dh1, W2[:NHID], W2[NHID:], b2.reshape(1, D))

  src1, dst1, prev1 = prep(1)
  pr2, agg2, deg2 = _sc_layer(h2, src1, dst1, prev1, za, z1)
  dh2 = deg2.reshape(NW, PADN).T
  wo_p = jnp.zeros((2 * NHID, D), f32).at[:, :NCLS].set(Wo)
  bo_p = jnp.zeros((1, D), f32).at[0, :NCLS].set(bo)
  outp = _tc_combine(pr2, agg2, dh2, wo_p[:NHID], wo_p[NHID:], bo_p)

  return outp[:N, :NCLS]

# --- scband reference (transcript-rebuilt; emitter-appended) ---
"""Pipeline reference for scband-graphsage-first-9079560864556 (READ-ONLY COPY).

The authoritative reference and input builder live on the scoring server;
editing this copy changes nothing except your own understanding.
"""

import jax, jax.numpy as jnp
import numpy as np

N = 10000
NFEAT = 128
NHID = 128
NCLS = 40
LAYERS = 2
E = 320000


def setup_inputs(seed: int = 0) -> dict:
    key = jax.random.key(seed)
    ks = jax.random.split(key, 8)
    x = jax.random.normal(ks[0], (N, NFEAT), dtype=jnp.float32)
    adjs = jax.random.randint(ks[1], (LAYERS, 2, E), 0, N)
    previous_indices = jax.random.randint(ks[2], (LAYERS, N), 0, N)
    W1 = jax.random.normal(ks[3], (NFEAT, NHID), dtype=jnp.float32) * 0.05
    b1 = jnp.zeros((NHID,), dtype=jnp.float32)
    W2 = jax.random.normal(ks[4], (2 * NHID, NHID), dtype=jnp.float32) * 0.05
    b2 = jnp.zeros((NHID,), dtype=jnp.float32)
    Wo = jax.random.normal(ks[5], (2 * NHID, NCLS), dtype=jnp.float32) * 0.05
    bo = jnp.zeros((NCLS,), dtype=jnp.float32)
    return {"x": x, "adjs": adjs, "previous_indices": previous_indices,
            "W1": W1, "b1": b1, "W2": W2, "b2": b2, "Wo": Wo, "bo": bo}


def _spmm_mean(edge_index, h, n):
    # sparse adjacency applied as mean aggregation (torch.spmm with row-normalized adj)
    dst = edge_index[0]
    src = edge_index[1]
    msg = jnp.take(h, src, axis=0)
    agg = jax.ops.segment_sum(msg, dst, num_segments=n)
    deg = jax.ops.segment_sum(jnp.ones((edge_index.shape[1],), h.dtype), dst, num_segments=n)
    return agg / jnp.clip(deg, 1.0, None)[:, None]


def reference(x, adjs, previous_indices, W1, b1, W2, b2, Wo, bo):
    # GraphSageConvolution 1: linear, then concat(self[prev_idx], spmm(adj, h))
    h = x @ W1 + b1
    h = jnp.concatenate([jnp.take(h, previous_indices[0], axis=0), _spmm_mean(adjs[0], h, N)], axis=1)
    h = jax.nn.relu(h)  # dropout = identity in eval mode
    # GraphSageConvolution 2
    h = h @ W2 + b2
    h = jnp.concatenate([jnp.take(h, previous_indices[1], axis=0), _spmm_mean(adjs[1], h, N)], axis=1)
    h = jax.nn.relu(h)
    out = h @ Wo + bo
    return out

if __name__ == "__main__":
    import jax
    _d = setup_inputs()
    print(jax.jit(kernel)(*tuple(_d.values())))

</pallas_src>

<mosaic_0001>
#map = affine_map<(d0, d1) -> (0, 0)>
#map1 = affine_map<(d0, d1) -> (0)>
#map2 = affine_map<(d0, d1) -> (0, 0, 0)>
module attributes {stable_mosaic.version = 14 : i64} {
  func.func @_sc_body(%arg0: i32, %arg1: i32, %arg2: memref<10112x128xf32, #tpu.memory_space<hbm>>, %arg3: memref<2560x128xi32, #tpu.memory_space<hbm>>, %arg4: memref<2560x128xi32, #tpu.memory_space<hbm>>, %arg5: memref<12288xi32, #tpu.memory_space<hbm>>, %arg6: memref<632x128xf32, #tpu.memory_space<hbm>>, %arg7: memref<10112xf32, #tpu.memory_space<hbm>>, %arg8: memref<12288x128xf32, #tpu.memory_space<hbm>>, %arg9: memref<2x10112x128xf32, #tpu.memory_space<hbm>>, %arg10: memref<323584xf32, #tpu.memory_space<hbm>>, %arg11: memref<4x128xi32, #tpu.memory_space<vmem>>, %arg12: memref<4x128xi32, #tpu.memory_space<vmem>>, %arg13: memref<4x128xi32, #tpu.memory_space<vmem>>, %arg14: memref<4x128xi32, #tpu.memory_space<vmem>>, %arg15: memref<128x128xf32, #tpu.memory_space<vmem>>, %arg16: memref<128x128xf32, #tpu.memory_space<vmem>>, %arg17: memref<10112xf32, #tpu.memory_space<vmem>>, %arg18: memref<10112x128xf32, #tpu.memory_space<vmem_shared>>, %arg19: memref<!tpu.dma_semaphore, #tpu.memory_space<semaphore_mem>>, %arg20: memref<!tpu.dma_semaphore, #tpu.memory_space<semaphore_mem>>, %arg21: memref<!tpu.dma_semaphore, #tpu.memory_space<semaphore_mem>>, %arg22: memref<!tpu.dma_semaphore, #tpu.memory_space<semaphore_mem>>, %arg23: memref<!tpu.dma_semaphore, #tpu.memory_space<semaphore_mem>>, %arg24: memref<!tpu.dma_semaphore, #tpu.memory_space<semaphore_mem>>) attributes {dimension_semantics = [#tpu.dimension_semantics<core_parallel>, #tpu.dimension_semantics<subcore_parallel>], iteration_bounds = array<i64: 2, 16>, scalar_prefetch = 0 : i64, scratch_operands = 14 : i64, tpu.core_type = #tpu.core_type<sc_vector_subcore>, window_params = [{transform_indices = #map}, {transform_indices = #map}, {transform_indices = #map}, {transform_indices = #map1}, {transform_indices = #map}, {transform_indices = #map1}, {transform_indices = #map}, {transform_indices = #map2}, {transform_indices = #map1}]} {
    %mul3A = arith.constant 2 : i32
    %mul3A_0 = arith.muli %arg1, %mul3A : i32
    %add3A = arith.addi %mul3A_0, %arg0 : i32
    %broadcast_in_dim3A = arith.constant 1.000000e+00 : f32
    %broadcast_in_dim3A_1 = vector.broadcast %broadcast_in_dim3A : f32 to vector<16xf32>
    "tpu.region"() ({
      %run_scoped3A_127 = tpu.sem_alloc : memref<!tpu.dma_semaphore, #tpu.memory_space<semaphore_mem>>
      tpu.enqueue_dma source(%arg7 : memref<10112xf32, #tpu.memory_space<hbm>>) target(%arg17 : memref<10112xf32, #tpu.memory_space<vmem>>) target_semaphore(%run_scoped3A_127 : memref<!tpu.dma_semaphore, #tpu.memory_space<semaphore_mem>>)
      tpu.wait_dma2 semaphore(%run_scoped3A_127 : memref<!tpu.dma_semaphore, #tpu.memory_space<semaphore_mem>>) src(%arg7 : memref<10112xf32, #tpu.memory_space<hbm>>) dst(%arg17 : memref<10112xf32, #tpu.memory_space<vmem>>)
      tpu.yield
    }) : () -> ()
    %mul3A_2 = arith.constant 632 : i32
    %mul3A_3 = arith.muli %arg1, %mul3A_2 : i32
    "tpu.region"() ({
      %run_scoped3A_127 = tpu.sem_alloc : memref<!tpu.dma_semaphore, #tpu.memory_space<semaphore_mem>>
      %dma_start3A_128 = arith.constant 0 : i32
      %dma_start3A_129 = tpu.memref_slice %arg18[%mul3A_3, %dma_start3A_128] : memref<10112x128xf32, #tpu.memory_space<vmem_shared>> -> memref<632x128xf32, #tpu.memory_space<vmem_shared>>
      tpu.enqueue_dma source(%arg6 : memref<632x128xf32, #tpu.memory_space<hbm>>) target(%dma_start3A_129 : memref<632x128xf32, #tpu.memory_space<vmem_shared>>) target_semaphore(%run_scoped3A_127 : memref<!tpu.dma_semaphore, #tpu.memory_space<semaphore_mem>>)
      %dma_wait3A_130 = arith.constant 0 : i32
      %dma_wait3A_131 = tpu.memref_slice %arg18[%mul3A_3, %dma_wait3A_130] : memref<10112x128xf32, #tpu.memory_space<vmem_shared>> -> memref<632x128xf32, #tpu.memory_space<vmem_shared>>
      tpu.wait_dma2 semaphore(%run_scoped3A_127 : memref<!tpu.dma_semaphore, #tpu.memory_space<semaphore_mem>>) src(%arg6 : memref<632x128xf32, #tpu.memory_space<hbm>>) dst(%dma_wait3A_131 : memref<632x128xf32, #tpu.memory_space<vmem_shared>>)
      tpu.yield
    }) : () -> ()
    %mul3A_4 = arith.constant 384 : i32
    %mul3A_5 = arith.muli %add3A, %mul3A_4 : i32
    %add3A_6 = arith.constant 0 : i32
    %add3A_7 = arith.addi %mul3A_5, %add3A_6 : i32
    %run_scoped3A = arith.constant 0 : i32
    "tpu.region"() ({
      %run_scoped3A_127 = tpu.sem_alloc : memref<!tpu.dma_semaphore, #tpu.memory_space<semaphore_mem>>
      %dma_start3A_128 = arith.constant 0 : i32
      %dma_start3A_129 = tpu.memref_slice %arg11[%run_scoped3A, %dma_start3A_128] : memref<4x128xi32, #tpu.memory_space<vmem>> -> memref<1x128xi32, #tpu.memory_space<vmem>>
      %dma_start3A_130 = tpu.memref_squeeze %dma_start3A_129 : memref<1x128xi32, #tpu.memory_space<vmem>> -> memref<128xi32, #tpu.memory_space<vmem>>
      %dma_start3A_131 = tpu.memref_slice %arg5[%add3A_7] : memref<12288xi32, #tpu.memory_space<hbm>> -> memref<128xi32, #tpu.memory_space<hbm>>
      %dma_start3A_132 = arith.constant 0 : i32
      %dma_start3A_133 = tpu.memref_slice %arg11[%run_scoped3A, %dma_start3A_132] : memref<4x128xi32, #tpu.memory_space<vmem>> -> memref<1x128xi32, #tpu.memory_space<vmem>>
      %dma_start3A_134 = tpu.memref_squeeze %dma_start3A_133 : memref<1x128xi32, #tpu.memory_space<vmem>> -> memref<128xi32, #tpu.memory_space<vmem>>
      %dma_start3A_135 = tpu.memref_slice %arg5[%add3A_7] : memref<12288xi32, #tpu.memory_space<hbm>> -> memref<128xi32, #tpu.memory_space<hbm>>
      tpu.enqueue_dma source(%dma_start3A_135 : memref<128xi32, #tpu.memory_space<hbm>>) target(%dma_start3A_134 : memref<128xi32, #tpu.memory_space<vmem>>) target_semaphore(%run_scoped3A_127 : memref<!tpu.dma_semaphore, #tpu.memory_space<semaphore_mem>>)
      %dma_wait3A_136 = arith.constant 0 : i32
      %dma_wait3A_137 = tpu.memref_slice %arg11[%run_scoped3A, %dma_wait3A_136] : memref<4x128xi32, #tpu.memory_space<vmem>> -> memref<1x128xi32, #tpu.memory_space<vmem>>
      %dma_wait3A_138 = tpu.memref_squeeze %dma_wait3A_137 : memref<1x128xi32, #tpu.memory_space<vmem>> -> memref<128xi32, #tpu.memory_space<vmem>>
      %dma_wait3A_139 = tpu.memref_slice %arg5[%add3A_7] : memref<12288xi32, #tpu.memory_space<hbm>> -> memref<128xi32, #tpu.memory_space<hbm>>
      %dma_wait3A_140 = arith.constant 0 : i32
      %dma_wait3A_141 = tpu.memref_slice %arg11[%run_scoped3A, %dma_wait3A_140] : memref<4x128xi32, #tpu.memory_space<vmem>> -> memref<1x128xi32, #tpu.memory_space<vmem>>
      %dma_wait3A_142 = tpu.memref_squeeze %dma_wait3A_141 : memref<1x128xi32, #tpu.memory_space<vmem>> -> memref<128xi32, #tpu.memory_space<vmem>>
      %dma_wait3A_143 = tpu.memref_slice %arg5[%add3A_7] : memref<12288xi32, #tpu.memory_space<hbm>> -> memref<128xi32, #tpu.memory_space<hbm>>
      tpu.wait_dma2 semaphore(%run_scoped3A_127 : memref<!tpu.dma_semaphore, #tpu.memory_space<semaphore_mem>>) src(%dma_wait3A_143 : memref<128xi32, #tpu.memory_space<hbm>>) dst(%dma_wait3A_142 : memref<128xi32, #tpu.memory_space<vmem>>)
      tpu.yield
    }) : () -> ()
    %dma_start3A = arith.constant 0 : i32
    %dma_start3A_8 = arith.constant 0 : i32
    %dma_start3A_9 = tpu.memref_slice %arg11[%dma_start3A, %dma_start3A_8] : memref<4x128xi32, #tpu.memory_space<vmem>> -> memref<1x128xi32, #tpu.memory_space<vmem>>
    %dma_start3A_10 = tpu.memref_squeeze %dma_start3A_9 : memref<1x128xi32, #tpu.memory_space<vmem>> -> memref<128xi32, #tpu.memory_space<vmem>>
    %dma_start3A_11 = arith.constant 0 : i32
    %dma_start3A_12 = arith.constant 0 : i32
    %dma_start3A_13 = tpu.memref_slice %arg2[%dma_start3A_11, %dma_start3A_12] : memref<10112x128xf32, #tpu.memory_space<hbm>> -> memref<10112x128xf32, #tpu.memory_space<hbm>>
    tpu.enqueue_indirect_dma source(%dma_start3A_13 : memref<10112x128xf32, #tpu.memory_space<hbm>>) target(%arg15 : memref<128x128xf32, #tpu.memory_space<vmem>>) offsets(%dma_start3A_10 : memref<128xi32, #tpu.memory_space<vmem>>) semaphore(%arg19 : memref<!tpu.dma_semaphore, #tpu.memory_space<semaphore_mem>>)
    %dma_wait3A = arith.constant 0 : i32
    %dma_wait3A_14 = arith.constant 0 : i32
    %dma_wait3A_15 = tpu.memref_slice %arg11[%dma_wait3A, %dma_wait3A_14] : memref<4x128xi32, #tpu.memory_space<vmem>> -> memref<1x128xi32, #tpu.memory_space<vmem>>
    %dma_wait3A_16 = tpu.memref_squeeze %dma_wait3A_15 : memref<1x128xi32, #tpu.memory_space<vmem>> -> memref<128xi32, #tpu.memory_space<vmem>>
    %dma_wait3A_17 = arith.constant 0 : i32
    %dma_wait3A_18 = arith.constant 0 : i32
    %dma_wait3A_19 = tpu.memref_slice %arg2[%dma_wait3A_17, %dma_wait3A_18] : memref<10112x128xf32, #tpu.memory_space<hbm>> -> memref<10112x128xf32, #tpu.memory_space<hbm>>
    tpu.wait_indirect_dma semaphore(%arg19 : memref<!tpu.dma_semaphore, #tpu.memory_space<semaphore_mem>>) src(%dma_wait3A_19 : memref<10112x128xf32, #tpu.memory_space<hbm>>) dst(%arg15 : memref<128x128xf32, #tpu.memory_space<vmem>>)
    %mul3A_20 = arith.constant 384 : i32
    %mul3A_21 = arith.muli %add3A, %mul3A_20 : i32
    %add3A_22 = arith.constant 0 : i32
    %add3A_23 = arith.addi %mul3A_21, %add3A_22 : i32
    "tpu.region"() ({
      %run_scoped3A_127 = tpu.sem_alloc : memref<!tpu.dma_semaphore, #tpu.memory_space<semaphore_mem>>
      %dma_start3A_128 = arith.constant 0 : i32
      %dma_start3A_129 = tpu.memref_slice %arg8[%add3A_23, %dma_start3A_128] : memref<12288x128xf32, #tpu.memory_space<hbm>> -> memref<128x128xf32, #tpu.memory_space<hbm>>
      %dma_start3A_130 = arith.constant 0 : i32
      %dma_start3A_131 = tpu.memref_slice %arg8[%add3A_23, %dma_start3A_130] : memref<12288x128xf32, #tpu.memory_space<hbm>> -> memref<128x128xf32, #tpu.memory_space<hbm>>
      tpu.enqueue_dma source(%arg15 : memref<128x128xf32, #tpu.memory_space<vmem>>) target(%dma_start3A_131 : memref<128x128xf32, #tpu.memory_space<hbm>>) target_semaphore(%run_scoped3A_127 : memref<!tpu.dma_semaphore, #tpu.memory_space<semaphore_mem>>)
      %dma_wait3A_132 = arith.constant 0 : i32
      %dma_wait3A_133 = tpu.memref_slice %arg8[%add3A_23, %dma_wait3A_132] : memref<12288x128xf32, #tpu.memory_space<hbm>> -> memref<128x128xf32, #tpu.memory_space<hbm>>
      %dma_wait3A_134 = arith.constant 0 : i32
      %dma_wait3A_135 = tpu.memref_slice %arg8[%add3A_23, %dma_wait3A_134] : memref<12288x128xf32, #tpu.memory_space<hbm>> -> memref<128x128xf32, #tpu.memory_space<hbm>>
      tpu.wait_dma2 semaphore(%run_scoped3A_127 : memref<!tpu.dma_semaphore, #tpu.memory_space<semaphore_mem>>) src(%arg15 : memref<128x128xf32, #tpu.memory_space<vmem>>) dst(%dma_wait3A_135 : memref<128x128xf32, #tpu.memory_space<hbm>>)
      tpu.yield
    }) : () -> ()
    %mul3A_24 = arith.constant 384 : i32
    %mul3A_25 = arith.muli %add3A, %mul3A_24 : i32
    %add3A_26 = arith.constant 128 : i32
    %add3A_27 = arith.addi %mul3A_25, %add3A_26 : i32
    %run_scoped3A_28 = arith.constant 0 : i32
    "tpu.region"() ({
      %run_scoped3A_127 = tpu.sem_alloc : memref<!tpu.dma_semaphore, #tpu.memory_space<semaphore_mem>>
      %dma_start3A_128 = arith.constant 0 : i32
      %dma_start3A_129 = tpu.memref_slice %arg11[%run_scoped3A_28, %dma_start3A_128] : memref<4x128xi32, #tpu.memory_space<vmem>> -> memref<1x128xi32, #tpu.memory_space<vmem>>
      %dma_start3A_130 = tpu.memref_squeeze %dma_start3A_129 : memref<1x128xi32, #tpu.memory_space<vmem>> -> memref<128xi32, #tpu.memory_space<vmem>>
      %dma_start3A_131 = tpu.memref_slice %arg5[%add3A_27] : memref<12288xi32, #tpu.memory_space<hbm>> -> memref<128xi32, #tpu.memory_space<hbm>>
      %dma_start3A_132 = arith.constant 0 : i32
      %dma_start3A_133 = tpu.memref_slice %arg11[%run_scoped3A_28, %dma_start3A_132] : memref<4x128xi32, #tpu.memory_space<vmem>> -> memref<1x128xi32, #tpu.memory_space<vmem>>
      %dma_start3A_134 = tpu.memref_squeeze %dma_start3A_133 : memref<1x128xi32, #tpu.memory_space<vmem>> -> memref<128xi32, #tpu.memory_space<vmem>>
      %dma_start3A_135 = tpu.memref_slice %arg5[%add3A_27] : memref<12288xi32, #tpu.memory_space<hbm>> -> memref<128xi32, #tpu.memory_space<hbm>>
      tpu.enqueue_dma source(%dma_start3A_135 : memref<128xi32, #tpu.memory_space<hbm>>) target(%dma_start3A_134 : memref<128xi32, #tpu.memory_space<vmem>>) target_semaphore(%run_scoped3A_127 : memref<!tpu.dma_semaphore, #tpu.memory_space<semaphore_mem>>)
      %dma_wait3A_136 = arith.constant 0 : i32
      %dma_wait3A_137 = tpu.memref_slice %arg11[%run_scoped3A_28, %dma_wait3A_136] : memref<4x128xi32, #tpu.memory_space<vmem>> -> memref<1x128xi32, #tpu.memory_space<vmem>>
      %dma_wait3A_138 = tpu.memref_squeeze %dma_wait3A_137 : memref<1x128xi32, #tpu.memory_space<vmem>> -> memref<128xi32, #tpu.memory_space<vmem>>
      %dma_wait3A_139 = tpu.memref_slice %arg5[%add3A_27] : memref<12288xi32, #tpu.memory_space<hbm>> -> memref<128xi32, #tpu.memory_space<hbm>>
      %dma_wait3A_140 = arith.constant 0 : i32
      %dma_wait3A_141 = tpu.memref_slice %arg11[%run_scoped3A_28, %dma_wait3A_140] : memref<4x128xi32, #tpu.memory_space<vmem>> -> memref<1x128xi32, #tpu.memory_space<vmem>>
      %dma_wait3A_142 = tpu.memref_squeeze %dma_wait3A_141 : memref<1x128xi32, #tpu.memory_space<vmem>> -> memref<128xi32, #tpu.memory_space<vmem>>
      %dma_wait3A_143 = tpu.memref_slice %arg5[%add3A_27] : memref<12288xi32, #tpu.memory_space<hbm>> -> memref<128xi32, #tpu.memory_space<hbm>>
      tpu.wait_dma2 semaphore(%run_scoped3A_127 : memref<!tpu.dma_semaphore, #tpu.memory_space<semaphore_mem>>) src(%dma_wait3A_143 : memref<128xi32, #tpu.memory_space<hbm>>) dst(%dma_wait3A_142 : memref<128xi32, #tpu.memory_space<vmem>>)
      tpu.yield
    }) : () -> ()
    %dma_start3A_29 = arith.constant 0 : i32
    %dma_start3A_30 = arith.constant 0 : i32
    %dma_start3A_31 = tpu.memref_slice %arg11[%dma_start3A_29, %dma_start3A_30] : memref<4x128xi32, #tpu.memory_space<vmem>> -> memref<1x128xi32, #tpu.memory_space<vmem>>
    %dma_start3A_32 = tpu.memref_squeeze %dma_start3A_31 : memref<1x128xi32, #tpu.memory_space<vmem>> -> memref<128xi32, #tpu.memory_space<vmem>>
    %dma_start3A_33 = arith.constant 0 : i32
    %dma_start3A_34 = arith.constant 0 : i32
    %dma_start3A_35 = tpu.memref_slice %arg2[%dma_start3A_33, %dma_start3A_34] : memref<10112x128xf32, #tpu.memory_space<hbm>> -> memref<10112x128xf32, #tpu.memory_space<hbm>>
    tpu.enqueue_indirect_dma source(%dma_start3A_35 : memref<10112x128xf32, #tpu.memory_space<hbm>>) target(%arg15 : memref<128x128xf32, #tpu.memory_space<vmem>>) offsets(%dma_start3A_32 : memref<128xi32, #tpu.memory_space<vmem>>) semaphore(%arg19 : memref<!tpu.dma_semaphore, #tpu.memory_space<semaphore_mem>>)
    %dma_wait3A_36 = arith.constant 0 : i32
    %dma_wait3A_37 = arith.constant 0 : i32
    %dma_wait3A_38 = tpu.memref_slice %arg11[%dma_wait3A_36, %dma_wait3A_37] : memref<4x128xi32, #tpu.memory_space<vmem>> -> memref<1x128xi32, #tpu.memory_space<vmem>>
    %dma_wait3A_39 = tpu.memref_squeeze %dma_wait3A_38 : memref<1x128xi32, #tpu.memory_space<vmem>> -> memref<128xi32, #tpu.memory_space<vmem>>
    %dma_wait3A_40 = arith.constant 0 : i32
    %dma_wait3A_41 = arith.constant 0 : i32
    %dma_wait3A_42 = tpu.memref_slice %arg2[%dma_wait3A_40, %dma_wait3A_41] : memref<10112x128xf32, #tpu.memory_space<hbm>> -> memref<10112x128xf32, #tpu.memory_space<hbm>>
    tpu.wait_indirect_dma semaphore(%arg19 : memref<!tpu.dma_semaphore, #tpu.memory_space<semaphore_mem>>) src(%dma_wait3A_42 : memref<10112x128xf32, #tpu.memory_space<hbm>>) dst(%arg15 : memref<128x128xf32, #tpu.memory_space<vmem>>)
    %mul3A_43 = arith.constant 384 : i32
    %mul3A_44 = arith.muli %add3A, %mul3A_43 : i32
    %add3A_45 = arith.constant 128 : i32
    %add3A_46 = arith.addi %mul3A_44, %add3A_45 : i32
    "tpu.region"() ({
      %run_scoped3A_127 = tpu.sem_alloc : memref<!tpu.dma_semaphore, #tpu.memory_space<semaphore_mem>>
      %dma_start3A_128 = arith.constant 0 : i32
      %dma_start3A_129 = tpu.memref_slice %arg8[%add3A_46, %dma_start3A_128] : memref<12288x128xf32, #tpu.memory_space<hbm>> -> memref<128x128xf32, #tpu.memory_space<hbm>>
      %dma_start3A_130 = arith.constant 0 : i32
      %dma_start3A_131 = tpu.memref_slice %arg8[%add3A_46, %dma_start3A_130] : memref<12288x128xf32, #tpu.memory_space<hbm>> -> memref<128x128xf32, #tpu.memory_space<hbm>>
      tpu.enqueue_dma source(%arg15 : memref<128x128xf32, #tpu.memory_space<vmem>>) target(%dma_start3A_131 : memref<128x128xf32, #tpu.memory_space<hbm>>) target_semaphore(%run_scoped3A_127 : memref<!tpu.dma_semaphore, #tpu.memory_space<semaphore_mem>>)
      %dma_wait3A_132 = arith.constant 0 : i32
      %dma_wait3A_133 = tpu.memref_slice %arg8[%add3A_46, %dma_wait3A_132] : memref<12288x128xf32, #tpu.memory_space<hbm>> -> memref<128x128xf32, #tpu.memory_space<hbm>>
      %dma_wait3A_134 = arith.constant 0 : i32
      %dma_wait3A_135 = tpu.memref_slice %arg8[%add3A_46, %dma_wait3A_134] : memref<12288x128xf32, #tpu.memory_space<hbm>> -> memref<128x128xf32, #tpu.memory_space<hbm>>
      tpu.wait_dma2 semaphore(%run_scoped3A_127 : memref<!tpu.dma_semaphore, #tpu.memory_space<semaphore_mem>>) src(%arg15 : memref<128x128xf32, #tpu.memory_space<vmem>>) dst(%dma_wait3A_135 : memref<128x128xf32, #tpu.memory_space<hbm>>)
      tpu.yield
    }) : () -> ()
    %mul3A_47 = arith.constant 384 : i32
    %mul3A_48 = arith.muli %add3A, %mul3A_47 : i32
    %add3A_49 = arith.constant 256 : i32
    %add3A_50 = arith.addi %mul3A_48, %add3A_49 : i32
    %run_scoped3A_51 = arith.constant 0 : i32
    "tpu.region"() ({
      %run_scoped3A_127 = tpu.sem_alloc : memref<!tpu.dma_semaphore, #tpu.memory_space<semaphore_mem>>
      %dma_start3A_128 = arith.constant 0 : i32
      %dma_start3A_129 = tpu.memref_slice %arg11[%run_scoped3A_51, %dma_start3A_128] : memref<4x128xi32, #tpu.memory_space<vmem>> -> memref<1x128xi32, #tpu.memory_space<vmem>>
      %dma_start3A_130 = tpu.memref_squeeze %dma_start3A_129 : memref<1x128xi32, #tpu.memory_space<vmem>> -> memref<128xi32, #tpu.memory_space<vmem>>
      %dma_start3A_131 = tpu.memref_slice %arg5[%add3A_50] : memref<12288xi32, #tpu.memory_space<hbm>> -> memref<128xi32, #tpu.memory_space<hbm>>
      %dma_start3A_132 = arith.constant 0 : i32
      %dma_start3A_133 = tpu.memref_slice %arg11[%run_scoped3A_51, %dma_start3A_132] : memref<4x128xi32, #tpu.memory_space<vmem>> -> memref<1x128xi32, #tpu.memory_space<vmem>>
      %dma_start3A_134 = tpu.memref_squeeze %dma_start3A_133 : memref<1x128xi32, #tpu.memory_space<vmem>> -> memref<128xi32, #tpu.memory_space<vmem>>
      %dma_start3A_135 = tpu.memref_slice %arg5[%add3A_50] : memref<12288xi32, #tpu.memory_space<hbm>> -> memref<128xi32, #tpu.memory_space<hbm>>
      tpu.enqueue_dma source(%dma_start3A_135 : memref<128xi32, #tpu.memory_space<hbm>>) target(%dma_start3A_134 : memref<128xi32, #tpu.memory_space<vmem>>) target_semaphore(%run_scoped3A_127 : memref<!tpu.dma_semaphore, #tpu.memory_space<semaphore_mem>>)
      %dma_wait3A_136 = arith.constant 0 : i32
      %dma_wait3A_137 = tpu.memref_slice %arg11[%run_scoped3A_51, %dma_wait3A_136] : memref<4x128xi32, #tpu.memory_space<vmem>> -> memref<1x128xi32, #tpu.memory_space<vmem>>
      %dma_wait3A_138 = tpu.memref_squeeze %dma_wait3A_137 : memref<1x128xi32, #tpu.memory_space<vmem>> -> memref<128xi32, #tpu.memory_space<vmem>>
      %dma_wait3A_139 = tpu.memref_slice %arg5[%add3A_50] : memref<12288xi32, #tpu.memory_space<hbm>> -> memref<128xi32, #tpu.memory_space<hbm>>
      %dma_wait3A_140 = arith.constant 0 : i32
      %dma_wait3A_141 = tpu.memref_slice %arg11[%run_scoped3A_51, %dma_wait3A_140] : memref<4x128xi32, #tpu.memory_space<vmem>> -> memref<1x128xi32, #tpu.memory_space<vmem>>
      %dma_wait3A_142 = tpu.memref_squeeze %dma_wait3A_141 : memref<1x128xi32, #tpu.memory_space<vmem>> -> memref<128xi32, #tpu.memory_space<vmem>>
      %dma_wait3A_143 = tpu.memref_slice %arg5[%add3A_50] : memref<12288xi32, #tpu.memory_space<hbm>> -> memref<128xi32, #tpu.memory_space<hbm>>
      tpu.wait_dma2 semaphore(%run_scoped3A_127 : memref<!tpu.dma_semaphore, #tpu.memory_space<semaphore_mem>>) src(%dma_wait3A_143 : memref<128xi32, #tpu.memory_space<hbm>>) dst(%dma_wait3A_142 : memref<128xi32, #tpu.memory_space<vmem>>)
      tpu.yield
    }) : () -> ()
    %dma_start3A_52 = arith.constant 0 : i32
    %dma_start3A_53 = arith.constant 0 : i32
    %dma_start3A_54 = tpu.memref_slice %arg11[%dma_start3A_52, %dma_start3A_53] : memref<4x128xi32, #tpu.memory_space<vmem>> -> memref<1x128xi32, #tpu.memory_space<vmem>>
    %dma_start3A_55 = tpu.memref_squeeze %dma_start3A_54 : memref<1x128xi32, #tpu.memory_space<vmem>> -> memref<128xi32, #tpu.memory_space<vmem>>
    %dma_start3A_56 = arith.constant 0 : i32
    %dma_start3A_57 = arith.constant 0 : i32
    %dma_start3A_58 = tpu.memref_slice %arg2[%dma_start3A_56, %dma_start3A_57] : memref<10112x128xf32, #tpu.memory_space<hbm>> -> memref<10112x128xf32, #tpu.memory_space<hbm>>
    tpu.enqueue_indirect_dma source(%dma_start3A_58 : memref<10112x128xf32, #tpu.memory_space<hbm>>) target(%arg15 : memref<128x128xf32, #tpu.memory_space<vmem>>) offsets(%dma_start3A_55 : memref<128xi32, #tpu.memory_space<vmem>>) semaphore(%arg19 : memref<!tpu.dma_semaphore, #tpu.memory_space<semaphore_mem>>)
    %dma_wait3A_59 = arith.constant 0 : i32
    %dma_wait3A_60 = arith.constant 0 : i32
    %dma_wait3A_61 = tpu.memref_slice %arg11[%dma_wait3A_59, %dma_wait3A_60] : memref<4x128xi32, #tpu.memory_space<vmem>> -> memref<1x128xi32, #tpu.memory_space<vmem>>
    %dma_wait3A_62 = tpu.memref_squeeze %dma_wait3A_61 : memref<1x128xi32, #tpu.memory_space<vmem>> -> memref<128xi32, #tpu.memory_space<vmem>>
    %dma_wait3A_63 = arith.constant 0 : i32
    %dma_wait3A_64 = arith.constant 0 : i32
    %dma_wait3A_65 = tpu.memref_slice %arg2[%dma_wait3A_63, %dma_wait3A_64] : memref<10112x128xf32, #tpu.memory_space<hbm>> -> memref<10112x128xf32, #tpu.memory_space<hbm>>
    tpu.wait_indirect_dma semaphore(%arg19 : memref<!tpu.dma_semaphore, #tpu.memory_space<semaphore_mem>>) src(%dma_wait3A_65 : memref<10112x128xf32, #tpu.memory_space<hbm>>) dst(%arg15 : memref<128x128xf32, #tpu.memory_space<vmem>>)
    %mul3A_66 = arith.constant 384 : i32
    %mul3A_67 = arith.muli %add3A, %mul3A_66 : i32
    %add3A_68 = arith.constant 256 : i32
    %add3A_69 = arith.addi %mul3A_67, %add3A_68 : i32
    "tpu.region"() ({
      %run_scoped3A_127 = tpu.sem_alloc : memref<!tpu.dma_semaphore, #tpu.memory_space<semaphore_mem>>
      %dma_start3A_128 = arith.constant 0 : i32
      %dma_start3A_129 = tpu.memref_slice %arg8[%add3A_69, %dma_start3A_128] : memref<12288x128xf32, #tpu.memory_space<hbm>> -> memref<128x128xf32, #tpu.memory_space<hbm>>
      %dma_start3A_130 = arith.constant 0 : i32
      %dma_start3A_131 = tpu.memref_slice %arg8[%add3A_69, %dma_start3A_130] : memref<12288x128xf32, #tpu.memory_space<hbm>> -> memref<128x128xf32, #tpu.memory_space<hbm>>
      tpu.enqueue_dma source(%arg15 : memref<128x128xf32, #tpu.memory_space<vmem>>) target(%dma_start3A_131 : memref<128x128xf32, #tpu.memory_space<hbm>>) target_semaphore(%run_scoped3A_127 : memref<!tpu.dma_semaphore, #tpu.memory_space<semaphore_mem>>)
      %dma_wait3A_132 = arith.constant 0 : i32
      %dma_wait3A_133 = tpu.memref_slice %arg8[%add3A_69, %dma_wait3A_132] : memref<12288x128xf32, #tpu.memory_space<hbm>> -> memref<128x128xf32, #tpu.memory_space<hbm>>
      %dma_wait3A_134 = arith.constant 0 : i32
      %dma_wait3A_135 = tpu.memref_slice %arg8[%add3A_69, %dma_wait3A_134] : memref<12288x128xf32, #tpu.memory_space<hbm>> -> memref<128x128xf32, #tpu.memory_space<hbm>>
      tpu.wait_dma2 semaphore(%run_scoped3A_127 : memref<!tpu.dma_semaphore, #tpu.memory_space<semaphore_mem>>) src(%arg15 : memref<128x128xf32, #tpu.memory_space<vmem>>) dst(%dma_wait3A_135 : memref<128x128xf32, #tpu.memory_space<hbm>>)
      tpu.yield
    }) : () -> ()
    %barrier3A = arith.constant 0 : index
    tpu.barrier barrier_id(%barrier3A)
    %mul3A_70 = arith.constant 80 : i32
    %mul3A_71 = arith.muli %add3A, %mul3A_70 : i32
    %add3A_72 = arith.constant 0 : i32
    %add3A_73 = arith.addi %mul3A_71, %add3A_72 : i32
    %dma_start3A_74 = arith.constant 0 : i32
    %dma_start3A_75 = tpu.memref_slice %arg3[%add3A_73, %dma_start3A_74] : memref<2560x128xi32, #tpu.memory_space<hbm>> -> memref<4x128xi32, #tpu.memory_space<hbm>>
    %dma_start3A_76 = arith.constant 0 : i32
    %dma_start3A_77 = tpu.memref_slice %arg3[%add3A_73, %dma_start3A_76] : memref<2560x128xi32, #tpu.memory_space<hbm>> -> memref<4x128xi32, #tpu.memory_space<hbm>>
    tpu.enqueue_dma source(%dma_start3A_77 : memref<4x128xi32, #tpu.memory_space<hbm>>) target(%arg11 : memref<4x128xi32, #tpu.memory_space<vmem>>) target_semaphore(%arg23 : memref<!tpu.dma_semaphore, #tpu.memory_space<semaphore_mem>>)
    %mul3A_78 = arith.constant 80 : i32
    %mul3A_79 = arith.muli %add3A, %mul3A_78 : i32
    %add3A_80 = arith.constant 0 : i32
    %add3A_81 = arith.addi %mul3A_79, %add3A_80 : i32
    %dma_start3A_82 = arith.constant 0 : i32
    %dma_start3A_83 = tpu.memref_slice %arg4[%add3A_81, %dma_start3A_82] : memref<2560x128xi32, #tpu.memory_space<hbm>> -> memref<4x128xi32, #tpu.memory_space<hbm>>
    %dma_start3A_84 = arith.constant 0 : i32
    %dma_start3A_85 = tpu.memref_slice %arg4[%add3A_81, %dma_start3A_84] : memref<2560x128xi32, #tpu.memory_space<hbm>> -> memref<4x128xi32, #tpu.memory_space<hbm>>
    tpu.enqueue_dma source(%dma_start3A_85 : memref<4x128xi32, #tpu.memory_space<hbm>>) target(%arg12 : memref<4x128xi32, #tpu.memory_space<vmem>>) target_semaphore(%arg23 : memref<!tpu.dma_semaphore, #tpu.memory_space<semaphore_mem>>)
    %dma_wait3A_86 = arith.constant 0 : i32
    %dma_wait3A_87 = tpu.memref_slice %arg3[%add3A_73, %dma_wait3A_86] : memref<2560x128xi32, #tpu.memory_space<hbm>> -> memref<4x128xi32, #tpu.memory_space<hbm>>
    %dma_wait3A_88 = arith.constant 0 : i32
    %dma_wait3A_89 = tpu.memref_slice %arg3[%add3A_73, %dma_wait3A_88] : memref<2560x128xi32, #tpu.memory_space<hbm>> -> memref<4x128xi32, #tpu.memory_space<hbm>>
    tpu.wait_dma2 semaphore(%arg23 : memref<!tpu.dma_semaphore, #tpu.memory_space<semaphore_mem>>) src(%dma_wait3A_89 : memref<4x128xi32, #tpu.memory_space<hbm>>) dst(%arg11 : memref<4x128xi32, #tpu.memory_space<vmem>>)
    %dma_wait3A_90 = arith.constant 0 : i32
    %dma_wait3A_91 = tpu.memref_slice %arg4[%add3A_81, %dma_wait3A_90] : memref<2560x128xi32, #tpu.memory_space<hbm>> -> memref<4x128xi32, #tpu.memory_space<hbm>>
    %dma_wait3A_92 = arith.constant 0 : i32
    %dma_wait3A_93 = tpu.memref_slice %arg4[%add3A_81, %dma_wait3A_92] : memref<2560x128xi32, #tpu.memory_space<hbm>> -> memref<4x128xi32, #tpu.memory_space<hbm>>
    tpu.wait_dma2 semaphore(%arg23 : memref<!tpu.dma_semaphore, #tpu.memory_space<semaphore_mem>>) src(%dma_wait3A_93 : memref<4x128xi32, #tpu.memory_space<hbm>>) dst(%arg12 : memref<4x128xi32, #tpu.memory_space<vmem>>)
    %mul3A_94 = arith.constant 80 : i32
    %mul3A_95 = arith.muli %add3A, %mul3A_94 : i32
    %add3A_96 = arith.constant 4 : i32
    %add3A_97 = arith.addi %mul3A_95, %add3A_96 : i32
    %dma_start3A_98 = arith.constant 0 : i32
    %dma_start3A_99 = tpu.memref_slice %arg3[%add3A_97, %dma_start3A_98] : memref<2560x128xi32, #tpu.memory_space<hbm>> -> memref<4x128xi32, #tpu.memory_space<hbm>>
    %dma_start3A_100 = arith.constant 0 : i32
    %dma_start3A_101 = tpu.memref_slice %arg3[%add3A_97, %dma_start3A_100] : memref<2560x128xi32, #tpu.memory_space<hbm>> -> memref<4x128xi32, #tpu.memory_space<hbm>>
    tpu.enqueue_dma source(%dma_start3A_101 : memref<4x128xi32, #tpu.memory_space<hbm>>) target(%arg13 : memref<4x128xi32, #tpu.memory_space<vmem>>) target_semaphore(%arg24 : memref<!tpu.dma_semaphore, #tpu.memory_space<semaphore_mem>>)
    %mul3A_102 = arith.constant 80 : i32
    %mul3A_103 = arith.muli %add3A, %mul3A_102 : i32
    %add3A_104 = arith.constant 4 : i32
    %add3A_105 = arith.addi %mul3A_103, %add3A_104 : i32
    %dma_start3A_106 = arith.constant 0 : i32
    %dma_start3A_107 = tpu.memref_slice %arg4[%add3A_105, %dma_start3A_106] : memref<2560x128xi32, #tpu.memory_space<hbm>> -> memref<4x128xi32, #tpu.memory_space<hbm>>
    %dma_start3A_108 = arith.constant 0 : i32
    %dma_start3A_109 = tpu.memref_slice %arg4[%add3A_105, %dma_start3A_108] : memref<2560x128xi32, #tpu.memory_space<hbm>> -> memref<4x128xi32, #tpu.memory_space<hbm>>
    tpu.enqueue_dma source(%dma_start3A_109 : memref<4x128xi32, #tpu.memory_space<hbm>>) target(%arg14 : memref<4x128xi32, #tpu.memory_space<vmem>>) target_semaphore(%arg24 : memref<!tpu.dma_semaphore, #tpu.memory_space<semaphore_mem>>)
    %dma_start3A_110 = arith.constant 0 : i32
    %dma_start3A_111 = arith.constant 0 : i32
    %dma_start3A_112 = tpu.memref_slice %arg11[%dma_start3A_110, %dma_start3A_111] : memref<4x128xi32, #tpu.memory_space<vmem>> -> memref<1x128xi32, #tpu.memory_space<vmem>>
    %dma_start3A_113 = tpu.memref_squeeze %dma_start3A_112 : memref<1x128xi32, #tpu.memory_space<vmem>> -> memref<128xi32, #tpu.memory_space<vmem>>
    %dma_start3A_114 = arith.constant 0 : i32
    %dma_start3A_115 = arith.constant 0 : i32
    %dma_start3A_116 = tpu.memref_slice %arg2[%dma_start3A_114, %dma_start3A_115] : memref<10112x128xf32, #tpu.memory_space<hbm>> -> memref<10112x128xf32, #tpu.memory_space<hbm>>
    tpu.enqueue_indirect_dma source(%dma_start3A_116 : memref<10112x128xf32, #tpu.memory_space<hbm>>) target(%arg15 : memref<128x128xf32, #tpu.memory_space<vmem>>) offsets(%dma_start3A_113 : memref<128xi32, #tpu.memory_space<vmem>>) semaphore(%arg19 : memref<!tpu.dma_semaphore, #tpu.memory_space<semaphore_mem>>)
    %scan3A = arith.constant 0 : i32
    %scan3A_117 = arith.constant 0 : i32
    %scan3A_118 = arith.constant 10 : i32
    %scan3A_119 = arith.addi %scan3A_117, %scan3A_118 : i32
    %scan3A_120 = arith.constant 1 : i32
    scf.for %scan3A_127 = %scan3A_117 to %scan3A_119 step %scan3A_120  : i32 {
      %mul3A_128 = arith.constant 2 : i32
      %mul3A_129 = arith.muli %mul3A_128, %scan3A_127 : i32
      %add3A_130 = arith.constant 2 : i32
      %add3A_131 = arith.addi %mul3A_129, %add3A_130 : i32
      %mul3A_132 = arith.constant 2 : i32
      %mul3A_133 = arith.muli %mul3A_132, %scan3A_127 : i32
      %add3A_134 = arith.constant 3 : i32
      %add3A_135 = arith.addi %mul3A_133, %add3A_134 : i32
      %dma_start3A_136 = arith.constant 1 : i32
      %dma_start3A_137 = arith.constant 0 : i32
      %dma_start3A_138 = tpu.memref_slice %arg11[%dma_start3A_136, %dma_start3A_137] : memref<4x128xi32, #tpu.memory_space<vmem>> -> memref<1x128xi32, #tpu.memory_space<vmem>>
      %dma_start3A_139 = tpu.memref_squeeze %dma_start3A_138 : memref<1x128xi32, #tpu.memory_space<vmem>> -> memref<128xi32, #tpu.memory_space<vmem>>
      %dma_start3A_140 = arith.constant 0 : i32
      %dma_start3A_141 = arith.constant 0 : i32
      %dma_start3A_142 = tpu.memref_slice %arg2[%dma_start3A_140, %dma_start3A_141] : memref<10112x128xf32, #tpu.memory_space<hbm>> -> memref<10112x128xf32, #tpu.memory_space<hbm>>
      tpu.enqueue_indirect_dma source(%dma_start3A_142 : memref<10112x128xf32, #tpu.memory_space<hbm>>) target(%arg16 : memref<128x128xf32, #tpu.memory_space<vmem>>) offsets(%dma_start3A_139 : memref<128xi32, #tpu.memory_space<vmem>>) semaphore(%arg20 : memref<!tpu.dma_semaphore, #tpu.memory_space<semaphore_mem>>)
      %dma_wait3A_143 = arith.constant 0 : i32
      %dma_wait3A_144 = arith.constant 0 : i32
      %dma_wait3A_145 = tpu.memref_slice %arg11[%dma_wait3A_143, %dma_wait3A_144] : memref<4x128xi32, #tpu.memory_space<vmem>> -> memref<1x128xi32, #tpu.memory_space<vmem>>
      %dma_wait3A_146 = tpu.memref_squeeze %dma_wait3A_145 : memref<1x128xi32, #tpu.memory_space<vmem>> -> memref<128xi32, #tpu.memory_space<vmem>>
      %dma_wait3A_147 = arith.constant 0 : i32
      %dma_wait3A_148 = arith.constant 0 : i32
      %dma_wait3A_149 = tpu.memref_slice %arg2[%dma_wait3A_147, %dma_wait3A_148] : memref<10112x128xf32, #tpu.memory_space<hbm>> -> memref<10112x128xf32, #tpu.memory_space<hbm>>
      tpu.wait_indirect_dma semaphore(%arg19 : memref<!tpu.dma_semaphore, #tpu.memory_space<semaphore_mem>>) src(%dma_wait3A_149 : memref<10112x128xf32, #tpu.memory_space<hbm>>) dst(%arg15 : memref<128x128xf32, #tpu.memory_space<vmem>>)
      %dma_start3A_150 = arith.constant 0 : i32
      %dma_start3A_151 = arith.constant 0 : i32
      %dma_start3A_152 = tpu.memref_slice %arg12[%dma_start3A_150, %dma_start3A_151] : memref<4x128xi32, #tpu.memory_space<vmem>> -> memref<1x128xi32, #tpu.memory_space<vmem>>
      %dma_start3A_153 = tpu.memref_squeeze %dma_start3A_152 : memref<1x128xi32, #tpu.memory_space<vmem>> -> memref<128xi32, #tpu.memory_space<vmem>>
      %dma_start3A_154 = arith.constant 0 : i32
      %dma_start3A_155 = arith.constant 0 : i32
      %dma_start3A_156 = tpu.memref_slice %arg18[%dma_start3A_154, %dma_start3A_155] : memref<10112x128xf32, #tpu.memory_space<vmem_shared>> -> memref<10112x128xf32, #tpu.memory_space<vmem_shared>>
      tpu.enqueue_indirect_dma source(%arg15 : memref<128x128xf32, #tpu.memory_space<vmem>>) target(%dma_start3A_156 : memref<10112x128xf32, #tpu.memory_space<vmem_shared>>) offsets(%dma_start3A_153 : memref<128xi32, #tpu.memory_space<vmem>>) semaphore(%arg21 : memref<!tpu.dma_semaphore, #tpu.memory_space<semaphore_mem>>) {add = true}
      %get3A = arith.constant 0 : i32
      %get3A_157 = arith.index_cast %get3A : i32 to index
      %get3A_158 = arith.constant 0 : index
      %get3A_159 = tpu.vector_load %arg12[%get3A_157, %get3A_158] {strides = array<i32>} : memref<4x128xi32, #tpu.memory_space<vmem>>, vector<16xi32>,
      tpu.vector_store_idx %arg17[%get3A_159], %broadcast_in_dim3A_1 {add = true} : memref<10112xf32, #tpu.memory_space<vmem>>[vector<16xi32>], vector<16xf32>,
      %get3A_160 = arith.constant 0 : i32
      %get3A_161 = arith.index_cast %get3A_160 : i32 to index
      %get3A_162 = arith.constant 16 : index
      %get3A_163 = tpu.vector_load %arg12[%get3A_161, %get3A_162] {strides = array<i32>} : memref<4x128xi32, #tpu.memory_space<vmem>>, vector<16xi32>,
      tpu.vector_store_idx %arg17[%get3A_163], %broadcast_in_dim3A_1 {add = true} : memref<10112xf32, #tpu.memory_space<vmem>>[vector<16xi32>], vector<16xf32>,
      %get3A_164 = arith.constant 0 : i32
      %get3A_165 = arith.index_cast %get3A_164 : i32 to index
      %get3A_166 = arith.constant 32 : index
      %get3A_167 = tpu.vector_load %arg12[%get3A_165, %get3A_166] {strides = array<i32>} : memref<4x128xi32, #tpu.memory_space<vmem>>, vector<16xi32>,
      tpu.vector_store_idx %arg17[%get3A_167], %broadcast_in_dim3A_1 {add = true} : memref<10112xf32, #tpu.memory_space<vmem>>[vector<16xi32>], vector<16xf32>,
      %get3A_168 = arith.constant 0 : i32
      %get3A_169 = arith.index_cast %get3A_168 : i32 to index
      %get3A_170 = arith.constant 48 : index
      %get3A_171 = tpu.vector_load %arg12[%get3A_169, %get3A_170] {strides = array<i32>} : memref<4x128xi32, #tpu.memory_space<vmem>>, vector<16xi32>,
      tpu.vector_store_idx %arg17[%get3A_171], %broadcast_in_dim3A_1 {add = true} : memref<10112xf32, #tpu.memory_space<vmem>>[vector<16xi32>], vector<16xf32>,
      %get3A_172 = arith.constant 0 : i32
      %get3A_173 = arith.index_cast %get3A_172 : i32 to index
      %get3A_174 = arith.constant 64 : index
      %get3A_175 = tpu.vector_load %arg12[%get3A_173, %get3A_174] {strides = array<i32>} : memref<4x128xi32, #tpu.memory_space<vmem>>, vector<16xi32>,
      tpu.vector_store_idx %arg17[%get3A_175], %broadcast_in_dim3A_1 {add = true} : memref<10112xf32, #tpu.memory_space<vmem>>[vector<16xi32>], vector<16xf32>,
      %get3A_176 = arith.constant 0 : i32
      %get3A_177 = arith.index_cast %get3A_176 : i32 to index
      %get3A_178 = arith.constant 80 : index
      %get3A_179 = tpu.vector_load %arg12[%get3A_177, %get3A_178] {strides = array<i32>} : memref<4x128xi32, #tpu.memory_space<vmem>>, vector<16xi32>,
      tpu.vector_store_idx %arg17[%get3A_179], %broadcast_in_dim3A_1 {add = true} : memref<10112xf32, #tpu.memory_space<vmem>>[vector<16xi32>], vector<16xf32>,
      %get3A_180 = arith.constant 0 : i32
      %get3A_181 = arith.index_cast %get3A_180 : i32 to index
      %get3A_182 = arith.constant 96 : index
      %get3A_183 = tpu.vector_load %arg12[%get3A_181, %get3A_182] {strides = array<i32>} : memref<4x128xi32, #tpu.memory_space<vmem>>, vector<16xi32>,
      tpu.vector_store_idx %arg17[%get3A_183], %broadcast_in_dim3A_1 {add = true} : memref<10112xf32, #tpu.memory_space<vmem>>[vector<16xi32>], vector<16xf32>,
      %get3A_184 = arith.constant 0 : i32
      %get3A_185 = arith.index_cast %get3A_184 : i32 to index
      %get3A_186 = arith.constant 112 : index
      %get3A_187 = tpu.vector_load %arg12[%get3A_185, %get3A_186] {strides = array<i32>} : memref<4x128xi32, #tpu.memory_space<vmem>>, vector<16xi32>,
      tpu.vector_store_idx %arg17[%get3A_187], %broadcast_in_dim3A_1 {add = true} : memref<10112xf32, #tpu.memory_space<vmem>>[vector<16xi32>], vector<16xf32>,
      %dma_wait3A_188 = arith.constant 0 : i32
      %dma_wait3A_189 = arith.constant 0 : i32
      %dma_wait3A_190 = tpu.memref_slice %arg12[%dma_wait3A_188, %dma_wait3A_189] : memref<4x128xi32, #tpu.memory_space<vmem>> -> memref<1x128xi32, #tpu.memory_space<vmem>>
      %dma_wait3A_191 = tpu.memref_squeeze %dma_wait3A_190 : memref<1x128xi32, #tpu.memory_space<vmem>> -> memref<128xi32, #tpu.memory_space<vmem>>
      %dma_wait3A_192 = arith.constant 0 : i32
      %dma_wait3A_193 = arith.constant 0 : i32
      %dma_wait3A_194 = tpu.memref_slice %arg18[%dma_wait3A_192, %dma_wait3A_193] : memref<10112x128xf32, #tpu.memory_space<vmem_shared>> -> memref<10112x128xf32, #tpu.memory_space<vmem_shared>>
      tpu.wait_indirect_dma semaphore(%arg21 : memref<!tpu.dma_semaphore, #tpu.memory_space<semaphore_mem>>) src(%arg15 : memref<128x128xf32, #tpu.memory_space<vmem>>) dst(%dma_wait3A_194 : memref<10112x128xf32, #tpu.memory_space<vmem_shared>>)
      %dma_start3A_195 = arith.constant 2 : i32
      %dma_start3A_196 = arith.constant 0 : i32
      %dma_start3A_197 = tpu.memref_slice %arg11[%dma_start3A_195, %dma_start3A_196] : memref<4x128xi32, #tpu.memory_space<vmem>> -> memref<1x128xi32, #tpu.memory_space<vmem>>
      %dma_start3A_198 = tpu.memref_squeeze %dma_start3A_197 : memref<1x128xi32, #tpu.memory_space<vmem>> -> memref<128xi32, #tpu.memory_space<vmem>>
      %dma_start3A_199 = arith.constant 0 : i32
      %dma_start3A_200 = arith.constant 0 : i32
      %dma_start3A_201 = tpu.memref_slice %arg2[%dma_start3A_199, %dma_start3A_200] : memref<10112x128xf32, #tpu.memory_space<hbm>> -> memref<10112x128xf32, #tpu.memory_space<hbm>>
      tpu.enqueue_indirect_dma source(%dma_start3A_201 : memref<10112x128xf32, #tpu.memory_space<hbm>>) target(%arg15 : memref<128x128xf32, #tpu.memory_space<vmem>>) offsets(%dma_start3A_198 : memref<128xi32, #tpu.memory_space<vmem>>) semaphore(%arg19 : memref<!tpu.dma_semaphore, #tpu.memory_space<semaphore_mem>>)
      %dma_wait3A_202 = arith.constant 1 : i32
      %dma_wait3A_203 = arith.constant 0 : i32
      %dma_wait3A_204 = tpu.memref_slice %arg11[%dma_wait3A_202, %dma_wait3A_203] : memref<4x128xi32, #tpu.memory_space<vmem>> -> memref<1x128xi32, #tpu.memory_space<vmem>>
      %dma_wait3A_205 = tpu.memref_squeeze %dma_wait3A_204 : memref<1x128xi32, #tpu.memory_space<vmem>> -> memref<128xi32, #tpu.memory_space<vmem>>
      %dma_wait3A_206 = arith.constant 0 : i32
      %dma_wait3A_207 = arith.constant 0 : i32
      %dma_wait3A_208 = tpu.memref_slice %arg2[%dma_wait3A_206, %dma_wait3A_207] : memref<10112x128xf32, #tpu.memory_space<hbm>> -> memref<10112x128xf32, #tpu.memory_space<hbm>>
      tpu.wait_indirect_dma semaphore(%arg20 : memref<!tpu.dma_semaphore, #tpu.memory_space<semaphore_mem>>) src(%dma_wait3A_208 : memref<10112x128xf32, #tpu.memory_space<hbm>>) dst(%arg16 : memref<128x128xf32, #tpu.memory_space<vmem>>)
      %dma_start3A_209 = arith.constant 1 : i32
      %dma_start3A_210 = arith.constant 0 : i32
      %dma_start3A_211 = tpu.memref_slice %arg12[%dma_start3A_209, %dma_start3A_210] : memref<4x128xi32, #tpu.memory_space<vmem>> -> memref<1x128xi32, #tpu.memory_space<vmem>>
      %dma_start3A_212 = tpu.memref_squeeze %dma_start3A_211 : memref<1x128xi32, #tpu.memory_space<vmem>> -> memref<128xi32, #tpu.memory_space<vmem>>
      %dma_start3A_213 = arith.constant 0 : i32
      %dma_start3A_214 = arith.constant 0 : i32
      %dma_start3A_215 = tpu.memref_slice %arg18[%dma_start3A_213, %dma_start3A_214] : memref<10112x128xf32, #tpu.memory_space<vmem_shared>> -> memref<10112x128xf32, #tpu.memory_space<vmem_shared>>
      tpu.enqueue_indirect_dma source(%arg16 : memref<128x128xf32, #tpu.memory_space<vmem>>) target(%dma_start3A_215 : memref<10112x128xf32, #tpu.memory_space<vmem_shared>>) offsets(%dma_start3A_212 : memref<128xi32, #tpu.memory_space<vmem>>) semaphore(%arg22 : memref<!tpu.dma_semaphore, #tpu.memory_space<semaphore_mem>>) {add = true}
      %get3A_216 = arith.constant 1 : i32
      %get3A_217 = arith.index_cast %get3A_216 : i32 to index
      %get3A_218 = arith.constant 0 : index
      %get3A_219 = tpu.vector_load %arg12[%get3A_217, %get3A_218] {strides = array<i32>} : memref<4x128xi32, #tpu.memory_space<vmem>>, vector<16xi32>,
      tpu.vector_store_idx %arg17[%get3A_219], %broadcast_in_dim3A_1 {add = true} : memref<10112xf32, #tpu.memory_space<vmem>>[vector<16xi32>], vector<16xf32>,
      %get3A_220 = arith.constant 1 : i32
      %get3A_221 = arith.index_cast %get3A_220 : i32 to index
      %get3A_222 = arith.constant 16 : index
      %get3A_223 = tpu.vector_load %arg12[%get3A_221, %get3A_222] {strides = array<i32>} : memref<4x128xi32, #tpu.memory_space<vmem>>, vector<16xi32>,
      tpu.vector_store_idx %arg17[%get3A_223], %broadcast_in_dim3A_1 {add = true} : memref<10112xf32, #tpu.memory_space<vmem>>[vector<16xi32>], vector<16xf32>,
      %get3A_224 = arith.constant 1 : i32
      %get3A_225 = arith.index_cast %get3A_224 : i32 to index
      %get3A_226 = arith.constant 32 : index
      %get3A_227 = tpu.vector_load %arg12[%get3A_225, %get3A_226] {strides = array<i32>} : memref<4x128xi32, #tpu.memory_space<vmem>>, vector<16xi32>,
      tpu.vector_store_idx %arg17[%get3A_227], %broadcast_in_dim3A_1 {add = true} : memref<10112xf32, #tpu.memory_space<vmem>>[vector<16xi32>], vector<16xf32>,
      %get3A_228 = arith.constant 1 : i32
      %get3A_229 = arith.index_cast %get3A_228 : i32 to index
      %get3A_230 = arith.constant 48 : index
      %get3A_231 = tpu.vector_load %arg12[%get3A_229, %get3A_230] {strides = array<i32>} : memref<4x128xi32, #tpu.memory_space<vmem>>, vector<16xi32>,
      tpu.vector_store_idx %arg17[%get3A_231], %broadcast_in_dim3A_1 {add = true} : memref<10112xf32, #tpu.memory_space<vmem>>[vector<16xi32>], vector<16xf32>,
      %get3A_232 = arith.constant 1 : i32
      %get3A_233 = arith.index_cast %get3A_232 : i32 to index
      %get3A_234 = arith.constant 64 : index
      %get3A_235 = tpu.vector_load %arg12[%get3A_233, %get3A_234] {strides = array<i32>} : memref<4x128xi32, #tpu.memory_space<vmem>>, vector<16xi32>,
      tpu.vector_store_idx %arg17[%get3A_235], %broadcast_in_dim3A_1 {add = true} : memref<10112xf32, #tpu.memory_space<vmem>>[vector<16xi32>], vector<16xf32>,
      %get3A_236 = arith.constant 1 : i32
      %get3A_237 = arith.index_cast %get3A_236 : i32 to index
      %get3A_238 = arith.constant 80 : index
      %get3A_239 = tpu.vector_load %arg12[%get3A_237, %get3A_238] {strides = array<i32>} : memref<4x128xi32, #tpu.memory_space<vmem>>, vector<16xi32>,
      tpu.vector_store_idx %arg17[%get3A_239], %broadcast_in_dim3A_1 {add = true} : memref<10112xf32, #tpu.memory_space<vmem>>[vector<16xi32>], vector<16xf32>,
      %get3A_240 = arith.constant 1 : i32
      %get3A_241 = arith.index_cast %get3A_240 : i32 to index
      %get3A_242 = arith.constant 96 : index
      %get3A_243 = tpu.vector_load %arg12[%get3A_241, %get3A_242] {strides = array<i32>} : memref<4x128xi32, #tpu.memory_space<vmem>>, vector<16xi32>,
      tpu.vector_store_idx %arg17[%get3A_243], %broadcast_in_dim3A_1 {add = true} : memref<10112xf32, #tpu.memory_space<vmem>>[vector<16xi32>], vector<16xf32>,
      %get3A_244 = arith.constant 1 : i32
      %get3A_245 = arith.index_cast %get3A_244 : i32 to index
      %get3A_246 = arith.constant 112 : index
      %get3A_247 = tpu.vector_load %arg12[%get3A_245, %get3A_246] {strides = array<i32>} : memref<4x128xi32, #tpu.memory_space<vmem>>, vector<16xi32>,
      tpu.vector_store_idx %arg17[%get3A_247], %broadcast_in_dim3A_1 {add = true} : memref<10112xf32, #tpu.memory_space<vmem>>[vector<16xi32>], vector<16xf32>,
      %dma_wait3A_248 = arith.constant 1 : i32
      %dma_wait3A_249 = arith.constant 0 : i32
      %dma_wait3A_250 = tpu.memref_slice %arg12[%dma_wait3A_248, %dma_wait3A_249] : memref<4x128xi32, #tpu.memory_space<vmem>> -> memref<1x128xi32, #tpu.memory_space<vmem>>
      %dma_wait3A_251 = tpu.memref_squeeze %dma_wait3A_250 : memref<1x128xi32, #tpu.memory_space<vmem>> -> memref<128xi32, #tpu.memory_space<vmem>>
      %dma_wait3A_252 = arith.constant 0 : i32
      %dma_wait3A_253 = arith.constant 0 : i32
      %dma_wait3A_254 = tpu.memref_slice %arg18[%dma_wait3A_252, %dma_wait3A_253] : memref<10112x128xf32, #tpu.memory_space<vmem_shared>> -> memref<10112x128xf32, #tpu.memory_space<vmem_shared>>
      tpu.wait_indirect_dma semaphore(%arg22 : memref<!tpu.dma_semaphore, #tpu.memory_space<semaphore_mem>>) src(%arg16 : memref<128x128xf32, #tpu.memory_space<vmem>>) dst(%dma_wait3A_254 : memref<10112x128xf32, #tpu.memory_space<vmem_shared>>)
      %dma_start3A_255 = arith.constant 3 : i32
      %dma_start3A_256 = arith.constant 0 : i32
      %dma_start3A_257 = tpu.memref_slice %arg11[%dma_start3A_255, %dma_start3A_256] : memref<4x128xi32, #tpu.memory_space<vmem>> -> memref<1x128xi32, #tpu.memory_space<vmem>>
      %dma_start3A_258 = tpu.memref_squeeze %dma_start3A_257 : memref<1x128xi32, #tpu.memory_space<vmem>> -> memref<128xi32, #tpu.memory_space<vmem>>
      %dma_start3A_259 = arith.constant 0 : i32
      %dma_start3A_260 = arith.constant 0 : i32
      %dma_start3A_261 = tpu.memref_slice %arg2[%dma_start3A_259, %dma_start3A_260] : memref<10112x128xf32, #tpu.memory_space<hbm>> -> memref<10112x128xf32, #tpu.memory_space<hbm>>
      tpu.enqueue_indirect_dma source(%dma_start3A_261 : memref<10112x128xf32, #tpu.memory_space<hbm>>) target(%arg16 : memref<128x128xf32, #tpu.memory_space<vmem>>) offsets(%dma_start3A_258 : memref<128xi32, #tpu.memory_space<vmem>>) semaphore(%arg20 : memref<!tpu.dma_semaphore, #tpu.memory_space<semaphore_mem>>)
      %dma_wait3A_262 = arith.constant 2 : i32
      %dma_wait3A_263 = arith.constant 0 : i32
      %dma_wait3A_264 = tpu.memref_slice %arg11[%dma_wait3A_262, %dma_wait3A_263] : memref<4x128xi32, #tpu.memory_space<vmem>> -> memref<1x128xi32, #tpu.memory_space<vmem>>
      %dma_wait3A_265 = tpu.memref_squeeze %dma_wait3A_264 : memref<1x128xi32, #tpu.memory_space<vmem>> -> memref<128xi32, #tpu.memory_space<vmem>>
      %dma_wait3A_266 = arith.constant 0 : i32
      %dma_wait3A_267 = arith.constant 0 : i32
      %dma_wait3A_268 = tpu.memref_slice %arg2[%dma_wait3A_266, %dma_wait3A_267] : memref<10112x128xf32, #tpu.memory_space<hbm>> -> memref<10112x128xf32, #tpu.memory_space<hbm>>
      tpu.wait_indirect_dma semaphore(%arg19 : memref<!tpu.dma_semaphore, #tpu.memory_space<semaphore_mem>>) src(%dma_wait3A_268 : memref<10112x128xf32, #tpu.memory_space<hbm>>) dst(%arg15 : memref<128x128xf32, #tpu.memory_space<vmem>>)
      %dma_start3A_269 = arith.constant 2 : i32
      %dma_start3A_270 = arith.constant 0 : i32
      %dma_start3A_271 = tpu.memref_slice %arg12[%dma_start3A_269, %dma_start3A_270] : memref<4x128xi32, #tpu.memory_space<vmem>> -> memref<1x128xi32, #tpu.memory_space<vmem>>
      %dma_start3A_272 = tpu.memref_squeeze %dma_start3A_271 : memref<1x128xi32, #tpu.memory_space<vmem>> -> memref<128xi32, #tpu.memory_space<vmem>>
      %dma_start3A_273 = arith.constant 0 : i32
      %dma_start3A_274 = arith.constant 0 : i32
      %dma_start3A_275 = tpu.memref_slice %arg18[%dma_start3A_273, %dma_start3A_274] : memref<10112x128xf32, #tpu.memory_space<vmem_shared>> -> memref<10112x128xf32, #tpu.memory_space<vmem_shared>>
      tpu.enqueue_indirect_dma source(%arg15 : memref<128x128xf32, #tpu.memory_space<vmem>>) target(%dma_start3A_275 : memref<10112x128xf32, #tpu.memory_space<vmem_shared>>) offsets(%dma_start3A_272 : memref<128xi32, #tpu.memory_space<vmem>>) semaphore(%arg21 : memref<!tpu.dma_semaphore, #tpu.memory_space<semaphore_mem>>) {add = true}
      %get3A_276 = arith.constant 2 : i32
      %get3A_277 = arith.index_cast %get3A_276 : i32 to index
      %get3A_278 = arith.constant 0 : index
      %get3A_279 = tpu.vector_load %arg12[%get3A_277, %get3A_278] {strides = array<i32>} : memref<4x128xi32, #tpu.memory_space<vmem>>, vector<16xi32>,
      tpu.vector_store_idx %arg17[%get3A_279], %broadcast_in_dim3A_1 {add = true} : memref<10112xf32, #tpu.memory_space<vmem>>[vector<16xi32>], vector<16xf32>,
      %get3A_280 = arith.constant 2 : i32
      %get3A_281 = arith.index_cast %get3A_280 : i32 to index
      %get3A_282 = arith.constant 16 : index
      %get3A_283 = tpu.vector_load %arg12[%get3A_281, %get3A_282] {strides = array<i32>} : memref<4x128xi32, #tpu.memory_space<vmem>>, vector<16xi32>,
      tpu.vector_store_idx %arg17[%get3A_283], %broadcast_in_dim3A_1 {add = true} : memref<10112xf32, #tpu.memory_space<vmem>>[vector<16xi32>], vector<16xf32>,
      %get3A_284 = arith.constant 2 : i32
      %get3A_285 = arith.index_cast %get3A_284 : i32 to index
      %get3A_286 = arith.constant 32 : index
      %get3A_287 = tpu.vector_load %arg12[%get3A_285, %get3A_286] {strides = array<i32>} : memref<4x128xi32, #tpu.memory_space<vmem>>, vector<16xi32>,
      tpu.vector_store_idx %arg17[%get3A_287], %broadcast_in_dim3A_1 {add = true} : memref<10112xf32, #tpu.memory_space<vmem>>[vector<16xi32>], vector<16xf32>,
      %get3A_288 = arith.constant 2 : i32
      %get3A_289 = arith.index_cast %get3A_288 : i32 to index
      %get3A_290 = arith.constant 48 : index
      %get3A_291 = tpu.vector_load %arg12[%get3A_289, %get3A_290] {strides = array<i32>} : memref<4x128xi32, #tpu.memory_space<vmem>>, vector<16xi32>,
      tpu.vector_store_idx %arg17[%get3A_291], %broadcast_in_dim3A_1 {add = true} : memref<10112xf32, #tpu.memory_space<vmem>>[vector<16xi32>], vector<16xf32>,
      %get3A_292 = arith.constant 2 : i32
      %get3A_293 = arith.index_cast %get3A_292 : i32 to index
      %get3A_294 = arith.constant 64 : index
      %get3A_295 = tpu.vector_load %arg12[%get3A_293, %get3A_294] {strides = array<i32>} : memref<4x128xi32, #tpu.memory_space<vmem>>, vector<16xi32>,
      tpu.vector_store_idx %arg17[%get3A_295], %broadcast_in_dim3A_1 {add = true} : memref<10112xf32, #tpu.memory_space<vmem>>[vector<16xi32>], vector<16xf32>,
      %get3A_296 = arith.constant 2 : i32
      %get3A_297 = arith.index_cast %get3A_296 : i32 to index
      %get3A_298 = arith.constant 80 : index
      %get3A_299 = tpu.vector_load %arg12[%get3A_297, %get3A_298] {strides = array<i32>} : memref<4x128xi32, #tpu.memory_space<vmem>>, vector<16xi32>,
      tpu.vector_store_idx %arg17[%get3A_299], %broadcast_in_dim3A_1 {add = true} : memref<10112xf32, #tpu.memory_space<vmem>>[vector<16xi32>], vector<16xf32>,
      %get3A_300 = arith.constant 2 : i32
      %get3A_301 = arith.index_cast %get3A_300 : i32 to index
      %get3A_302 = arith.constant 96 : index
      %get3A_303 = tpu.vector_load %arg12[%get3A_301, %get3A_302] {strides = array<i32>} : memref<4x128xi32, #tpu.memory_space<vmem>>, vector<16xi32>,
      tpu.vector_store_idx %arg17[%get3A_303], %broadcast_in_dim3A_1 {add = true} : memref<10112xf32, #tpu.memory_space<vmem>>[vector<16xi32>], vector<16xf32>,
      %get3A_304 = arith.constant 2 : i32
      %get3A_305 = arith.index_cast %get3A_304 : i32 to index
      %get3A_306 = arith.constant 112 : index
      %get3A_307 = tpu.vector_load %arg12[%get3A_305, %get3A_306] {strides = array<i32>} : memref<4x128xi32, #tpu.memory_space<vmem>>, vector<16xi32>,
      tpu.vector_store_idx %arg17[%get3A_307], %broadcast_in_dim3A_1 {add = true} : memref<10112xf32, #tpu.memory_space<vmem>>[vector<16xi32>], vector<16xf32>,
      %dma_wait3A_308 = arith.constant 0 : i32
      %dma_wait3A_309 = arith.constant 0 : i32
      %dma_wait3A_310 = tpu.memref_slice %arg3[%dma_wait3A_308, %dma_wait3A_309] : memref<2560x128xi32, #tpu.memory_space<hbm>> -> memref<4x128xi32, #tpu.memory_space<hbm>>
      %dma_wait3A_311 = arith.constant 0 : i32
      %dma_wait3A_312 = arith.constant 0 : i32
      %dma_wait3A_313 = tpu.memref_slice %arg3[%dma_wait3A_311, %dma_wait3A_312] : memref<2560x128xi32, #tpu.memory_space<hbm>> -> memref<4x128xi32, #tpu.memory_space<hbm>>
      tpu.wait_dma2 semaphore(%arg24 : memref<!tpu.dma_semaphore, #tpu.memory_space<semaphore_mem>>) src(%dma_wait3A_313 : memref<4x128xi32, #tpu.memory_space<hbm>>) dst(%arg13 : memref<4x128xi32, #tpu.memory_space<vmem>>)
      %dma_wait3A_314 = arith.constant 0 : i32
      %dma_wait3A_315 = arith.constant 0 : i32
      %dma_wait3A_316 = tpu.memref_slice %arg4[%dma_wait3A_314, %dma_wait3A_315] : memref<2560x128xi32, #tpu.memory_space<hbm>> -> memref<4x128xi32, #tpu.memory_space<hbm>>
      %dma_wait3A_317 = arith.constant 0 : i32
      %dma_wait3A_318 = arith.constant 0 : i32
      %dma_wait3A_319 = tpu.memref_slice %arg4[%dma_wait3A_317, %dma_wait3A_318] : memref<2560x128xi32, #tpu.memory_space<hbm>> -> memref<4x128xi32, #tpu.memory_space<hbm>>
      tpu.wait_dma2 semaphore(%arg24 : memref<!tpu.dma_semaphore, #tpu.memory_space<semaphore_mem>>) src(%dma_wait3A_319 : memref<4x128xi32, #tpu.memory_space<hbm>>) dst(%arg14 : memref<4x128xi32, #tpu.memory_space<vmem>>)
      %dma_wait3A_320 = arith.constant 2 : i32
      %dma_wait3A_321 = arith.constant 0 : i32
      %dma_wait3A_322 = tpu.memref_slice %arg12[%dma_wait3A_320, %dma_wait3A_321] : memref<4x128xi32, #tpu.memory_space<vmem>> -> memref<1x128xi32, #tpu.memory_space<vmem>>
      %dma_wait3A_323 = tpu.memref_squeeze %dma_wait3A_322 : memref<1x128xi32, #tpu.memory_space<vmem>> -> memref<128xi32, #tpu.memory_space<vmem>>
      %dma_wait3A_324 = arith.constant 0 : i32
      %dma_wait3A_325 = arith.constant 0 : i32
      %dma_wait3A_326 = tpu.memref_slice %arg18[%dma_wait3A_324, %dma_wait3A_325] : memref<10112x128xf32, #tpu.memory_space<vmem_shared>> -> memref<10112x128xf32, #tpu.memory_space<vmem_shared>>
      tpu.wait_indirect_dma semaphore(%arg21 : memref<!tpu.dma_semaphore, #tpu.memory_space<semaphore_mem>>) src(%arg15 : memref<128x128xf32, #tpu.memory_space<vmem>>) dst(%dma_wait3A_326 : memref<10112x128xf32, #tpu.memory_space<vmem_shared>>)
      %dma_start3A_327 = arith.constant 0 : i32
      %dma_start3A_328 = arith.constant 0 : i32
      %dma_start3A_329 = tpu.memref_slice %arg13[%dma_start3A_327, %dma_start3A_328] : memref<4x128xi32, #tpu.memory_space<vmem>> -> memref<1x128xi32, #tpu.memory_space<vmem>>
      %dma_start3A_330 = tpu.memref_squeeze %dma_start3A_329 : memref<1x128xi32, #tpu.memory_space<vmem>> -> memref<128xi32, #tpu.memory_space<vmem>>
      %dma_start3A_331 = arith.constant 0 : i32
      %dma_start3A_332 = arith.constant 0 : i32
      %dma_start3A_333 = tpu.memref_slice %arg2[%dma_start3A_331, %dma_start3A_332] : memref<10112x128xf32, #tpu.memory_space<hbm>> -> memref<10112x128xf32, #tpu.memory_space<hbm>>
      tpu.enqueue_indirect_dma source(%dma_start3A_333 : memref<10112x128xf32, #tpu.memory_space<hbm>>) target(%arg15 : memref<128x128xf32, #tpu.memory_space<vmem>>) offsets(%dma_start3A_330 : memref<128xi32, #tpu.memory_space<vmem>>) semaphore(%arg19 : memref<!tpu.dma_semaphore, #tpu.memory_space<semaphore_mem>>)
      %dma_wait3A_334 = arith.constant 3 : i32
      %dma_wait3A_335 = arith.constant 0 : i32
      %dma_wait3A_336 = tpu.memref_slice %arg11[%dma_wait3A_334, %dma_wait3A_335] : memref<4x128xi32, #tpu.memory_space<vmem>> -> memref<1x128xi32, #tpu.memory_space<vmem>>
      %dma_wait3A_337 = tpu.memref_squeeze %dma_wait3A_336 : memref<1x128xi32, #tpu.memory_space<vmem>> -> memref<128xi32, #tpu.memory_space<vmem>>
      %dma_wait3A_338 = arith.constant 0 : i32
      %dma_wait3A_339 = arith.constant 0 : i32
      %dma_wait3A_340 = tpu.memref_slice %arg2[%dma_wait3A_338, %dma_wait3A_339] : memref<10112x128xf32, #tpu.memory_space<hbm>> -> memref<10112x128xf32, #tpu.memory_space<hbm>>
      tpu.wait_indirect_dma semaphore(%arg20 : memref<!tpu.dma_semaphore, #tpu.memory_space<semaphore_mem>>) src(%dma_wait3A_340 : memref<10112x128xf32, #tpu.memory_space<hbm>>) dst(%arg16 : memref<128x128xf32, #tpu.memory_space<vmem>>)
      %dma_start3A_341 = arith.constant 3 : i32
      %dma_start3A_342 = arith.constant 0 : i32
      %dma_start3A_343 = tpu.memref_slice %arg12[%dma_start3A_341, %dma_start3A_342] : memref<4x128xi32, #tpu.memory_space<vmem>> -> memref<1x128xi32, #tpu.memory_space<vmem>>
      %dma_start3A_344 = tpu.memref_squeeze %dma_start3A_343 : memref<1x128xi32, #tpu.memory_space<vmem>> -> memref<128xi32, #tpu.memory_space<vmem>>
      %dma_start3A_345 = arith.constant 0 : i32
      %dma_start3A_346 = arith.constant 0 : i32
      %dma_start3A_347 = tpu.memref_slice %arg18[%dma_start3A_345, %dma_start3A_346] : memref<10112x128xf32, #tpu.memory_space<vmem_shared>> -> memref<10112x128xf32, #tpu.memory_space<vmem_shared>>
      tpu.enqueue_indirect_dma source(%arg16 : memref<128x128xf32, #tpu.memory_space<vmem>>) target(%dma_start3A_347 : memref<10112x128xf32, #tpu.memory_space<vmem_shared>>) offsets(%dma_start3A_344 : memref<128xi32, #tpu.memory_space<vmem>>) semaphore(%arg22 : memref<!tpu.dma_semaphore, #tpu.memory_space<semaphore_mem>>) {add = true}
      %get3A_348 = arith.constant 3 : i32
      %get3A_349 = arith.index_cast %get3A_348 : i32 to index
      %get3A_350 = arith.constant 0 : index
      %get3A_351 = tpu.vector_load %arg12[%get3A_349, %get3A_350] {strides = array<i32>} : memref<4x128xi32, #tpu.memory_space<vmem>>, vector<16xi32>,
      tpu.vector_store_idx %arg17[%get3A_351], %broadcast_in_dim3A_1 {add = true} : memref<10112xf32, #tpu.memory_space<vmem>>[vector<16xi32>], vector<16xf32>,
      %get3A_352 = arith.constant 3 : i32
      %get3A_353 = arith.index_cast %get3A_352 : i32 to index
      %get3A_354 = arith.constant 16 : index
      %get3A_355 = tpu.vector_load %arg12[%get3A_353, %get3A_354] {strides = array<i32>} : memref<4x128xi32, #tpu.memory_space<vmem>>, vector<16xi32>,
      tpu.vector_store_idx %arg17[%get3A_355], %broadcast_in_dim3A_1 {add = true} : memref<10112xf32, #tpu.memory_space<vmem>>[vector<16xi32>], vector<16xf32>,
      %get3A_356 = arith.constant 3 : i32
      %get3A_357 = arith.index_cast %get3A_356 : i32 to index
      %get3A_358 = arith.constant 32 : index
      %get3A_359 = tpu.vector_load %arg12[%get3A_357, %get3A_358] {strides = array<i32>} : memref<4x128xi32, #tpu.memory_space<vmem>>, vector<16xi32>,
      tpu.vector_store_idx %arg17[%get3A_359], %broadcast_in_dim3A_1 {add = true} : memref<10112xf32, #tpu.memory_space<vmem>>[vector<16xi32>], vector<16xf32>,
      %get3A_360 = arith.constant 3 : i32
      %get3A_361 = arith.index_cast %get3A_360 : i32 to index
      %get3A_362 = arith.constant 48 : index
      %get3A_363 = tpu.vector_load %arg12[%get3A_361, %get3A_362] {strides = array<i32>} : memref<4x128xi32, #tpu.memory_space<vmem>>, vector<16xi32>,
      tpu.vector_store_idx %arg17[%get3A_363], %broadcast_in_dim3A_1 {add = true} : memref<10112xf32, #tpu.memory_space<vmem>>[vector<16xi32>], vector<16xf32>,
      %get3A_364 = arith.constant 3 : i32
      %get3A_365 = arith.index_cast %get3A_364 : i32 to index
      %get3A_366 = arith.constant 64 : index
      %get3A_367 = tpu.vector_load %arg12[%get3A_365, %get3A_366] {strides = array<i32>} : memref<4x128xi32, #tpu.memory_space<vmem>>, vector<16xi32>,
      tpu.vector_store_idx %arg17[%get3A_367], %broadcast_in_dim3A_1 {add = true} : memref<10112xf32, #tpu.memory_space<vmem>>[vector<16xi32>], vector<16xf32>,
      %get3A_368 = arith.constant 3 : i32
      %get3A_369 = arith.index_cast %get3A_368 : i32 to index
      %get3A_370 = arith.constant 80 : index
      %get3A_371 = tpu.vector_load %arg12[%get3A_369, %get3A_370] {strides = array<i32>} : memref<4x128xi32, #tpu.memory_space<vmem>>, vector<16xi32>,
      tpu.vector_store_idx %arg17[%get3A_371], %broadcast_in_dim3A_1 {add = true} : memref<10112xf32, #tpu.memory_space<vmem>>[vector<16xi32>], vector<16xf32>,
      %get3A_372 = arith.constant 3 : i32
      %get3A_373 = arith.index_cast %get3A_372 : i32 to index
      %get3A_374 = arith.constant 96 : index
      %get3A_375 = tpu.vector_load %arg12[%get3A_373, %get3A_374] {strides = array<i32>} : memref<4x128xi32, #tpu.memory_space<vmem>>, vector<16xi32>,
      tpu.vector_store_idx %arg17[%get3A_375], %broadcast_in_dim3A_1 {add = true} : memref<10112xf32, #tpu.memory_space<vmem>>[vector<16xi32>], vector<16xf32>,
      %get3A_376 = arith.constant 3 : i32
      %get3A_377 = arith.index_cast %get3A_376 : i32 to index
      %get3A_378 = arith.constant 112 : index
      %get3A_379 = tpu.vector_load %arg12[%get3A_377, %get3A_378] {strides = array<i32>} : memref<4x128xi32, #tpu.memory_space<vmem>>, vector<16xi32>,
      tpu.vector_store_idx %arg17[%get3A_379], %broadcast_in_dim3A_1 {add = true} : memref<10112xf32, #tpu.memory_space<vmem>>[vector<16xi32>], vector<16xf32>,
      %dma_wait3A_380 = arith.constant 3 : i32
      %dma_wait3A_381 = arith.constant 0 : i32
      %dma_wait3A_382 = tpu.memref_slice %arg12[%dma_wait3A_380, %dma_wait3A_381] : memref<4x128xi32, #tpu.memory_space<vmem>> -> memref<1x128xi32, #tpu.memory_space<vmem>>
      %dma_wait3A_383 = tpu.memref_squeeze %dma_wait3A_382 : memref<1x128xi32, #tpu.memory_space<vmem>> -> memref<128xi32, #tpu.memory_space<vmem>>
      %dma_wait3A_384 = arith.constant 0 : i32
      %dma_wait3A_385 = arith.constant 0 : i32
      %dma_wait3A_386 = tpu.memref_slice %arg18[%dma_wait3A_384, %dma_wait3A_385] : memref<10112x128xf32, #tpu.memory_space<vmem_shared>> -> memref<10112x128xf32, #tpu.memory_space<vmem_shared>>
      tpu.wait_indirect_dma semaphore(%arg22 : memref<!tpu.dma_semaphore, #tpu.memory_space<semaphore_mem>>) src(%arg16 : memref<128x128xf32, #tpu.memory_space<vmem>>) dst(%dma_wait3A_386 : memref<10112x128xf32, #tpu.memory_space<vmem_shared>>)
      %dma_start3A_387 = arith.constant 1 : i32
      %dma_start3A_388 = arith.constant 0 : i32
      %dma_start3A_389 = tpu.memref_slice %arg13[%dma_start3A_387, %dma_start3A_388] : memref<4x128xi32, #tpu.memory_space<vmem>> -> memref<1x128xi32, #tpu.memory_space<vmem>>
      %dma_start3A_390 = tpu.memref_squeeze %dma_start3A_389 : memref<1x128xi32, #tpu.memory_space<vmem>> -> memref<128xi32, #tpu.memory_space<vmem>>
      %dma_start3A_391 = arith.constant 0 : i32
      %dma_start3A_392 = arith.constant 0 : i32
      %dma_start3A_393 = tpu.memref_slice %arg2[%dma_start3A_391, %dma_start3A_392] : memref<10112x128xf32, #tpu.memory_space<hbm>> -> memref<10112x128xf32, #tpu.memory_space<hbm>>
      tpu.enqueue_indirect_dma source(%dma_start3A_393 : memref<10112x128xf32, #tpu.memory_space<hbm>>) target(%arg16 : memref<128x128xf32, #tpu.memory_space<vmem>>) offsets(%dma_start3A_390 : memref<128xi32, #tpu.memory_space<vmem>>) semaphore(%arg20 : memref<!tpu.dma_semaphore, #tpu.memory_space<semaphore_mem>>)
      %dma_wait3A_394 = arith.constant 0 : i32
      %dma_wait3A_395 = arith.constant 0 : i32
      %dma_wait3A_396 = tpu.memref_slice %arg13[%dma_wait3A_394, %dma_wait3A_395] : memref<4x128xi32, #tpu.memory_space<vmem>> -> memref<1x128xi32, #tpu.memory_space<vmem>>
      %dma_wait3A_397 = tpu.memref_squeeze %dma_wait3A_396 : memref<1x128xi32, #tpu.memory_space<vmem>> -> memref<128xi32, #tpu.memory_space<vmem>>
      %dma_wait3A_398 = arith.constant 0 : i32
      %dma_wait3A_399 = arith.constant 0 : i32
      %dma_wait3A_400 = tpu.memref_slice %arg2[%dma_wait3A_398, %dma_wait3A_399] : memref<10112x128xf32, #tpu.memory_space<hbm>> -> memref<10112x128xf32, #tpu.memory_space<hbm>>
      tpu.wait_indirect_dma semaphore(%arg19 : memref<!tpu.dma_semaphore, #tpu.memory_space<semaphore_mem>>) src(%dma_wait3A_400 : memref<10112x128xf32, #tpu.memory_space<hbm>>) dst(%arg15 : memref<128x128xf32, #tpu.memory_space<vmem>>)
      %dma_start3A_401 = arith.constant 0 : i32
      %dma_start3A_402 = arith.constant 0 : i32
      %dma_start3A_403 = tpu.memref_slice %arg14[%dma_start3A_401, %dma_start3A_402] : memref<4x128xi32, #tpu.memory_space<vmem>> -> memref<1x128xi32, #tpu.memory_space<vmem>>
      %dma_start3A_404 = tpu.memref_squeeze %dma_start3A_403 : memref<1x128xi32, #tpu.memory_space<vmem>> -> memref<128xi32, #tpu.memory_space<vmem>>
      %dma_start3A_405 = arith.constant 0 : i32
      %dma_start3A_406 = arith.constant 0 : i32
      %dma_start3A_407 = tpu.memref_slice %arg18[%dma_start3A_405, %dma_start3A_406] : memref<10112x128xf32, #tpu.memory_space<vmem_shared>> -> memref<10112x128xf32, #tpu.memory_space<vmem_shared>>
      tpu.enqueue_indirect_dma source(%arg15 : memref<128x128xf32, #tpu.memory_space<vmem>>) target(%dma_start3A_407 : memref<10112x128xf32, #tpu.memory_space<vmem_shared>>) offsets(%dma_start3A_404 : memref<128xi32, #tpu.memory_space<vmem>>) semaphore(%arg21 : memref<!tpu.dma_semaphore, #tpu.memory_space<semaphore_mem>>) {add = true}
      %get3A_408 = arith.constant 0 : i32
      %get3A_409 = arith.index_cast %get3A_408 : i32 to index
      %get3A_410 = arith.constant 0 : index
      %get3A_411 = tpu.vector_load %arg14[%get3A_409, %get3A_410] {strides = array<i32>} : memref<4x128xi32, #tpu.memory_space<vmem>>, vector<16xi32>,
      tpu.vector_store_idx %arg17[%get3A_411], %broadcast_in_dim3A_1 {add = true} : memref<10112xf32, #tpu.memory_space<vmem>>[vector<16xi32>], vector<16xf32>,
      %get3A_412 = arith.constant 0 : i32
      %get3A_413 = arith.index_cast %get3A_412 : i32 to index
      %get3A_414 = arith.constant 16 : index
      %get3A_415 = tpu.vector_load %arg14[%get3A_413, %get3A_414] {strides = array<i32>} : memref<4x128xi32, #tpu.memory_space<vmem>>, vector<16xi32>,
      tpu.vector_store_idx %arg17[%get3A_415], %broadcast_in_dim3A_1 {add = true} : memref<10112xf32, #tpu.memory_space<vmem>>[vector<16xi32>], vector<16xf32>,
      %get3A_416 = arith.constant 0 : i32
      %get3A_417 = arith.index_cast %get3A_416 : i32 to index
      %get3A_418 = arith.constant 32 : index
      %get3A_419 = tpu.vector_load %arg14[%get3A_417, %get3A_418] {strides = array<i32>} : memref<4x128xi32, #tpu.memory_space<vmem>>, vector<16xi32>,
      tpu.vector_store_idx %arg17[%get3A_419], %broadcast_in_dim3A_1 {add = true} : memref<10112xf32, #tpu.memory_space<vmem>>[vector<16xi32>], vector<16xf32>,
      %get3A_420 = arith.constant 0 : i32
      %get3A_421 = arith.index_cast %get3A_420 : i32 to index
      %get3A_422 = arith.constant 48 : index
      %get3A_423 = tpu.vector_load %arg14[%get3A_421, %get3A_422] {strides = array<i32>} : memref<4x128xi32, #tpu.memory_space<vmem>>, vector<16xi32>,
      tpu.vector_store_idx %arg17[%get3A_423], %broadcast_in_dim3A_1 {add = true} : memref<10112xf32, #tpu.memory_space<vmem>>[vector<16xi32>], vector<16xf32>,
      %get3A_424 = arith.constant 0 : i32
      %get3A_425 = arith.index_cast %get3A_424 : i32 to index
      %get3A_426 = arith.constant 64 : index
      %get3A_427 = tpu.vector_load %arg14[%get3A_425, %get3A_426] {strides = array<i32>} : memref<4x128xi32, #tpu.memory_space<vmem>>, vector<16xi32>,
      tpu.vector_store_idx %arg17[%get3A_427], %broadcast_in_dim3A_1 {add = true} : memref<10112xf32, #tpu.memory_space<vmem>>[vector<16xi32>], vector<16xf32>,
      %get3A_428 = arith.constant 0 : i32
      %get3A_429 = arith.index_cast %get3A_428 : i32 to index
      %get3A_430 = arith.constant 80 : index
      %get3A_431 = tpu.vector_load %arg14[%get3A_429, %get3A_430] {strides = array<i32>} : memref<4x128xi32, #tpu.memory_space<vmem>>, vector<16xi32>,
      tpu.vector_store_idx %arg17[%get3A_431], %broadcast_in_dim3A_1 {add = true} : memref<10112xf32, #tpu.memory_space<vmem>>[vector<16xi32>], vector<16xf32>,
      %get3A_432 = arith.constant 0 : i32
      %get3A_433 = arith.index_cast %get3A_432 : i32 to index
      %get3A_434 = arith.constant 96 : index
      %get3A_435 = tpu.vector_load %arg14[%get3A_433, %get3A_434] {strides = array<i32>} : memref<4x128xi32, #tpu.memory_space<vmem>>, vector<16xi32>,
      tpu.vector_store_idx %arg17[%get3A_435], %broadcast_in_dim3A_1 {add = true} : memref<10112xf32, #tpu.memory_space<vmem>>[vector<16xi32>], vector<16xf32>,
      %get3A_436 = arith.constant 0 : i32
      %get3A_437 = arith.index_cast %get3A_436 : i32 to index
      %get3A_438 = arith.constant 112 : index
      %get3A_439 = tpu.vector_load %arg14[%get3A_437, %get3A_438] {strides = array<i32>} : memref<4x128xi32, #tpu.memory_space<vmem>>, vector<16xi32>,
      tpu.vector_store_idx %arg17[%get3A_439], %broadcast_in_dim3A_1 {add = true} : memref<10112xf32, #tpu.memory_space<vmem>>[vector<16xi32>], vector<16xf32>,
      %add3A_440 = arith.constant 1 : i32
      %add3A_441 = arith.addi %scan3A_127, %add3A_440 : i32
      %lt3A = arith.constant 10 : i32
      %lt3A_442 = arith.cmpi slt, %add3A_441, %lt3A : i32
      %convert_element_type3A = arith.extui %lt3A_442 : i1 to i32
      %cond3A = arith.constant 0 : i32
      %cond3A_443 = arith.cmpi ne, %convert_element_type3A, %cond3A : i32
      scf.if %cond3A_443 {
        %mul3A_638 = arith.constant 80 : i32
        %mul3A_639 = arith.muli %add3A, %mul3A_638 : i32
        %mul3A_640 = arith.constant 4 : i32
        %mul3A_641 = arith.muli %add3A_131, %mul3A_640 : i32
        %add3A_642 = arith.addi %mul3A_639, %mul3A_641 : i32
        %dma_start3A_643 = arith.constant 0 : i32
        %dma_start3A_644 = tpu.memref_slice %arg3[%add3A_642, %dma_start3A_643] : memref<2560x128xi32, #tpu.memory_space<hbm>> -> memref<4x128xi32, #tpu.memory_space<hbm>>
        %dma_start3A_645 = arith.constant 0 : i32
        %dma_start3A_646 = tpu.memref_slice %arg3[%add3A_642, %dma_start3A_645] : memref<2560x128xi32, #tpu.memory_space<hbm>> -> memref<4x128xi32, #tpu.memory_space<hbm>>
        tpu.enqueue_dma source(%dma_start3A_646 : memref<4x128xi32, #tpu.memory_space<hbm>>) target(%arg11 : memref<4x128xi32, #tpu.memory_space<vmem>>) target_semaphore(%arg23 : memref<!tpu.dma_semaphore, #tpu.memory_space<semaphore_mem>>)
        %mul3A_647 = arith.constant 80 : i32
        %mul3A_648 = arith.muli %add3A, %mul3A_647 : i32
        %mul3A_649 = arith.constant 4 : i32
        %mul3A_650 = arith.muli %add3A_131, %mul3A_649 : i32
        %add3A_651 = arith.addi %mul3A_648, %mul3A_650 : i32
        %dma_start3A_652 = arith.constant 0 : i32
        %dma_start3A_653 = tpu.memref_slice %arg4[%add3A_651, %dma_start3A_652] : memref<2560x128xi32, #tpu.memory_space<hbm>> -> memref<4x128xi32, #tpu.memory_space<hbm>>
        %dma_start3A_654 = arith.constant 0 : i32
        %dma_start3A_655 = tpu.memref_slice %arg4[%add3A_651, %dma_start3A_654] : memref<2560x128xi32, #tpu.memory_space<hbm>> -> memref<4x128xi32, #tpu.memory_space<hbm>>
        tpu.enqueue_dma source(%dma_start3A_655 : memref<4x128xi32, #tpu.memory_space<hbm>>) target(%arg12 : memref<4x128xi32, #tpu.memory_space<vmem>>) target_semaphore(%arg23 : memref<!tpu.dma_semaphore, #tpu.memory_space<semaphore_mem>>)
      } else {
      }
      %dma_wait3A_444 = arith.constant 0 : i32
      %dma_wait3A_445 = arith.constant 0 : i32
      %dma_wait3A_446 = tpu.memref_slice %arg14[%dma_wait3A_444, %dma_wait3A_445] : memref<4x128xi32, #tpu.memory_space<vmem>> -> memref<1x128xi32, #tpu.memory_space<vmem>>
      %dma_wait3A_447 = tpu.memref_squeeze %dma_wait3A_446 : memref<1x128xi32, #tpu.memory_space<vmem>> -> memref<128xi32, #tpu.memory_space<vmem>>
      %dma_wait3A_448 = arith.constant 0 : i32
      %dma_wait3A_449 = arith.constant 0 : i32
      %dma_wait3A_450 = tpu.memref_slice %arg18[%dma_wait3A_448, %dma_wait3A_449] : memref<10112x128xf32, #tpu.memory_space<vmem_shared>> -> memref<10112x128xf32, #tpu.memory_space<vmem_shared>>
      tpu.wait_indirect_dma semaphore(%arg21 : memref<!tpu.dma_semaphore, #tpu.memory_space<semaphore_mem>>) src(%arg15 : memref<128x128xf32, #tpu.memory_space<vmem>>) dst(%dma_wait3A_450 : memref<10112x128xf32, #tpu.memory_space<vmem_shared>>)
      %dma_start3A_451 = arith.constant 2 : i32
      %dma_start3A_452 = arith.constant 0 : i32
      %dma_start3A_453 = tpu.memref_slice %arg13[%dma_start3A_451, %dma_start3A_452] : memref<4x128xi32, #tpu.memory_space<vmem>> -> memref<1x128xi32, #tpu.memory_space<vmem>>
      %dma_start3A_454 = tpu.memref_squeeze %dma_start3A_453 : memref<1x128xi32, #tpu.memory_space<vmem>> -> memref<128xi32, #tpu.memory_space<vmem>>
      %dma_start3A_455 = arith.constant 0 : i32
      %dma_start3A_456 = arith.constant 0 : i32
      %dma_start3A_457 = tpu.memref_slice %arg2[%dma_start3A_455, %dma_start3A_456] : memref<10112x128xf32, #tpu.memory_space<hbm>> -> memref<10112x128xf32, #tpu.memory_space<hbm>>
      tpu.enqueue_indirect_dma source(%dma_start3A_457 : memref<10112x128xf32, #tpu.memory_space<hbm>>) target(%arg15 : memref<128x128xf32, #tpu.memory_space<vmem>>) offsets(%dma_start3A_454 : memref<128xi32, #tpu.memory_space<vmem>>) semaphore(%arg19 : memref<!tpu.dma_semaphore, #tpu.memory_space<semaphore_mem>>)
      %dma_wait3A_458 = arith.constant 1 : i32
      %dma_wait3A_459 = arith.constant 0 : i32
      %dma_wait3A_460 = tpu.memref_slice %arg13[%dma_wait3A_458, %dma_wait3A_459] : memref<4x128xi32, #tpu.memory_space<vmem>> -> memref<1x128xi32, #tpu.memory_space<vmem>>
      %dma_wait3A_461 = tpu.memref_squeeze %dma_wait3A_460 : memref<1x128xi32, #tpu.memory_space<vmem>> -> memref<128xi32, #tpu.memory_space<vmem>>
      %dma_wait3A_462 = arith.constant 0 : i32
      %dma_wait3A_463 = arith.constant 0 : i32
      %dma_wait3A_464 = tpu.memref_slice %arg2[%dma_wait3A_462, %dma_wait3A_463] : memref<10112x128xf32, #tpu.memory_space<hbm>> -> memref<10112x128xf32, #tpu.memory_space<hbm>>
      tpu.wait_indirect_dma semaphore(%arg20 : memref<!tpu.dma_semaphore, #tpu.memory_space<semaphore_mem>>) src(%dma_wait3A_464 : memref<10112x128xf32, #tpu.memory_space<hbm>>) dst(%arg16 : memref<128x128xf32, #tpu.memory_space<vmem>>)
      %dma_start3A_465 = arith.constant 1 : i32
      %dma_start3A_466 = arith.constant 0 : i32
      %dma_start3A_467 = tpu.memref_slice %arg14[%dma_start3A_465, %dma_start3A_466] : memref<4x128xi32, #tpu.memory_space<vmem>> -> memref<1x128xi32, #tpu.memory_space<vmem>>
      %dma_start3A_468 = tpu.memref_squeeze %dma_start3A_467 : memref<1x128xi32, #tpu.memory_space<vmem>> -> memref<128xi32, #tpu.memory_space<vmem>>
      %dma_start3A_469 = arith.constant 0 : i32
      %dma_start3A_470 = arith.constant 0 : i32
      %dma_start3A_471 = tpu.memref_slice %arg18[%dma_start3A_469, %dma_start3A_470] : memref<10112x128xf32, #tpu.memory_space<vmem_shared>> -> memref<10112x128xf32, #tpu.memory_space<vmem_shared>>
      tpu.enqueue_indirect_dma source(%arg16 : memref<128x128xf32, #tpu.memory_space<vmem>>) target(%dma_start3A_471 : memref<10112x128xf32, #tpu.memory_space<vmem_shared>>) offsets(%dma_start3A_468 : memref<128xi32, #tpu.memory_space<vmem>>) semaphore(%arg22 : memref<!tpu.dma_semaphore, #tpu.memory_space<semaphore_mem>>) {add = true}
      %get3A_472 = arith.constant 1 : i32
      %get3A_473 = arith.index_cast %get3A_472 : i32 to index
      %get3A_474 = arith.constant 0 : index
      %get3A_475 = tpu.vector_load %arg14[%get3A_473, %get3A_474] {strides = array<i32>} : memref<4x128xi32, #tpu.memory_space<vmem>>, vector<16xi32>,
      tpu.vector_store_idx %arg17[%get3A_475], %broadcast_in_dim3A_1 {add = true} : memref<10112xf32, #tpu.memory_space<vmem>>[vector<16xi32>], vector<16xf32>,
      %get3A_476 = arith.constant 1 : i32
      %get3A_477 = arith.index_cast %get3A_476 : i32 to index
      %get3A_478 = arith.constant 16 : index
      %get3A_479 = tpu.vector_load %arg14[%get3A_477, %get3A_478] {strides = array<i32>} : memref<4x128xi32, #tpu.memory_space<vmem>>, vector<16xi32>,
      tpu.vector_store_idx %arg17[%get3A_479], %broadcast_in_dim3A_1 {add = true} : memref<10112xf32, #tpu.memory_space<vmem>>[vector<16xi32>], vector<16xf32>,
      %get3A_480 = arith.constant 1 : i32
      %get3A_481 = arith.index_cast %get3A_480 : i32 to index
      %get3A_482 = arith.constant 32 : index
      %get3A_483 = tpu.vector_load %arg14[%get3A_481, %get3A_482] {strides = array<i32>} : memref<4x128xi32, #tpu.memory_space<vmem>>, vector<16xi32>,
      tpu.vector_store_idx %arg17[%get3A_483], %broadcast_in_dim3A_1 {add = true} : memref<10112xf32, #tpu.memory_space<vmem>>[vector<16xi32>], vector<16xf32>,
      %get3A_484 = arith.constant 1 : i32
      %get3A_485 = arith.index_cast %get3A_484 : i32 to index
      %get3A_486 = arith.constant 48 : index
      %get3A_487 = tpu.vector_load %arg14[%get3A_485, %get3A_486] {strides = array<i32>} : memref<4x128xi32, #tpu.memory_space<vmem>>, vector<16xi32>,
      tpu.vector_store_idx %arg17[%get3A_487], %broadcast_in_dim3A_1 {add = true} : memref<10112xf32, #tpu.memory_space<vmem>>[vector<16xi32>], vector<16xf32>,
      %get3A_488 = arith.constant 1 : i32
      %get3A_489 = arith.index_cast %get3A_488 : i32 to index
      %get3A_490 = arith.constant 64 : index
      %get3A_491 = tpu.vector_load %arg14[%get3A_489, %get3A_490] {strides = array<i32>} : memref<4x128xi32, #tpu.memory_space<vmem>>, vector<16xi32>,
      tpu.vector_store_idx %arg17[%get3A_491], %broadcast_in_dim3A_1 {add = true} : memref<10112xf32, #tpu.memory_space<vmem>>[vector<16xi32>], vector<16xf32>,
      %get3A_492 = arith.constant 1 : i32
      %get3A_493 = arith.index_cast %get3A_492 : i32 to index
      %get3A_494 = arith.constant 80 : index
      %get3A_495 = tpu.vector_load %arg14[%get3A_493, %get3A_494] {strides = array<i32>} : memref<4x128xi32, #tpu.memory_space<vmem>>, vector<16xi32>,
      tpu.vector_store_idx %arg17[%get3A_495], %broadcast_in_dim3A_1 {add = true} : memref<10112xf32, #tpu.memory_space<vmem>>[vector<16xi32>], vector<16xf32>,
      %get3A_496 = arith.constant 1 : i32
      %get3A_497 = arith.index_cast %get3A_496 : i32 to index
      %get3A_498 = arith.constant 96 : index
      %get3A_499 = tpu.vector_load %arg14[%get3A_497, %get3A_498] {strides = array<i32>} : memref<4x128xi32, #tpu.memory_space<vmem>>, vector<16xi32>,
      tpu.vector_store_idx %arg17[%get3A_499], %broadcast_in_dim3A_1 {add = true} : memref<10112xf32, #tpu.memory_space<vmem>>[vector<16xi32>], vector<16xf32>,
      %get3A_500 = arith.constant 1 : i32
      %get3A_501 = arith.index_cast %get3A_500 : i32 to index
      %get3A_502 = arith.constant 112 : index
      %get3A_503 = tpu.vector_load %arg14[%get3A_501, %get3A_502] {strides = array<i32>} : memref<4x128xi32, #tpu.memory_space<vmem>>, vector<16xi32>,
      tpu.vector_store_idx %arg17[%get3A_503], %broadcast_in_dim3A_1 {add = true} : memref<10112xf32, #tpu.memory_space<vmem>>[vector<16xi32>], vector<16xf32>,
      %dma_wait3A_504 = arith.constant 1 : i32
      %dma_wait3A_505 = arith.constant 0 : i32
      %dma_wait3A_506 = tpu.memref_slice %arg14[%dma_wait3A_504, %dma_wait3A_505] : memref<4x128xi32, #tpu.memory_space<vmem>> -> memref<1x128xi32, #tpu.memory_space<vmem>>
      %dma_wait3A_507 = tpu.memref_squeeze %dma_wait3A_506 : memref<1x128xi32, #tpu.memory_space<vmem>> -> memref<128xi32, #tpu.memory_space<vmem>>
      %dma_wait3A_508 = arith.constant 0 : i32
      %dma_wait3A_509 = arith.constant 0 : i32
      %dma_wait3A_510 = tpu.memref_slice %arg18[%dma_wait3A_508, %dma_wait3A_509] : memref<10112x128xf32, #tpu.memory_space<vmem_shared>> -> memref<10112x128xf32, #tpu.memory_space<vmem_shared>>
      tpu.wait_indirect_dma semaphore(%arg22 : memref<!tpu.dma_semaphore, #tpu.memory_space<semaphore_mem>>) src(%arg16 : memref<128x128xf32, #tpu.memory_space<vmem>>) dst(%dma_wait3A_510 : memref<10112x128xf32, #tpu.memory_space<vmem_shared>>)
      %dma_start3A_511 = arith.constant 3 : i32
      %dma_start3A_512 = arith.constant 0 : i32
      %dma_start3A_513 = tpu.memref_slice %arg13[%dma_start3A_511, %dma_start3A_512] : memref<4x128xi32, #tpu.memory_space<vmem>> -> memref<1x128xi32, #tpu.memory_space<vmem>>
      %dma_start3A_514 = tpu.memref_squeeze %dma_start3A_513 : memref<1x128xi32, #tpu.memory_space<vmem>> -> memref<128xi32, #tpu.memory_space<vmem>>
      %dma_start3A_515 = arith.constant 0 : i32
      %dma_start3A_516 = arith.constant 0 : i32
      %dma_start3A_517 = tpu.memref_slice %arg2[%dma_start3A_515, %dma_start3A_516] : memref<10112x128xf32, #tpu.memory_space<hbm>> -> memref<10112x128xf32, #tpu.memory_space<hbm>>
      tpu.enqueue_indirect_dma source(%dma_start3A_517 : memref<10112x128xf32, #tpu.memory_space<hbm>>) target(%arg16 : memref<128x128xf32, #tpu.memory_space<vmem>>) offsets(%dma_start3A_514 : memref<128xi32, #tpu.memory_space<vmem>>) semaphore(%arg20 : memref<!tpu.dma_semaphore, #tpu.memory_space<semaphore_mem>>)
      %dma_wait3A_518 = arith.constant 2 : i32
      %dma_wait3A_519 = arith.constant 0 : i32
      %dma_wait3A_520 = tpu.memref_slice %arg13[%dma_wait3A_518, %dma_wait3A_519] : memref<4x128xi32, #tpu.memory_space<vmem>> -> memref<1x128xi32, #tpu.memory_space<vmem>>
      %dma_wait3A_521 = tpu.memref_squeeze %dma_wait3A_520 : memref<1x128xi32, #tpu.memory_space<vmem>> -> memref<128xi32, #tpu.memory_space<vmem>>
      %dma_wait3A_522 = arith.constant 0 : i32
      %dma_wait3A_523 = arith.constant 0 : i32
      %dma_wait3A_524 = tpu.memref_slice %arg2[%dma_wait3A_522, %dma_wait3A_523] : memref<10112x128xf32, #tpu.memory_space<hbm>> -> memref<10112x128xf32, #tpu.memory_space<hbm>>
      tpu.wait_indirect_dma semaphore(%arg19 : memref<!tpu.dma_semaphore, #tpu.memory_space<semaphore_mem>>) src(%dma_wait3A_524 : memref<10112x128xf32, #tpu.memory_space<hbm>>) dst(%arg15 : memref<128x128xf32, #tpu.memory_space<vmem>>)
      %dma_start3A_525 = arith.constant 2 : i32
      %dma_start3A_526 = arith.constant 0 : i32
      %dma_start3A_527 = tpu.memref_slice %arg14[%dma_start3A_525, %dma_start3A_526] : memref<4x128xi32, #tpu.memory_space<vmem>> -> memref<1x128xi32, #tpu.memory_space<vmem>>
      %dma_start3A_528 = tpu.memref_squeeze %dma_start3A_527 : memref<1x128xi32, #tpu.memory_space<vmem>> -> memref<128xi32, #tpu.memory_space<vmem>>
      %dma_start3A_529 = arith.constant 0 : i32
      %dma_start3A_530 = arith.constant 0 : i32
      %dma_start3A_531 = tpu.memref_slice %arg18[%dma_start3A_529, %dma_start3A_530] : memref<10112x128xf32, #tpu.memory_space<vmem_shared>> -> memref<10112x128xf32, #tpu.memory_space<vmem_shared>>
      tpu.enqueue_indirect_dma source(%arg15 : memref<128x128xf32, #tpu.memory_space<vmem>>) target(%dma_start3A_531 : memref<10112x128xf32, #tpu.memory_space<vmem_shared>>) offsets(%dma_start3A_528 : memref<128xi32, #tpu.memory_space<vmem>>) semaphore(%arg21 : memref<!tpu.dma_semaphore, #tpu.memory_space<semaphore_mem>>) {add = true}
      %get3A_532 = arith.constant 2 : i32
      %get3A_533 = arith.index_cast %get3A_532 : i32 to index
      %get3A_534 = arith.constant 0 : index
      %get3A_535 = tpu.vector_load %arg14[%get3A_533, %get3A_534] {strides = array<i32>} : memref<4x128xi32, #tpu.memory_space<vmem>>, vector<16xi32>,
      tpu.vector_store_idx %arg17[%get3A_535], %broadcast_in_dim3A_1 {add = true} : memref<10112xf32, #tpu.memory_space<vmem>>[vector<16xi32>], vector<16xf32>,
      %get3A_536 = arith.constant 2 : i32
      %get3A_537 = arith.index_cast %get3A_536 : i32 to index
      %get3A_538 = arith.constant 16 : index
      %get3A_539 = tpu.vector_load %arg14[%get3A_537, %get3A_538] {strides = array<i32>} : memref<4x128xi32, #tpu.memory_space<vmem>>, vector<16xi32>,
      tpu.vector_store_idx %arg17[%get3A_539], %broadcast_in_dim3A_1 {add = true} : memref<10112xf32, #tpu.memory_space<vmem>>[vector<16xi32>], vector<16xf32>,
      %get3A_540 = arith.constant 2 : i32
      %get3A_541 = arith.index_cast %get3A_540 : i32 to index
      %get3A_542 = arith.constant 32 : index
      %get3A_543 = tpu.vector_load %arg14[%get3A_541, %get3A_542] {strides = array<i32>} : memref<4x128xi32, #tpu.memory_space<vmem>>, vector<16xi32>,
      tpu.vector_store_idx %arg17[%get3A_543], %broadcast_in_dim3A_1 {add = true} : memref<10112xf32, #tpu.memory_space<vmem>>[vector<16xi32>], vector<16xf32>,
      %get3A_544 = arith.constant 2 : i32
      %get3A_545 = arith.index_cast %get3A_544 : i32 to index
      %get3A_546 = arith.constant 48 : index
      %get3A_547 = tpu.vector_load %arg14[%get3A_545, %get3A_546] {strides = array<i32>} : memref<4x128xi32, #tpu.memory_space<vmem>>, vector<16xi32>,
      tpu.vector_store_idx %arg17[%get3A_547], %broadcast_in_dim3A_1 {add = true} : memref<10112xf32, #tpu.memory_space<vmem>>[vector<16xi32>], vector<16xf32>,
      %get3A_548 = arith.constant 2 : i32
      %get3A_549 = arith.index_cast %get3A_548 : i32 to index
      %get3A_550 = arith.constant 64 : index
      %get3A_551 = tpu.vector_load %arg14[%get3A_549, %get3A_550] {strides = array<i32>} : memref<4x128xi32, #tpu.memory_space<vmem>>, vector<16xi32>,
      tpu.vector_store_idx %arg17[%get3A_551], %broadcast_in_dim3A_1 {add = true} : memref<10112xf32, #tpu.memory_space<vmem>>[vector<16xi32>], vector<16xf32>,
      %get3A_552 = arith.constant 2 : i32
      %get3A_553 = arith.index_cast %get3A_552 : i32 to index
      %get3A_554 = arith.constant 80 : index
      %get3A_555 = tpu.vector_load %arg14[%get3A_553, %get3A_554] {strides = array<i32>} : memref<4x128xi32, #tpu.memory_space<vmem>>, vector<16xi32>,
      tpu.vector_store_idx %arg17[%get3A_555], %broadcast_in_dim3A_1 {add = true} : memref<10112xf32, #tpu.memory_space<vmem>>[vector<16xi32>], vector<16xf32>,
      %get3A_556 = arith.constant 2 : i32
      %get3A_557 = arith.index_cast %get3A_556 : i32 to index
      %get3A_558 = arith.constant 96 : index
      %get3A_559 = tpu.vector_load %arg14[%get3A_557, %get3A_558] {strides = array<i32>} : memref<4x128xi32, #tpu.memory_space<vmem>>, vector<16xi32>,
      tpu.vector_store_idx %arg17[%get3A_559], %broadcast_in_dim3A_1 {add = true} : memref<10112xf32, #tpu.memory_space<vmem>>[vector<16xi32>], vector<16xf32>,
      %get3A_560 = arith.constant 2 : i32
      %get3A_561 = arith.index_cast %get3A_560 : i32 to index
      %get3A_562 = arith.constant 112 : index
      %get3A_563 = tpu.vector_load %arg14[%get3A_561, %get3A_562] {strides = array<i32>} : memref<4x128xi32, #tpu.memory_space<vmem>>, vector<16xi32>,
      tpu.vector_store_idx %arg17[%get3A_563], %broadcast_in_dim3A_1 {add = true} : memref<10112xf32, #tpu.memory_space<vmem>>[vector<16xi32>], vector<16xf32>,
      %dma_wait3A_564 = arith.constant 2 : i32
      %dma_wait3A_565 = arith.constant 0 : i32
      %dma_wait3A_566 = tpu.memref_slice %arg14[%dma_wait3A_564, %dma_wait3A_565] : memref<4x128xi32, #tpu.memory_space<vmem>> -> memref<1x128xi32, #tpu.memory_space<vmem>>
      %dma_wait3A_567 = tpu.memref_squeeze %dma_wait3A_566 : memref<1x128xi32, #tpu.memory_space<vmem>> -> memref<128xi32, #tpu.memory_space<vmem>>
      %dma_wait3A_568 = arith.constant 0 : i32
      %dma_wait3A_569 = arith.constant 0 : i32
      %dma_wait3A_570 = tpu.memref_slice %arg18[%dma_wait3A_568, %dma_wait3A_569] : memref<10112x128xf32, #tpu.memory_space<vmem_shared>> -> memref<10112x128xf32, #tpu.memory_space<vmem_shared>>
      tpu.wait_indirect_dma semaphore(%arg21 : memref<!tpu.dma_semaphore, #tpu.memory_space<semaphore_mem>>) src(%arg15 : memref<128x128xf32, #tpu.memory_space<vmem>>) dst(%dma_wait3A_570 : memref<10112x128xf32, #tpu.memory_space<vmem_shared>>)
      %add3A_571 = arith.constant 1 : i32
      %add3A_572 = arith.addi %scan3A_127, %add3A_571 : i32
      %lt3A_573 = arith.constant 10 : i32
      %lt3A_574 = arith.cmpi slt, %add3A_572, %lt3A_573 : i32
      %convert_element_type3A_575 = arith.extui %lt3A_574 : i1 to i32
      %cond3A_576 = arith.constant 0 : i32
      %cond3A_577 = arith.cmpi ne, %convert_element_type3A_575, %cond3A_576 : i32
      scf.if %cond3A_577 {
        %dma_wait3A_638 = arith.constant 0 : i32
        %dma_wait3A_639 = arith.constant 0 : i32
        %dma_wait3A_640 = tpu.memref_slice %arg3[%dma_wait3A_638, %dma_wait3A_639] : memref<2560x128xi32, #tpu.memory_space<hbm>> -> memref<4x128xi32, #tpu.memory_space<hbm>>
        %dma_wait3A_641 = arith.constant 0 : i32
        %dma_wait3A_642 = arith.constant 0 : i32
        %dma_wait3A_643 = tpu.memref_slice %arg3[%dma_wait3A_641, %dma_wait3A_642] : memref<2560x128xi32, #tpu.memory_space<hbm>> -> memref<4x128xi32, #tpu.memory_space<hbm>>
        tpu.wait_dma2 semaphore(%arg23 : memref<!tpu.dma_semaphore, #tpu.memory_space<semaphore_mem>>) src(%dma_wait3A_643 : memref<4x128xi32, #tpu.memory_space<hbm>>) dst(%arg11 : memref<4x128xi32, #tpu.memory_space<vmem>>)
        %dma_wait3A_644 = arith.constant 0 : i32
        %dma_wait3A_645 = arith.constant 0 : i32
        %dma_wait3A_646 = tpu.memref_slice %arg4[%dma_wait3A_644, %dma_wait3A_645] : memref<2560x128xi32, #tpu.memory_space<hbm>> -> memref<4x128xi32, #tpu.memory_space<hbm>>
        %dma_wait3A_647 = arith.constant 0 : i32
        %dma_wait3A_648 = arith.constant 0 : i32
        %dma_wait3A_649 = tpu.memref_slice %arg4[%dma_wait3A_647, %dma_wait3A_648] : memref<2560x128xi32, #tpu.memory_space<hbm>> -> memref<4x128xi32, #tpu.memory_space<hbm>>
        tpu.wait_dma2 semaphore(%arg23 : memref<!tpu.dma_semaphore, #tpu.memory_space<semaphore_mem>>) src(%dma_wait3A_649 : memref<4x128xi32, #tpu.memory_space<hbm>>) dst(%arg12 : memref<4x128xi32, #tpu.memory_space<vmem>>)
        %dma_start3A_650 = arith.constant 0 : i32
        %dma_start3A_651 = arith.constant 0 : i32
        %dma_start3A_652 = tpu.memref_slice %arg11[%dma_start3A_650, %dma_start3A_651] : memref<4x128xi32, #tpu.memory_space<vmem>> -> memref<1x128xi32, #tpu.memory_space<vmem>>
        %dma_start3A_653 = tpu.memref_squeeze %dma_start3A_652 : memref<1x128xi32, #tpu.memory_space<vmem>> -> memref<128xi32, #tpu.memory_space<vmem>>
        %dma_start3A_654 = arith.constant 0 : i32
        %dma_start3A_655 = arith.constant 0 : i32
        %dma_start3A_656 = tpu.memref_slice %arg2[%dma_start3A_654, %dma_start3A_655] : memref<10112x128xf32, #tpu.memory_space<hbm>> -> memref<10112x128xf32, #tpu.memory_space<hbm>>
        tpu.enqueue_indirect_dma source(%dma_start3A_656 : memref<10112x128xf32, #tpu.memory_space<hbm>>) target(%arg15 : memref<128x128xf32, #tpu.memory_space<vmem>>) offsets(%dma_start3A_653 : memref<128xi32, #tpu.memory_space<vmem>>) semaphore(%arg19 : memref<!tpu.dma_semaphore, #tpu.memory_space<semaphore_mem>>)
      } else {
      }
      %dma_wait3A_578 = arith.constant 3 : i32
      %dma_wait3A_579 = arith.constant 0 : i32
      %dma_wait3A_580 = tpu.memref_slice %arg13[%dma_wait3A_578, %dma_wait3A_579] : memref<4x128xi32, #tpu.memory_space<vmem>> -> memref<1x128xi32, #tpu.memory_space<vmem>>
      %dma_wait3A_581 = tpu.memref_squeeze %dma_wait3A_580 : memref<1x128xi32, #tpu.memory_space<vmem>> -> memref<128xi32, #tpu.memory_space<vmem>>
      %dma_wait3A_582 = arith.constant 0 : i32
      %dma_wait3A_583 = arith.constant 0 : i32
      %dma_wait3A_584 = tpu.memref_slice %arg2[%dma_wait3A_582, %dma_wait3A_583] : memref<10112x128xf32, #tpu.memory_space<hbm>> -> memref<10112x128xf32, #tpu.memory_space<hbm>>
      tpu.wait_indirect_dma semaphore(%arg20 : memref<!tpu.dma_semaphore, #tpu.memory_space<semaphore_mem>>) src(%dma_wait3A_584 : memref<10112x128xf32, #tpu.memory_space<hbm>>) dst(%arg16 : memref<128x128xf32, #tpu.memory_space<vmem>>)
      %dma_start3A_585 = arith.constant 3 : i32
      %dma_start3A_586 = arith.constant 0 : i32
      %dma_start3A_587 = tpu.memref_slice %arg14[%dma_start3A_585, %dma_start3A_586] : memref<4x128xi32, #tpu.memory_space<vmem>> -> memref<1x128xi32, #tpu.memory_space<vmem>>
      %dma_start3A_588 = tpu.memref_squeeze %dma_start3A_587 : memref<1x128xi32, #tpu.memory_space<vmem>> -> memref<128xi32, #tpu.memory_space<vmem>>
      %dma_start3A_589 = arith.constant 0 : i32
      %dma_start3A_590 = arith.constant 0 : i32
      %dma_start3A_591 = tpu.memref_slice %arg18[%dma_start3A_589, %dma_start3A_590] : memref<10112x128xf32, #tpu.memory_space<vmem_shared>> -> memref<10112x128xf32, #tpu.memory_space<vmem_shared>>
      tpu.enqueue_indirect_dma source(%arg16 : memref<128x128xf32, #tpu.memory_space<vmem>>) target(%dma_start3A_591 : memref<10112x128xf32, #tpu.memory_space<vmem_shared>>) offsets(%dma_start3A_588 : memref<128xi32, #tpu.memory_space<vmem>>) semaphore(%arg22 : memref<!tpu.dma_semaphore, #tpu.memory_space<semaphore_mem>>) {add = true}
      %get3A_592 = arith.constant 3 : i32
      %get3A_593 = arith.index_cast %get3A_592 : i32 to index
      %get3A_594 = arith.constant 0 : index
      %get3A_595 = tpu.vector_load %arg14[%get3A_593, %get3A_594] {strides = array<i32>} : memref<4x128xi32, #tpu.memory_space<vmem>>, vector<16xi32>,
      tpu.vector_store_idx %arg17[%get3A_595], %broadcast_in_dim3A_1 {add = true} : memref<10112xf32, #tpu.memory_space<vmem>>[vector<16xi32>], vector<16xf32>,
      %get3A_596 = arith.constant 3 : i32
      %get3A_597 = arith.index_cast %get3A_596 : i32 to index
      %get3A_598 = arith.constant 16 : index
      %get3A_599 = tpu.vector_load %arg14[%get3A_597, %get3A_598] {strides = array<i32>} : memref<4x128xi32, #tpu.memory_space<vmem>>, vector<16xi32>,
      tpu.vector_store_idx %arg17[%get3A_599], %broadcast_in_dim3A_1 {add = true} : memref<10112xf32, #tpu.memory_space<vmem>>[vector<16xi32>], vector<16xf32>,
      %get3A_600 = arith.constant 3 : i32
      %get3A_601 = arith.index_cast %get3A_600 : i32 to index
      %get3A_602 = arith.constant 32 : index
      %get3A_603 = tpu.vector_load %arg14[%get3A_601, %get3A_602] {strides = array<i32>} : memref<4x128xi32, #tpu.memory_space<vmem>>, vector<16xi32>,
      tpu.vector_store_idx %arg17[%get3A_603], %broadcast_in_dim3A_1 {add = true} : memref<10112xf32, #tpu.memory_space<vmem>>[vector<16xi32>], vector<16xf32>,
      %get3A_604 = arith.constant 3 : i32
      %get3A_605 = arith.index_cast %get3A_604 : i32 to index
      %get3A_606 = arith.constant 48 : index
      %get3A_607 = tpu.vector_load %arg14[%get3A_605, %get3A_606] {strides = array<i32>} : memref<4x128xi32, #tpu.memory_space<vmem>>, vector<16xi32>,
      tpu.vector_store_idx %arg17[%get3A_607], %broadcast_in_dim3A_1 {add = true} : memref<10112xf32, #tpu.memory_space<vmem>>[vector<16xi32>], vector<16xf32>,
      %get3A_608 = arith.constant 3 : i32
      %get3A_609 = arith.index_cast %get3A_608 : i32 to index
      %get3A_610 = arith.constant 64 : index
      %get3A_611 = tpu.vector_load %arg14[%get3A_609, %get3A_610] {strides = array<i32>} : memref<4x128xi32, #tpu.memory_space<vmem>>, vector<16xi32>,
      tpu.vector_store_idx %arg17[%get3A_611], %broadcast_in_dim3A_1 {add = true} : memref<10112xf32, #tpu.memory_space<vmem>>[vector<16xi32>], vector<16xf32>,
      %get3A_612 = arith.constant 3 : i32
      %get3A_613 = arith.index_cast %get3A_612 : i32 to index
      %get3A_614 = arith.constant 80 : index
      %get3A_615 = tpu.vector_load %arg14[%get3A_613, %get3A_614] {strides = array<i32>} : memref<4x128xi32, #tpu.memory_space<vmem>>, vector<16xi32>,
      tpu.vector_store_idx %arg17[%get3A_615], %broadcast_in_dim3A_1 {add = true} : memref<10112xf32, #tpu.memory_space<vmem>>[vector<16xi32>], vector<16xf32>,
      %get3A_616 = arith.constant 3 : i32
      %get3A_617 = arith.index_cast %get3A_616 : i32 to index
      %get3A_618 = arith.constant 96 : index
      %get3A_619 = tpu.vector_load %arg14[%get3A_617, %get3A_618] {strides = array<i32>} : memref<4x128xi32, #tpu.memory_space<vmem>>, vector<16xi32>,
      tpu.vector_store_idx %arg17[%get3A_619], %broadcast_in_dim3A_1 {add = true} : memref<10112xf32, #tpu.memory_space<vmem>>[vector<16xi32>], vector<16xf32>,
      %get3A_620 = arith.constant 3 : i32
      %get3A_621 = arith.index_cast %get3A_620 : i32 to index
      %get3A_622 = arith.constant 112 : index
      %get3A_623 = tpu.vector_load %arg14[%get3A_621, %get3A_622] {strides = array<i32>} : memref<4x128xi32, #tpu.memory_space<vmem>>, vector<16xi32>,
      tpu.vector_store_idx %arg17[%get3A_623], %broadcast_in_dim3A_1 {add = true} : memref<10112xf32, #tpu.memory_space<vmem>>[vector<16xi32>], vector<16xf32>,
      %dma_wait3A_624 = arith.constant 3 : i32
      %dma_wait3A_625 = arith.constant 0 : i32
      %dma_wait3A_626 = tpu.memref_slice %arg14[%dma_wait3A_624, %dma_wait3A_625] : memref<4x128xi32, #tpu.memory_space<vmem>> -> memref<1x128xi32, #tpu.memory_space<vmem>>
      %dma_wait3A_627 = tpu.memref_squeeze %dma_wait3A_626 : memref<1x128xi32, #tpu.memory_space<vmem>> -> memref<128xi32, #tpu.memory_space<vmem>>
      %dma_wait3A_628 = arith.constant 0 : i32
      %dma_wait3A_629 = arith.constant 0 : i32
      %dma_wait3A_630 = tpu.memref_slice %arg18[%dma_wait3A_628, %dma_wait3A_629] : memref<10112x128xf32, #tpu.memory_space<vmem_shared>> -> memref<10112x128xf32, #tpu.memory_space<vmem_shared>>
      tpu.wait_indirect_dma semaphore(%arg22 : memref<!tpu.dma_semaphore, #tpu.memory_space<semaphore_mem>>) src(%arg16 : memref<128x128xf32, #tpu.memory_space<vmem>>) dst(%dma_wait3A_630 : memref<10112x128xf32, #tpu.memory_space<vmem_shared>>)
      %add3A_631 = arith.constant 1 : i32
      %add3A_632 = arith.addi %scan3A_127, %add3A_631 : i32
      %lt3A_633 = arith.constant 10 : i32
      %lt3A_634 = arith.cmpi slt, %add3A_632, %lt3A_633 : i32
      %convert_element_type3A_635 = arith.extui %lt3A_634 : i1 to i32
      %cond3A_636 = arith.constant 0 : i32
      %cond3A_637 = arith.cmpi ne, %convert_element_type3A_635, %cond3A_636 : i32
      scf.if %cond3A_637 {
        %mul3A_638 = arith.constant 80 : i32
        %mul3A_639 = arith.muli %add3A, %mul3A_638 : i32
        %mul3A_640 = arith.constant 4 : i32
        %mul3A_641 = arith.muli %add3A_135, %mul3A_640 : i32
        %add3A_642 = arith.addi %mul3A_639, %mul3A_641 : i32
        %dma_start3A_643 = arith.constant 0 : i32
        %dma_start3A_644 = tpu.memref_slice %arg3[%add3A_642, %dma_start3A_643] : memref<2560x128xi32, #tpu.memory_space<hbm>> -> memref<4x128xi32, #tpu.memory_space<hbm>>
        %dma_start3A_645 = arith.constant 0 : i32
        %dma_start3A_646 = tpu.memref_slice %arg3[%add3A_642, %dma_start3A_645] : memref<2560x128xi32, #tpu.memory_space<hbm>> -> memref<4x128xi32, #tpu.memory_space<hbm>>
        tpu.enqueue_dma source(%dma_start3A_646 : memref<4x128xi32, #tpu.memory_space<hbm>>) target(%arg13 : memref<4x128xi32, #tpu.memory_space<vmem>>) target_semaphore(%arg24 : memref<!tpu.dma_semaphore, #tpu.memory_space<semaphore_mem>>)
        %mul3A_647 = arith.constant 80 : i32
        %mul3A_648 = arith.muli %add3A, %mul3A_647 : i32
        %mul3A_649 = arith.constant 4 : i32
        %mul3A_650 = arith.muli %add3A_135, %mul3A_649 : i32
        %add3A_651 = arith.addi %mul3A_648, %mul3A_650 : i32
        %dma_start3A_652 = arith.constant 0 : i32
        %dma_start3A_653 = tpu.memref_slice %arg4[%add3A_651, %dma_start3A_652] : memref<2560x128xi32, #tpu.memory_space<hbm>> -> memref<4x128xi32, #tpu.memory_space<hbm>>
        %dma_start3A_654 = arith.constant 0 : i32
        %dma_start3A_655 = tpu.memref_slice %arg4[%add3A_651, %dma_start3A_654] : memref<2560x128xi32, #tpu.memory_space<hbm>> -> memref<4x128xi32, #tpu.memory_space<hbm>>
        tpu.enqueue_dma source(%dma_start3A_655 : memref<4x128xi32, #tpu.memory_space<hbm>>) target(%arg14 : memref<4x128xi32, #tpu.memory_space<vmem>>) target_semaphore(%arg24 : memref<!tpu.dma_semaphore, #tpu.memory_space<semaphore_mem>>)
      } else {
      }
    }
    %scan3A_121 = arith.constant 10 : i32
    %barrier3A_122 = arith.constant 0 : index
    tpu.barrier barrier_id(%barrier3A_122)
    %mul3A_123 = arith.constant 632 : i32
    %mul3A_124 = arith.muli %arg1, %mul3A_123 : i32
    "tpu.region"() ({
      %run_scoped3A_127 = tpu.sem_alloc : memref<!tpu.dma_semaphore, #tpu.memory_space<semaphore_mem>>
      %dma_start3A_128 = arith.constant 0 : i32
      %dma_start3A_129 = tpu.memref_slice %arg9[%arg0, %mul3A_124, %dma_start3A_128] : memref<2x10112x128xf32, #tpu.memory_space<hbm>> -> memref<1x632x128xf32, #tpu.memory_space<hbm>>
      %dma_start3A_130 = tpu.memref_squeeze %dma_start3A_129 : memref<1x632x128xf32, #tpu.memory_space<hbm>> -> memref<632x128xf32, #tpu.memory_space<hbm>>
      %dma_start3A_131 = arith.constant 0 : i32
      %dma_start3A_132 = tpu.memref_slice %arg18[%mul3A_124, %dma_start3A_131] : memref<10112x128xf32, #tpu.memory_space<vmem_shared>> -> memref<632x128xf32, #tpu.memory_space<vmem_shared>>
      tpu.enqueue_dma source(%dma_start3A_132 : memref<632x128xf32, #tpu.memory_space<vmem_shared>>) target(%dma_start3A_130 : memref<632x128xf32, #tpu.memory_space<hbm>>) target_semaphore(%run_scoped3A_127 : memref<!tpu.dma_semaphore, #tpu.memory_space<semaphore_mem>>)
      %dma_wait3A_133 = arith.constant 0 : i32
      %dma_wait3A_134 = tpu.memref_slice %arg9[%arg0, %mul3A_124, %dma_wait3A_133] : memref<2x10112x128xf32, #tpu.memory_space<hbm>> -> memref<1x632x128xf32, #tpu.memory_space<hbm>>
      %dma_wait3A_135 = tpu.memref_squeeze %dma_wait3A_134 : memref<1x632x128xf32, #tpu.memory_space<hbm>> -> memref<632x128xf32, #tpu.memory_space<hbm>>
      %dma_wait3A_136 = arith.constant 0 : i32
      %dma_wait3A_137 = tpu.memref_slice %arg18[%mul3A_124, %dma_wait3A_136] : memref<10112x128xf32, #tpu.memory_space<vmem_shared>> -> memref<632x128xf32, #tpu.memory_space<vmem_shared>>
      tpu.wait_dma2 semaphore(%run_scoped3A_127 : memref<!tpu.dma_semaphore, #tpu.memory_space<semaphore_mem>>) src(%dma_wait3A_137 : memref<632x128xf32, #tpu.memory_space<vmem_shared>>) dst(%dma_wait3A_135 : memref<632x128xf32, #tpu.memory_space<hbm>>)
      tpu.yield
    }) : () -> ()
    %mul3A_125 = arith.constant 10112 : i32
    %mul3A_126 = arith.muli %add3A, %mul3A_125 : i32
    "tpu.region"() ({
      %run_scoped3A_127 = tpu.sem_alloc : memref<!tpu.dma_semaphore, #tpu.memory_space<semaphore_mem>>
      %dma_start3A_128 = tpu.memref_slice %arg10[%mul3A_126] : memref<323584xf32, #tpu.memory_space<hbm>> -> memref<10112xf32, #tpu.memory_space<hbm>>
      %dma_start3A_129 = tpu.memref_slice %arg10[%mul3A_126] : memref<323584xf32, #tpu.memory_space<hbm>> -> memref<10112xf32, #tpu.memory_space<hbm>>
      tpu.enqueue_dma source(%arg17 : memref<10112xf32, #tpu.memory_space<vmem>>) target(%dma_start3A_129 : memref<10112xf32, #tpu.memory_space<hbm>>) target_semaphore(%run_scoped3A_127 : memref<!tpu.dma_semaphore, #tpu.memory_space<semaphore_mem>>)
      %dma_wait3A_130 = tpu.memref_slice %arg10[%mul3A_126] : memref<323584xf32, #tpu.memory_space<hbm>> -> memref<10112xf32, #tpu.memory_space<hbm>>
      %dma_wait3A_131 = tpu.memref_slice %arg10[%mul3A_126] : memref<323584xf32, #tpu.memory_space<hbm>> -> memref<10112xf32, #tpu.memory_space<hbm>>
      tpu.wait_dma2 semaphore(%run_scoped3A_127 : memref<!tpu.dma_semaphore, #tpu.memory_space<semaphore_mem>>) src(%arg17 : memref<10112xf32, #tpu.memory_space<vmem>>) dst(%dma_wait3A_131 : memref<10112xf32, #tpu.memory_space<hbm>>)
      tpu.yield
    }) : () -> ()
    return
  }
}

#map = affine_map<(d0, d1) -> (0, 0)>
#map1 = affine_map<(d0, d1) -> (0)>
#map2 = affine_map<(d0, d1) -> (0, 0, 0)>
module attributes {stable_mosaic.version = 14 : i64} {
  func.func @_sc_body(%arg0: i32, %arg1: i32, %arg2: memref<10112x128xf32, #tpu.memory_space<hbm>>, %arg3: memref<2560x128xi32, #tpu.memory_space<hbm>>, %arg4: memref<2560x128xi32, #tpu.memory_space<hbm>>, %arg5: memref<12288xi32, #tpu.memory_space<hbm>>, %arg6: memref<632x128xf32, #tpu.memory_space<hbm>>, %arg7: memref<10112xf32, #tpu.memory_space<hbm>>, %arg8: memref<12288x128xf32, #tpu.memory_space<hbm>>, %arg9: memref<2x10112x128xf32, #tpu.memory_space<hbm>>, %arg10: memref<323584xf32, #tpu.memory_space<hbm>>, %arg11: memref<4x128xi32, #tpu.memory_space<vmem>>, %arg12: memref<4x128xi32, #tpu.memory_space<vmem>>, %arg13: memref<4x128xi32, #tpu.memory_space<vmem>>, %arg14: memref<4x128xi32, #tpu.memory_space<vmem>>, %arg15: memref<128x128xf32, #tpu.memory_space<vmem>>, %arg16: memref<128x128xf32, #tpu.memory_space<vmem>>, %arg17: memref<10112xf32, #tpu.memory_space<vmem>>, %arg18: memref<10112x128xf32, #tpu.memory_space<vmem_shared>>, %arg19: memref<!tpu.dma_semaphore, #tpu.memory_space<semaphore_mem>>, %arg20: memref<!tpu.dma_semaphore, #tpu.memory_space<semaphore_mem>>, %arg21: memref<!tpu.dma_semaphore, #tpu.memory_space<semaphore_mem>>, %arg22: memref<!tpu.dma_semaphore, #tpu.memory_space<semaphore_mem>>, %arg23: memref<!tpu.dma_semaphore, #tpu.memory_space<semaphore_mem>>, %arg24: memref<!tpu.dma_semaphore, #tpu.memory_space<semaphore_mem>>) attributes {dimension_semantics = [#tpu.dimension_semantics<core_parallel>, #tpu.dimension_semantics<subcore_parallel>], iteration_bounds = array<i64: 2, 16>, scalar_prefetch = 0 : i64, scratch_operands = 14 : i64, tpu.core_type = #tpu.core_type<sc_vector_subcore>, window_params = [{transform_indices = #map}, {transform_indices = #map}, {transform_indices = #map}, {transform_indices = #map1}, {transform_indices = #map}, {transform_indices = #map1}, {transform_indices = #map}, {transform_indices = #map2}, {transform_indices = #map1}]} {
    %mul3A = arith.constant 2 : i32
    %mul3A_0 = arith.muli %arg1, %mul3A : i32
    %add3A = arith.addi %mul3A_0, %arg0 : i32
    %broadcast_in_dim3A = arith.constant 1.000000e+00 : f32
    %broadcast_in_dim3A_1 = vector.broadcast %broadcast_in_dim3A : f32 to vector<16xf32>
    "tpu.region"() ({
      %run_scoped3A_127 = tpu.sem_alloc : memref<!tpu.dma_semaphore, #tpu.memory_space<semaphore_mem>>
      tpu.enqueue_dma source(%arg7 : memref<10112xf32, #tpu.memory_space<hbm>>) target(%arg17 : memref<10112xf32, #tpu.memory_space<vmem>>) target_semaphore(%run_scoped3A_127 : memref<!tpu.dma_semaphore, #tpu.memory_space<semaphore_mem>>)
      tpu.wait_dma2 semaphore(%run_scoped3A_127 : memref<!tpu.dma_semaphore, #tpu.memory_space<semaphore_mem>>) src(%arg7 : memref<10112xf32, #tpu.memory_space<hbm>>) dst(%arg17 : memref<10112xf32, #tpu.memory_space<vmem>>)
      tpu.yield
    }) : () -> ()
    %mul3A_2 = arith.constant 632 : i32
    %mul3A_3 = arith.muli %arg1, %mul3A_2 : i32
    "tpu.region"() ({
      %run_scoped3A_127 = tpu.sem_alloc : memref<!tpu.dma_semaphore, #tpu.memory_space<semaphore_mem>>
      %dma_start3A_128 = arith.constant 0 : i32
      %dma_start3A_129 = tpu.memref_slice %arg18[%mul3A_3, %dma_start3A_128] : memref<10112x128xf32, #tpu.memory_space<vmem_shared>> -> memref<632x128xf32, #tpu.memory_space<vmem_shared>>
      tpu.enqueue_dma source(%arg6 : memref<632x128xf32, #tpu.memory_space<hbm>>) target(%dma_start3A_129 : memref<632x128xf32, #tpu.memory_space<vmem_shared>>) target_semaphore(%run_scoped3A_127 : memref<!tpu.dma_semaphore, #tpu.memory_space<semaphore_mem>>)
      %dma_wait3A_130 = arith.constant 0 : i32
      %dma_wait3A_131 = tpu.memref_slice %arg18[%mul3A_3, %dma_wait3A_130] : memref<10112x128xf32, #tpu.memory_space<vmem_shared>> -> memref<632x128xf32, #tpu.memory_space<vmem_shared>>
      tpu.wait_dma2 semaphore(%run_scoped3A_127 : memref<!tpu.dma_semaphore, #tpu.memory_space<semaphore_mem>>) src(%arg6 : memref<632x128xf32, #tpu.memory_space<hbm>>) dst(%dma_wait3A_131 : memref<632x128xf32, #tpu.memory_space<vmem_shared>>)
      tpu.yield
    }) : () -> ()
    %mul3A_4 = arith.constant 384 : i32
    %mul3A_5 = arith.muli %add3A, %mul3A_4 : i32
    %add3A_6 = arith.constant 0 : i32
    %add3A_7 = arith.addi %mul3A_5, %add3A_6 : i32
    %run_scoped3A = arith.constant 0 : i32
    "tpu.region"() ({
      %run_scoped3A_127 = tpu.sem_alloc : memref<!tpu.dma_semaphore, #tpu.memory_space<semaphore_mem>>
      %dma_start3A_128 = arith.constant 0 : i32
      %dma_start3A_129 = tpu.memref_slice %arg11[%run_scoped3A, %dma_start3A_128] : memref<4x128xi32, #tpu.memory_space<vmem>> -> memref<1x128xi32, #tpu.memory_space<vmem>>
      %dma_start3A_130 = tpu.memref_squeeze %dma_start3A_129 : memref<1x128xi32, #tpu.memory_space<vmem>> -> memref<128xi32, #tpu.memory_space<vmem>>
      %dma_start3A_131 = tpu.memref_slice %arg5[%add3A_7] : memref<12288xi32, #tpu.memory_space<hbm>> -> memref<128xi32, #tpu.memory_space<hbm>>
      %dma_start3A_132 = arith.constant 0 : i32
      %dma_start3A_133 = tpu.memref_slice %arg11[%run_scoped3A, %dma_start3A_132] : memref<4x128xi32, #tpu.memory_space<vmem>> -> memref<1x128xi32, #tpu.memory_space<vmem>>
      %dma_start3A_134 = tpu.memref_squeeze %dma_start3A_133 : memref<1x128xi32, #tpu.memory_space<vmem>> -> memref<128xi32, #tpu.memory_space<vmem>>
      %dma_start3A_135 = tpu.memref_slice %arg5[%add3A_7] : memref<12288xi32, #tpu.memory_space<hbm>> -> memref<128xi32, #tpu.memory_space<hbm>>
      tpu.enqueue_dma source(%dma_start3A_135 : memref<128xi32, #tpu.memory_space<hbm>>) target(%dma_start3A_134 : memref<128xi32, #tpu.memory_space<vmem>>) target_semaphore(%run_scoped3A_127 : memref<!tpu.dma_semaphore, #tpu.memory_space<semaphore_mem>>)
      %dma_wait3A_136 = arith.constant 0 : i32
      %dma_wait3A_137 = tpu.memref_slice %arg11[%run_scoped3A, %dma_wait3A_136] : memref<4x128xi32, #tpu.memory_space<vmem>> -> memref<1x128xi32, #tpu.memory_space<vmem>>
      %dma_wait3A_138 = tpu.memref_squeeze %dma_wait3A_137 : memref<1x128xi32, #tpu.memory_space<vmem>> -> memref<128xi32, #tpu.memory_space<vmem>>
      %dma_wait3A_139 = tpu.memref_slice %arg5[%add3A_7] : memref<12288xi32, #tpu.memory_space<hbm>> -> memref<128xi32, #tpu.memory_space<hbm>>
      %dma_wait3A_140 = arith.constant 0 : i32
      %dma_wait3A_141 = tpu.memref_slice %arg11[%run_scoped3A, %dma_wait3A_140] : memref<4x128xi32, #tpu.memory_space<vmem>> -> memref<1x128xi32, #tpu.memory_space<vmem>>
      %dma_wait3A_142 = tpu.memref_squeeze %dma_wait3A_141 : memref<1x128xi32, #tpu.memory_space<vmem>> -> memref<128xi32, #tpu.memory_space<vmem>>
      %dma_wait3A_143 = tpu.memref_slice %arg5[%add3A_7] : memref<12288xi32, #tpu.memory_space<hbm>> -> memref<128xi32, #tpu.memory_space<hbm>>
      tpu.wait_dma2 semaphore(%run_scoped3A_127 : memref<!tpu.dma_semaphore, #tpu.memory_space<semaphore_mem>>) src(%dma_wait3A_143 : memref<128xi32, #tpu.memory_space<hbm>>) dst(%dma_wait3A_142 : memref<128xi32, #tpu.memory_space<vmem>>)
      tpu.yield
    }) : () -> ()
    %dma_start3A = arith.constant 0 : i32
    %dma_start3A_8 = arith.constant 0 : i32
    %dma_start3A_9 = tpu.memref_slice %arg11[%dma_start3A, %dma_start3A_8] : memref<4x128xi32, #tpu.memory_space<vmem>> -> memref<1x128xi32, #tpu.memory_space<vmem>>
    %dma_start3A_10 = tpu.memref_squeeze %dma_start3A_9 : memref<1x128xi32, #tpu.memory_space<vmem>> -> memref<128xi32, #tpu.memory_space<vmem>>
    %dma_start3A_11 = arith.constant 0 : i32
    %dma_start3A_12 = arith.constant 0 : i32
    %dma_start3A_13 = tpu.memref_slice %arg2[%dma_start3A_11, %dma_start3A_12] : memref<10112x128xf32, #tpu.memory_space<hbm>> -> memref<10112x128xf32, #tpu.memory_space<hbm>>
    tpu.enqueue_indirect_dma source(%dma_start3A_13 : memref<10112x128xf32, #tpu.memory_space<hbm>>) target(%arg15 : memref<128x128xf32, #tpu.memory_space<vmem>>) offsets(%dma_start3A_10 : memref<128xi32, #tpu.memory_space<vmem>>) semaphore(%arg19 : memref<!tpu.dma_semaphore, #tpu.memory_space<semaphore_mem>>)
    %dma_wait3A = arith.constant 0 : i32
    %dma_wait3A_14 = arith.constant 0 : i32
    %dma_wait3A_15 = tpu.memref_slice %arg11[%dma_wait3A, %dma_wait3A_14] : memref<4x128xi32, #tpu.memory_space<vmem>> -> memref<1x128xi32, #tpu.memory_space<vmem>>
    %dma_wait3A_16 = tpu.memref_squeeze %dma_wait3A_15 : memref<1x128xi32, #tpu.memory_space<vmem>> -> memref<128xi32, #tpu.memory_space<vmem>>
    %dma_wait3A_17 = arith.constant 0 : i32
    %dma_wait3A_18 = arith.constant 0 : i32
    %dma_wait3A_19 = tpu.memref_slice %arg2[%dma_wait3A_17, %dma_wait3A_18] : memref<10112x128xf32, #tpu.memory_space<hbm>> -> memref<10112x128xf32, #tpu.memory_space<hbm>>
    tpu.wait_indirect_dma semaphore(%arg19 : memref<!tpu.dma_semaphore, #tpu.memory_space<semaphore_mem>>) src(%dma_wait3A_19 : memref<10112x128xf32, #tpu.memory_space<hbm>>) dst(%arg15 : memref<128x128xf32, #tpu.memory_space<vmem>>)
    %mul3A_20 = arith.constant 384 : i32
    %mul3A_21 = arith.muli %add3A, %mul3A_20 : i32
    %add3A_22 = arith.constant 0 : i32
    %add3A_23 = arith.addi %mul3A_21, %add3A_22 : i32
    "tpu.region"() ({
      %run_scoped3A_127 = tpu.sem_alloc : memref<!tpu.dma_semaphore, #tpu.memory_space<semaphore_mem>>
      %dma_start3A_128 = arith.constant 0 : i32
      %dma_start3A_129 = tpu.memref_slice %arg8[%add3A_23, %dma_start3A_128] : memref<12288x128xf32, #tpu.memory_space<hbm>> -> memref<128x128xf32, #tpu.memory_space<hbm>>
      %dma_start3A_130 = arith.constant 0 : i32
      %dma_start3A_131 = tpu.memref_slice %arg8[%add3A_23, %dma_start3A_130] : memref<12288x128xf32, #tpu.memory_space<hbm>> -> memref<128x128xf32, #tpu.memory_space<hbm>>
      tpu.enqueue_dma source(%arg15 : memref<128x128xf32, #tpu.memory_space<vmem>>) target(%dma_start3A_131 : memref<128x128xf32, #tpu.memory_space<hbm>>) target_semaphore(%run_scoped3A_127 : memref<!tpu.dma_semaphore, #tpu.memory_space<semaphore_mem>>)
      %dma_wait3A_132 = arith.constant 0 : i32
      %dma_wait3A_133 = tpu.memref_slice %arg8[%add3A_23, %dma_wait3A_132] : memref<12288x128xf32, #tpu.memory_space<hbm>> -> memref<128x128xf32, #tpu.memory_space<hbm>>
      %dma_wait3A_134 = arith.constant 0 : i32
      %dma_wait3A_135 = tpu.memref_slice %arg8[%add3A_23, %dma_wait3A_134] : memref<12288x128xf32, #tpu.memory_space<hbm>> -> memref<128x128xf32, #tpu.memory_space<hbm>>
      tpu.wait_dma2 semaphore(%run_scoped3A_127 : memref<!tpu.dma_semaphore, #tpu.memory_space<semaphore_mem>>) src(%arg15 : memref<128x128xf32, #tpu.memory_space<vmem>>) dst(%dma_wait3A_135 : memref<128x128xf32, #tpu.memory_space<hbm>>)
      tpu.yield
    }) : () -> ()
    %mul3A_24 = arith.constant 384 : i32
    %mul3A_25 = arith.muli %add3A, %mul3A_24 : i32
    %add3A_26 = arith.constant 128 : i32
    %add3A_27 = arith.addi %mul3A_25, %add3A_26 : i32
    %run_scoped3A_28 = arith.constant 0 : i32
    "tpu.region"() ({
      %run_scoped3A_127 = tpu.sem_alloc : memref<!tpu.dma_semaphore, #tpu.memory_space<semaphore_mem>>
      %dma_start3A_128 = arith.constant 0 : i32
      %dma_start3A_129 = tpu.memref_slice %arg11[%run_scoped3A_28, %dma_start3A_128] : memref<4x128xi32, #tpu.memory_space<vmem>> -> memref<1x128xi32, #tpu.memory_space<vmem>>
      %dma_start3A_130 = tpu.memref_squeeze %dma_start3A_129 : memref<1x128xi32, #tpu.memory_space<vmem>> -> memref<128xi32, #tpu.memory_space<vmem>>
      %dma_start3A_131 = tpu.memref_slice %arg5[%add3A_27] : memref<12288xi32, #tpu.memory_space<hbm>> -> memref<128xi32, #tpu.memory_space<hbm>>
      %dma_start3A_132 = arith.constant 0 : i32
      %dma_start3A_133 = tpu.memref_slice %arg11[%run_scoped3A_28, %dma_start3A_132] : memref<4x128xi32, #tpu.memory_space<vmem>> -> memref<1x128xi32, #tpu.memory_space<vmem>>
      %dma_start3A_134 = tpu.memref_squeeze %dma_start3A_133 : memref<1x128xi32, #tpu.memory_space<vmem>> -> memref<128xi32, #tpu.memory_space<vmem>>
      %dma_start3A_135 = tpu.memref_slice %arg5[%add3A_27] : memref<12288xi32, #tpu.memory_space<hbm>> -> memref<128xi32, #tpu.memory_space<hbm>>
      tpu.enqueue_dma source(%dma_start3A_135 : memref<128xi32, #tpu.memory_space<hbm>>) target(%dma_start3A_134 : memref<128xi32, #tpu.memory_space<vmem>>) target_semaphore(%run_scoped3A_127 : memref<!tpu.dma_semaphore, #tpu.memory_space<semaphore_mem>>)
      %dma_wait3A_136 = arith.constant 0 : i32
      %dma_wait3A_137 = tpu.memref_slice %arg11[%run_scoped3A_28, %dma_wait3A_136] : memref<4x128xi32, #tpu.memory_space<vmem>> -> memref<1x128xi32, #tpu.memory_space<vmem>>
      %dma_wait3A_138 = tpu.memref_squeeze %dma_wait3A_137 : memref<1x128xi32, #tpu.memory_space<vmem>> -> memref<128xi32, #tpu.memory_space<vmem>>
      %dma_wait3A_139 = tpu.memref_slice %arg5[%add3A_27] : memref<12288xi32, #tpu.memory_space<hbm>> -> memref<128xi32, #tpu.memory_space<hbm>>
      %dma_wait3A_140 = arith.constant 0 : i32
      %dma_wait3A_141 = tpu.memref_slice %arg11[%run_scoped3A_28, %dma_wait3A_140] : memref<4x128xi32, #tpu.memory_space<vmem>> -> memref<1x128xi32, #tpu.memory_space<vmem>>
      %dma_wait3A_142 = tpu.memref_squeeze %dma_wait3A_141 : memref<1x128xi32, #tpu.memory_space<vmem>> -> memref<128xi32, #tpu.memory_space<vmem>>
      %dma_wait3A_143 = tpu.memref_slice %arg5[%add3A_27] : memref<12288xi32, #tpu.memory_space<hbm>> -> memref<128xi32, #tpu.memory_space<hbm>>
      tpu.wait_dma2 semaphore(%run_scoped3A_127 : memref<!tpu.dma_semaphore, #tpu.memory_space<semaphore_mem>>) src(%dma_wait3A_143 : memref<128xi32, #tpu.memory_space<hbm>>) dst(%dma_wait3A_142 : memref<128xi32, #tpu.memory_space<vmem>>)
      tpu.yield
    }) : () -> ()
    %dma_start3A_29 = arith.constant 0 : i32
    %dma_start3A_30 = arith.constant 0 : i32
    %dma_start3A_31 = tpu.memref_slice %arg11[%dma_start3A_29, %dma_start3A_30] : memref<4x128xi32, #tpu.memory_space<vmem>> -> memref<1x128xi32, #tpu.memory_space<vmem>>
    %dma_start3A_32 = tpu.memref_squeeze %dma_start3A_31 : memref<1x128xi32, #tpu.memory_space<vmem>> -> memref<128xi32, #tpu.memory_space<vmem>>
    %dma_start3A_33 = arith.constant 0 : i32
    %dma_start3A_34 = arith.constant 0 : i32
    %dma_start3A_35 = tpu.memref_slice %arg2[%dma_start3A_33, %dma_start3A_34] : memref<10112x128xf32, #tpu.memory_space<hbm>> -> memref<10112x128xf32, #tpu.memory_space<hbm>>
    tpu.enqueue_indirect_dma source(%dma_start3A_35 : memref<10112x128xf32, #tpu.memory_space<hbm>>) target(%arg15 : memref<128x128xf32, #tpu.memory_space<vmem>>) offsets(%dma_start3A_32 : memref<128xi32, #tpu.memory_space<vmem>>) semaphore(%arg19 : memref<!tpu.dma_semaphore, #tpu.memory_space<semaphore_mem>>)
    %dma_wait3A_36 = arith.constant 0 : i32
    %dma_wait3A_37 = arith.constant 0 : i32
    %dma_wait3A_38 = tpu.memref_slice %arg11[%dma_wait3A_36, %dma_wait3A_37] : memref<4x128xi32, #tpu.memory_space<vmem>> -> memref<1x128xi32, #tpu.memory_space<vmem>>
    %dma_wait3A_39 = tpu.memref_squeeze %dma_wait3A_38 : memref<1x128xi32, #tpu.memory_space<vmem>> -> memref<128xi32, #tpu.memory_space<vmem>>
    %dma_wait3A_40 = arith.constant 0 : i32
    %dma_wait3A_41 = arith.constant 0 : i32
    %dma_wait3A_42 = tpu.memref_slice %arg2[%dma_wait3A_40, %dma_wait3A_41] : memref<10112x128xf32, #tpu.memory_space<hbm>> -> memref<10112x128xf32, #tpu.memory_space<hbm>>
    tpu.wait_indirect_dma semaphore(%arg19 : memref<!tpu.dma_semaphore, #tpu.memory_space<semaphore_mem>>) src(%dma_wait3A_42 : memref<10112x128xf32, #tpu.memory_space<hbm>>) dst(%arg15 : memref<128x128xf32, #tpu.memory_space<vmem>>)
    %mul3A_43 = arith.constant 384 : i32
    %mul3A_44 = arith.muli %add3A, %mul3A_43 : i32
    %add3A_45 = arith.constant 128 : i32
    %add3A_46 = arith.addi %mul3A_44, %add3A_45 : i32
    "tpu.region"() ({
      %run_scoped3A_127 = tpu.sem_alloc : memref<!tpu.dma_semaphore, #tpu.memory_space<semaphore_mem>>
      %dma_start3A_128 = arith.constant 0 : i32
      %dma_start3A_129 = tpu.memref_slice %arg8[%add3A_46, %dma_start3A_128] : memref<12288x128xf32, #tpu.memory_space<hbm>> -> memref<128x128xf32, #tpu.memory_space<hbm>>
      %dma_start3A_130 = arith.constant 0 : i32
      %dma_start3A_131 = tpu.memref_slice %arg8[%add3A_46, %dma_start3A_130] : memref<12288x128xf32, #tpu.memory_space<hbm>> -> memref<128x128xf32, #tpu.memory_space<hbm>>
      tpu.enqueue_dma source(%arg15 : memref<128x128xf32, #tpu.memory_space<vmem>>) target(%dma_start3A_131 : memref<128x128xf32, #tpu.memory_space<hbm>>) target_semaphore(%run_scoped3A_127 : memref<!tpu.dma_semaphore, #tpu.memory_space<semaphore_mem>>)
      %dma_wait3A_132 = arith.constant 0 : i32
      %dma_wait3A_133 = tpu.memref_slice %arg8[%add3A_46, %dma_wait3A_132] : memref<12288x128xf32, #tpu.memory_space<hbm>> -> memref<128x128xf32, #tpu.memory_space<hbm>>
      %dma_wait3A_134 = arith.constant 0 : i32
      %dma_wait3A_135 = tpu.memref_slice %arg8[%add3A_46, %dma_wait3A_134] : memref<12288x128xf32, #tpu.memory_space<hbm>> -> memref<128x128xf32, #tpu.memory_space<hbm>>
      tpu.wait_dma2 semaphore(%run_scoped3A_127 : memref<!tpu.dma_semaphore, #tpu.memory_space<semaphore_mem>>) src(%arg15 : memref<128x128xf32, #tpu.memory_space<vmem>>) dst(%dma_wait3A_135 : memref<128x128xf32, #tpu.memory_space<hbm>>)
      tpu.yield
    }) : () -> ()
    %mul3A_47 = arith.constant 384 : i32
    %mul3A_48 = arith.muli %add3A, %mul3A_47 : i32
    %add3A_49 = arith.constant 256 : i32
    %add3A_50 = arith.addi %mul3A_48, %add3A_49 : i32
    %run_scoped3A_51 = arith.constant 0 : i32
    "tpu.region"() ({
      %run_scoped3A_127 = tpu.sem_alloc : memref<!tpu.dma_semaphore, #tpu.memory_space<semaphore_mem>>
      %dma_start3A_128 = arith.constant 0 : i32
      %dma_start3A_129 = tpu.memref_slice %arg11[%run_scoped3A_51, %dma_start3A_128] : memref<4x128xi32, #tpu.memory_space<vmem>> -> memref<1x128xi32, #tpu.memory_space<vmem>>
      %dma_start3A_130 = tpu.memref_squeeze %dma_start3A_129 : memref<1x128xi32, #tpu.memory_space<vmem>> -> memref<128xi32, #tpu.memory_space<vmem>>
      %dma_start3A_131 = tpu.memref_slice %arg5[%add3A_50] : memref<12288xi32, #tpu.memory_space<hbm>> -> memref<128xi32, #tpu.memory_space<hbm>>
      %dma_start3A_132 = arith.constant 0 : i32
      %dma_start3A_133 = tpu.memref_slice %arg11[%run_scoped3A_51, %dma_start3A_132] : memref<4x128xi32, #tpu.memory_space<vmem>> -> memref<1x128xi32, #tpu.memory_space<vmem>>
      %dma_start3A_134 = tpu.memref_squeeze %dma_start3A_133 : memref<1x128xi32, #tpu.memory_space<vmem>> -> memref<128xi32, #tpu.memory_space<vmem>>
      %dma_start3A_135 = tpu.memref_slice %arg5[%add3A_50] : memref<12288xi32, #tpu.memory_space<hbm>> -> memref<128xi32, #tpu.memory_space<hbm>>
      tpu.enqueue_dma source(%dma_start3A_135 : memref<128xi32, #tpu.memory_space<hbm>>) target(%dma_start3A_134 : memref<128xi32, #tpu.memory_space<vmem>>) target_semaphore(%run_scoped3A_127 : memref<!tpu.dma_semaphore, #tpu.memory_space<semaphore_mem>>)
      %dma_wait3A_136 = arith.constant 0 : i32
      %dma_wait3A_137 = tpu.memref_slice %arg11[%run_scoped3A_51, %dma_wait3A_136] : memref<4x128xi32, #tpu.memory_space<vmem>> -> memref<1x128xi32, #tpu.memory_space<vmem>>
      %dma_wait3A_138 = tpu.memref_squeeze %dma_wait3A_137 : memref<1x128xi32, #tpu.memory_space<vmem>> -> memref<128xi32, #tpu.memory_space<vmem>>
      %dma_wait3A_139 = tpu.memref_slice %arg5[%add3A_50] : memref<12288xi32, #tpu.memory_space<hbm>> -> memref<128xi32, #tpu.memory_space<hbm>>
      %dma_wait3A_140 = arith.constant 0 : i32
      %dma_wait3A_141 = tpu.memref_slice %arg11[%run_scoped3A_51, %dma_wait3A_140] : memref<4x128xi32, #tpu.memory_space<vmem>> -> memref<1x128xi32, #tpu.memory_space<vmem>>
      %dma_wait3A_142 = tpu.memref_squeeze %dma_wait3A_141 : memref<1x128xi32, #tpu.memory_space<vmem>> -> memref<128xi32, #tpu.memory_space<vmem>>
      %dma_wait3A_143 = tpu.memref_slice %arg5[%add3A_50] : memref<12288xi32, #tpu.memory_space<hbm>> -> memref<128xi32, #tpu.memory_space<hbm>>
      tpu.wait_dma2 semaphore(%run_scoped3A_127 : memref<!tpu.dma_semaphore, #tpu.memory_space<semaphore_mem>>) src(%dma_wait3A_143 : memref<128xi32, #tpu.memory_space<hbm>>) dst(%dma_wait3A_142 : memref<128xi32, #tpu.memory_space<vmem>>)
      tpu.yield
    }) : () -> ()
    %dma_start3A_52 = arith.constant 0 : i32
    %dma_start3A_53 = arith.constant 0 : i32
    %dma_start3A_54 = tpu.memref_slice %arg11[%dma_start3A_52, %dma_start3A_53] : memref<4x128xi32, #tpu.memory_space<vmem>> -> memref<1x128xi32, #tpu.memory_space<vmem>>
    %dma_start3A_55 = tpu.memref_squeeze %dma_start3A_54 : memref<1x128xi32, #tpu.memory_space<vmem>> -> memref<128xi32, #tpu.memory_space<vmem>>
    %dma_start3A_56 = arith.constant 0 : i32
    %dma_start3A_57 = arith.constant 0 : i32
    %dma_start3A_58 = tpu.memref_slice %arg2[%dma_start3A_56, %dma_start3A_57] : memref<10112x128xf32, #tpu.memory_space<hbm>> -> memref<10112x128xf32, #tpu.memory_space<hbm>>
    tpu.enqueue_indirect_dma source(%dma_start3A_58 : memref<10112x128xf32, #tpu.memory_space<hbm>>) target(%arg15 : memref<128x128xf32, #tpu.memory_space<vmem>>) offsets(%dma_start3A_55 : memref<128xi32, #tpu.memory_space<vmem>>) semaphore(%arg19 : memref<!tpu.dma_semaphore, #tpu.memory_space<semaphore_mem>>)
    %dma_wait3A_59 = arith.constant 0 : i32
    %dma_wait3A_60 = arith.constant 0 : i32
    %dma_wait3A_61 = tpu.memref_slice %arg11[%dma_wait3A_59, %dma_wait3A_60] : memref<4x128xi32, #tpu.memory_space<vmem>> -> memref<1x128xi32, #tpu.memory_space<vmem>>
    %dma_wait3A_62 = tpu.memref_squeeze %dma_wait3A_61 : memref<1x128xi32, #tpu.memory_space<vmem>> -> memref<128xi32, #tpu.memory_space<vmem>>
    %dma_wait3A_63 = arith.constant 0 : i32
    %dma_wait3A_64 = arith.constant 0 : i32
    %dma_wait3A_65 = tpu.memref_slice %arg2[%dma_wait3A_63, %dma_wait3A_64] : memref<10112x128xf32, #tpu.memory_space<hbm>> -> memref<10112x128xf32, #tpu.memory_space<hbm>>
    tpu.wait_indirect_dma semaphore(%arg19 : memref<!tpu.dma_semaphore, #tpu.memory_space<semaphore_mem>>) src(%dma_wait3A_65 : memref<10112x128xf32, #tpu.memory_space<hbm>>) dst(%arg15 : memref<128x128xf32, #tpu.memory_space<vmem>>)
    %mul3A_66 = arith.constant 384 : i32
    %mul3A_67 = arith.muli %add3A, %mul3A_66 : i32
    %add3A_68 = arith.constant 256 : i32
    %add3A_69 = arith.addi %mul3A_67, %add3A_68 : i32
    "tpu.region"() ({
      %run_scoped3A_127 = tpu.sem_alloc : memref<!tpu.dma_semaphore, #tpu.memory_space<semaphore_mem>>
      %dma_start3A_128 = arith.constant 0 : i32
      %dma_start3A_129 = tpu.memref_slice %arg8[%add3A_69, %dma_start3A_128] : memref<12288x128xf32, #tpu.memory_space<hbm>> -> memref<128x128xf32, #tpu.memory_space<hbm>>
      %dma_start3A_130 = arith.constant 0 : i32
      %dma_start3A_131 = tpu.memref_slice %arg8[%add3A_69, %dma_start3A_130] : memref<12288x128xf32, #tpu.memory_space<hbm>> -> memref<128x128xf32, #tpu.memory_space<hbm>>
      tpu.enqueue_dma source(%arg15 : memref<128x128xf32, #tpu.memory_space<vmem>>) target(%dma_start3A_131 : memref<128x128xf32, #tpu.memory_space<hbm>>) target_semaphore(%run_scoped3A_127 : memref<!tpu.dma_semaphore, #tpu.memory_space<semaphore_mem>>)
      %dma_wait3A_132 = arith.constant 0 : i32
      %dma_wait3A_133 = tpu.memref_slice %arg8[%add3A_69, %dma_wait3A_132] : memref<12288x128xf32, #tpu.memory_space<hbm>> -> memref<128x128xf32, #tpu.memory_space<hbm>>
      %dma_wait3A_134 = arith.constant 0 : i32
      %dma_wait3A_135 = tpu.memref_slice %arg8[%add3A_69, %dma_wait3A_134] : memref<12288x128xf32, #tpu.memory_space<hbm>> -> memref<128x128xf32, #tpu.memory_space<hbm>>
      tpu.wait_dma2 semaphore(%run_scoped3A_127 : memref<!tpu.dma_semaphore, #tpu.memory_space<semaphore_mem>>) src(%arg15 : memref<128x128xf32, #tpu.memory_space<vmem>>) dst(%dma_wait3A_135 : memref<128x128xf32, #tpu.memory_space<hbm>>)
      tpu.yield
    }) : () -> ()
    %barrier3A = arith.constant 0 : index
    tpu.barrier barrier_id(%barrier3A)
    %mul3A_70 = arith.constant 80 : i32
    %mul3A_71 = arith.muli %add3A, %mul3A_70 : i32
    %add3A_72 = arith.constant 0 : i32
    %add3A_73 = arith.addi %mul3A_71, %add3A_72 : i32
    %dma_start3A_74 = arith.constant 0 : i32
    %dma_start3A_75 = tpu.memref_slice %arg3[%add3A_73, %dma_start3A_74] : memref<2560x128xi32, #tpu.memory_space<hbm>> -> memref<4x128xi32, #tpu.memory_space<hbm>>
    %dma_start3A_76 = arith.constant 0 : i32
    %dma_start3A_77 = tpu.memref_slice %arg3[%add3A_73, %dma_start3A_76] : memref<2560x128xi32, #tpu.memory_space<hbm>> -> memref<4x128xi32, #tpu.memory_space<hbm>>
    tpu.enqueue_dma source(%dma_start3A_77 : memref<4x128xi32, #tpu.memory_space<hbm>>) target(%arg11 : memref<4x128xi32, #tpu.memory_space<vmem>>) target_semaphore(%arg23 : memref<!tpu.dma_semaphore, #tpu.memory_space<semaphore_mem>>)
    %mul3A_78 = arith.constant 80 : i32
    %mul3A_79 = arith.muli %add3A, %mul3A_78 : i32
    %add3A_80 = arith.constant 0 : i32
    %add3A_81 = arith.addi %mul3A_79, %add3A_80 : i32
    %dma_start3A_82 = arith.constant 0 : i32
    %dma_start3A_83 = tpu.memref_slice %arg4[%add3A_81, %dma_start3A_82] : memref<2560x128xi32, #tpu.memory_space<hbm>> -> memref<4x128xi32, #tpu.memory_space<hbm>>
    %dma_start3A_84 = arith.constant 0 : i32
    %dma_start3A_85 = tpu.memref_slice %arg4[%add3A_81, %dma_start3A_84] : memref<2560x128xi32, #tpu.memory_space<hbm>> -> memref<4x128xi32, #tpu.memory_space<hbm>>
    tpu.enqueue_dma source(%dma_start3A_85 : memref<4x128xi32, #tpu.memory_space<hbm>>) target(%arg12 : memref<4x128xi32, #tpu.memory_space<vmem>>) target_semaphore(%arg23 : memref<!tpu.dma_semaphore, #tpu.memory_space<semaphore_mem>>)
    %dma_wait3A_86 = arith.constant 0 : i32
    %dma_wait3A_87 = tpu.memref_slice %arg3[%add3A_73, %dma_wait3A_86] : memref<2560x128xi32, #tpu.memory_space<hbm>> -> memref<4x128xi32, #tpu.memory_space<hbm>>
    %dma_wait3A_88 = arith.constant 0 : i32
    %dma_wait3A_89 = tpu.memref_slice %arg3[%add3A_73, %dma_wait3A_88] : memref<2560x128xi32, #tpu.memory_space<hbm>> -> memref<4x128xi32, #tpu.memory_space<hbm>>
    tpu.wait_dma2 semaphore(%arg23 : memref<!tpu.dma_semaphore, #tpu.memory_space<semaphore_mem>>) src(%dma_wait3A_89 : memref<4x128xi32, #tpu.memory_space<hbm>>) dst(%arg11 : memref<4x128xi32, #tpu.memory_space<vmem>>)
    %dma_wait3A_90 = arith.constant 0 : i32
    %dma_wait3A_91 = tpu.memref_slice %arg4[%add3A_81, %dma_wait3A_90] : memref<2560x128xi32, #tpu.memory_space<hbm>> -> memref<4x128xi32, #tpu.memory_space<hbm>>
    %dma_wait3A_92 = arith.constant 0 : i32
    %dma_wait3A_93 = tpu.memref_slice %arg4[%add3A_81, %dma_wait3A_92] : memref<2560x128xi32, #tpu.memory_space<hbm>> -> memref<4x128xi32, #tpu.memory_space<hbm>>
    tpu.wait_dma2 semaphore(%arg23 : memref<!tpu.dma_semaphore, #tpu.memory_space<semaphore_mem>>) src(%dma_wait3A_93 : memref<4x128xi32, #tpu.memory_space<hbm>>) dst(%arg12 : memref<4x128xi32, #tpu.memory_space<vmem>>)
    %mul3A_94 = arith.constant 80 : i32
    %mul3A_95 = arith.muli %add3A, %mul3A_94 : i32
    %add3A_96 = arith.constant 4 : i32
    %add3A_97 = arith.addi %mul3A_95, %add3A_96 : i32
    %dma_start3A_98 = arith.constant 0 : i32
    %dma_start3A_99 = tpu.memref_slice %arg3[%add3A_97, %dma_start3A_98] : memref<2560x128xi32, #tpu.memory_space<hbm>> -> memref<4x128xi32, #tpu.memory_space<hbm>>
    %dma_start3A_100 = arith.constant 0 : i32
    %dma_start3A_101 = tpu.memref_slice %arg3[%add3A_97, %dma_start3A_100] : memref<2560x128xi32, #tpu.memory_space<hbm>> -> memref<4x128xi32, #tpu.memory_space<hbm>>
    tpu.enqueue_dma source(%dma_start3A_101 : memref<4x128xi32, #tpu.memory_space<hbm>>) target(%arg13 : memref<4x128xi32, #tpu.memory_space<vmem>>) target_semaphore(%arg24 : memref<!tpu.dma_semaphore, #tpu.memory_space<semaphore_mem>>)
    %mul3A_102 = arith.constant 80 : i32
    %mul3A_103 = arith.muli %add3A, %mul3A_102 : i32
    %add3A_104 = arith.constant 4 : i32
    %add3A_105 = arith.addi %mul3A_103, %add3A_104 : i32
    %dma_start3A_106 = arith.constant 0 : i32
    %dma_start3A_107 = tpu.memref_slice %arg4[%add3A_105, %dma_start3A_106] : memref<2560x128xi32, #tpu.memory_space<hbm>> -> memref<4x128xi32, #tpu.memory_space<hbm>>
    %dma_start3A_108 = arith.constant 0 : i32
    %dma_start3A_109 = tpu.memref_slice %arg4[%add3A_105, %dma_start3A_108] : memref<2560x128xi32, #tpu.memory_space<hbm>> -> memref<4x128xi32, #tpu.memory_space<hbm>>
    tpu.enqueue_dma source(%dma_start3A_109 : memref<4x128xi32, #tpu.memory_space<hbm>>) target(%arg14 : memref<4x128xi32, #tpu.memory_space<vmem>>) target_semaphore(%arg24 : memref<!tpu.dma_semaphore, #tpu.memory_space<semaphore_mem>>)
    %dma_start3A_110 = arith.constant 0 : i32
    %dma_start3A_111 = arith.constant 0 : i32
    %dma_start3A_112 = tpu.memref_slice %arg11[%dma_start3A_110, %dma_start3A_111] : memref<4x128xi32, #tpu.memory_space<vmem>> -> memref<1x128xi32, #tpu.memory_space<vmem>>
    %dma_start3A_113 = tpu.memref_squeeze %dma_start3A_112 : memref<1x128xi32, #tpu.memory_space<vmem>> -> memref<128xi32, #tpu.memory_space<vmem>>
    %dma_start3A_114 = arith.constant 0 : i32
    %dma_start3A_115 = arith.constant 0 : i32
    %dma_start3A_116 = tpu.memref_slice %arg2[%dma_start3A_114, %dma_start3A_115] : memref<10112x128xf32, #tpu.memory_space<hbm>> -> memref<10112x128xf32, #tpu.memory_space<hbm>>
    tpu.enqueue_indirect_dma source(%dma_start3A_116 : memref<10112x128xf32, #tpu.memory_space<hbm>>) target(%arg15 : memref<128x128xf32, #tpu.memory_space<vmem>>) offsets(%dma_start3A_113 : memref<128xi32, #tpu.memory_space<vmem>>) semaphore(%arg19 : memref<!tpu.dma_semaphore, #tpu.memory_space<semaphore_mem>>)
    %scan3A = arith.constant 0 : i32
    %scan3A_117 = arith.constant 0 : i32
    %scan3A_118 = arith.constant 10 : i32
    %scan3A_119 = arith.addi %scan3A_117, %scan3A_118 : i32
    %scan3A_120 = arith.constant 1 : i32
    scf.for %scan3A_127 = %scan3A_117 to %scan3A_119 step %scan3A_120  : i32 {
      %mul3A_128 = arith.constant 2 : i32
      %mul3A_129 = arith.muli %mul3A_128, %scan3A_127 : i32
      %add3A_130 = arith.constant 2 : i32
      %add3A_131 = arith.addi %mul3A_129, %add3A_130 : i32
      %mul3A_132 = arith.constant 2 : i32
      %mul3A_133 = arith.muli %mul3A_132, %scan3A_127 : i32
      %add3A_134 = arith.constant 3 : i32
      %add3A_135 = arith.addi %mul3A_133, %add3A_134 : i32
      %dma_start3A_136 = arith.constant 1 : i32
      %dma_start3A_137 = arith.constant 0 : i32
      %dma_start3A_138 = tpu.memref_slice %arg11[%dma_start3A_136, %dma_start3A_137] : memref<4x128xi32, #tpu.memory_space<vmem>> -> memref<1x128xi32, #tpu.memory_space<vmem>>
      %dma_start3A_139 = tpu.memref_squeeze %dma_start3A_138 : memref<1x128xi32, #tpu.memory_space<vmem>> -> memref<128xi32, #tpu.memory_space<vmem>>
      %dma_start3A_140 = arith.constant 0 : i32
      %dma_start3A_141 = arith.constant 0 : i32
      %dma_start3A_142 = tpu.memref_slice %arg2[%dma_start3A_140, %dma_start3A_141] : memref<10112x128xf32, #tpu.memory_space<hbm>> -> memref<10112x128xf32, #tpu.memory_space<hbm>>
      tpu.enqueue_indirect_dma source(%dma_start3A_142 : memref<10112x128xf32, #tpu.memory_space<hbm>>) target(%arg16 : memref<128x128xf32, #tpu.memory_space<vmem>>) offsets(%dma_start3A_139 : memref<128xi32, #tpu.memory_space<vmem>>) semaphore(%arg20 : memref<!tpu.dma_semaphore, #tpu.memory_space<semaphore_mem>>)
      %dma_wait3A_143 = arith.constant 0 : i32
      %dma_wait3A_144 = arith.constant 0 : i32
      %dma_wait3A_145 = tpu.memref_slice %arg11[%dma_wait3A_143, %dma_wait3A_144] : memref<4x128xi32, #tpu.memory_space<vmem>> -> memref<1x128xi32, #tpu.memory_space<vmem>>
      %dma_wait3A_146 = tpu.memref_squeeze %dma_wait3A_145 : memref<1x128xi32, #tpu.memory_space<vmem>> -> memref<128xi32, #tpu.memory_space<vmem>>
      %dma_wait3A_147 = arith.constant 0 : i32
      %dma_wait3A_148 = arith.constant 0 : i32
      %dma_wait3A_149 = tpu.memref_slice %arg2[%dma_wait3A_147, %dma_wait3A_148] : memref<10112x128xf32, #tpu.memory_space<hbm>> -> memref<10112x128xf32, #tpu.memory_space<hbm>>
      tpu.wait_indirect_dma semaphore(%arg19 : memref<!tpu.dma_semaphore, #tpu.memory_space<semaphore_mem>>) src(%dma_wait3A_149 : memref<10112x128xf32, #tpu.memory_space<hbm>>) dst(%arg15 : memref<128x128xf32, #tpu.memory_space<vmem>>)
      %dma_start3A_150 = arith.constant 0 : i32
      %dma_start3A_151 = arith.constant 0 : i32
      %dma_start3A_152 = tpu.memref_slice %arg12[%dma_start3A_150, %dma_start3A_151] : memref<4x128xi32, #tpu.memory_space<vmem>> -> memref<1x128xi32, #tpu.memory_space<vmem>>
      %dma_start3A_153 = tpu.memref_squeeze %dma_start3A_152 : memref<1x128xi32, #tpu.memory_space<vmem>> -> memref<128xi32, #tpu.memory_space<vmem>>
      %dma_start3A_154 = arith.constant 0 : i32
      %dma_start3A_155 = arith.constant 0 : i32
      %dma_start3A_156 = tpu.memref_slice %arg18[%dma_start3A_154, %dma_start3A_155] : memref<10112x128xf32, #tpu.memory_space<vmem_shared>> -> memref<10112x128xf32, #tpu.memory_space<vmem_shared>>
      tpu.enqueue_indirect_dma source(%arg15 : memref<128x128xf32, #tpu.memory_space<vmem>>) target(%dma_start3A_156 : memref<10112x128xf32, #tpu.memory_space<vmem_shared>>) offsets(%dma_start3A_153 : memref<128xi32, #tpu.memory_space<vmem>>) semaphore(%arg21 : memref<!tpu.dma_semaphore, #tpu.memory_space<semaphore_mem>>) {add = true}
      %get3A = arith.constant 0 : i32
      %get3A_157 = arith.index_cast %get3A : i32 to index
      %get3A_158 = arith.constant 0 : index
      %get3A_159 = tpu.vector_load %arg12[%get3A_157, %get3A_158] {strides = array<i32>} : memref<4x128xi32, #tpu.memory_space<vmem>>, vector<16xi32>,
      tpu.vector_store_idx %arg17[%get3A_159], %broadcast_in_dim3A_1 {add = true} : memref<10112xf32, #tpu.memory_space<vmem>>[vector<16xi32>], vector<16xf32>,
      %get3A_160 = arith.constant 0 : i32
      %get3A_161 = arith.index_cast %get3A_160 : i32 to index
      %get3A_162 = arith.constant 16 : index
      %get3A_163 = tpu.vector_load %arg12[%get3A_161, %get3A_162] {strides = array<i32>} : memref<4x128xi32, #tpu.memory_space<vmem>>, vector<16xi32>,
      tpu.vector_store_idx %arg17[%get3A_163], %broadcast_in_dim3A_1 {add = true} : memref<10112xf32, #tpu.memory_space<vmem>>[vector<16xi32>], vector<16xf32>,
      %get3A_164 = arith.constant 0 : i32
      %get3A_165 = arith.index_cast %get3A_164 : i32 to index
      %get3A_166 = arith.constant 32 : index
      %get3A_167 = tpu.vector_load %arg12[%get3A_165, %get3A_166] {strides = array<i32>} : memref<4x128xi32, #tpu.memory_space<vmem>>, vector<16xi32>,
      tpu.vector_store_idx %arg17[%get3A_167], %broadcast_in_dim3A_1 {add = true} : memref<10112xf32, #tpu.memory_space<vmem>>[vector<16xi32>], vector<16xf32>,
      %get3A_168 = arith.constant 0 : i32
      %get3A_169 = arith.index_cast %get3A_168 : i32 to index
      %get3A_170 = arith.constant 48 : index
      %get3A_171 = tpu.vector_load %arg12[%get3A_169, %get3A_170] {strides = array<i32>} : memref<4x128xi32, #tpu.memory_space<vmem>>, vector<16xi32>,
      tpu.vector_store_idx %arg17[%get3A_171], %broadcast_in_dim3A_1 {add = true} : memref<10112xf32, #tpu.memory_space<vmem>>[vector<16xi32>], vector<16xf32>,
      %get3A_172 = arith.constant 0 : i32
      %get3A_173 = arith.index_cast %get3A_172 : i32 to index
      %get3A_174 = arith.constant 64 : index
      %get3A_175 = tpu.vector_load %arg12[%get3A_173, %get3A_174] {strides = array<i32>} : memref<4x128xi32, #tpu.memory_space<vmem>>, vector<16xi32>,
      tpu.vector_store_idx %arg17[%get3A_175], %broadcast_in_dim3A_1 {add = true} : memref<10112xf32, #tpu.memory_space<vmem>>[vector<16xi32>], vector<16xf32>,
      %get3A_176 = arith.constant 0 : i32
      %get3A_177 = arith.index_cast %get3A_176 : i32 to index
      %get3A_178 = arith.constant 80 : index
      %get3A_179 = tpu.vector_load %arg12[%get3A_177, %get3A_178] {strides = array<i32>} : memref<4x128xi32, #tpu.memory_space<vmem>>, vector<16xi32>,
      tpu.vector_store_idx %arg17[%get3A_179], %broadcast_in_dim3A_1 {add = true} : memref<10112xf32, #tpu.memory_space<vmem>>[vector<16xi32>], vector<16xf32>,
      %get3A_180 = arith.constant 0 : i32
      %get3A_181 = arith.index_cast %get3A_180 : i32 to index
      %get3A_182 = arith.constant 96 : index
      %get3A_183 = tpu.vector_load %arg12[%get3A_181, %get3A_182] {strides = array<i32>} : memref<4x128xi32, #tpu.memory_space<vmem>>, vector<16xi32>,
      tpu.vector_store_idx %arg17[%get3A_183], %broadcast_in_dim3A_1 {add = true} : memref<10112xf32, #tpu.memory_space<vmem>>[vector<16xi32>], vector<16xf32>,
      %get3A_184 = arith.constant 0 : i32
      %get3A_185 = arith.index_cast %get3A_184 : i32 to index
      %get3A_186 = arith.constant 112 : index
      %get3A_187 = tpu.vector_load %arg12[%get3A_185, %get3A_186] {strides = array<i32>} : memref<4x128xi32, #tpu.memory_space<vmem>>, vector<16xi32>,
      tpu.vector_store_idx %arg17[%get3A_187], %broadcast_in_dim3A_1 {add = true} : memref<10112xf32, #tpu.memory_space<vmem>>[vector<16xi32>], vector<16xf32>,
      %dma_wait3A_188 = arith.constant 0 : i32
      %dma_wait3A_189 = arith.constant 0 : i32
      %dma_wait3A_190 = tpu.memref_slice %arg12[%dma_wait3A_188, %dma_wait3A_189] : memref<4x128xi32, #tpu.memory_space<vmem>> -> memref<1x128xi32, #tpu.memory_space<vmem>>
      %dma_wait3A_191 = tpu.memref_squeeze %dma_wait3A_190 : memref<1x128xi32, #tpu.memory_space<vmem>> -> memref<128xi32, #tpu.memory_space<vmem>>
      %dma_wait3A_192 = arith.constant 0 : i32
      %dma_wait3A_193 = arith.constant 0 : i32
      %dma_wait3A_194 = tpu.memref_slice %arg18[%dma_wait3A_192, %dma_wait3A_193] : memref<10112x128xf32, #tpu.memory_space<vmem_shared>> -> memref<10112x128xf32, #tpu.memory_space<vmem_shared>>
      tpu.wait_indirect_dma semaphore(%arg21 : memref<!tpu.dma_semaphore, #tpu.memory_space<semaphore_mem>>) src(%arg15 : memref<128x128xf32, #tpu.memory_space<vmem>>) dst(%dma_wait3A_194 : memref<10112x128xf32, #tpu.memory_space<vmem_shared>>)
      %dma_start3A_195 = arith.constant 2 : i32
      %dma_start3A_196 = arith.constant 0 : i32
      %dma_start3A_197 = tpu.memref_slice %arg11[%dma_start3A_195, %dma_start3A_196] : memref<4x128xi32, #tpu.memory_space<vmem>> -> memref<1x128xi32, #tpu.memory_space<vmem>>
      %dma_start3A_198 = tpu.memref_squeeze %dma_start3A_197 : memref<1x128xi32, #tpu.memory_space<vmem>> -> memref<128xi32, #tpu.memory_space<vmem>>
      %dma_start3A_199 = arith.constant 0 : i32
      %dma_start3A_200 = arith.constant 0 : i32
      %dma_start3A_201 = tpu.memref_slice %arg2[%dma_start3A_199, %dma_start3A_200] : memref<10112x128xf32, #tpu.memory_space<hbm>> -> memref<10112x128xf32, #tpu.memory_space<hbm>>
      tpu.enqueue_indirect_dma source(%dma_start3A_201 : memref<10112x128xf32, #tpu.memory_space<hbm>>) target(%arg15 : memref<128x128xf32, #tpu.memory_space<vmem>>) offsets(%dma_start3A_198 : memref<128xi32, #tpu.memory_space<vmem>>) semaphore(%arg19 : memref<!tpu.dma_semaphore, #tpu.memory_space<semaphore_mem>>)
      %dma_wait3A_202 = arith.constant 1 : i32
      %dma_wait3A_203 = arith.constant 0 : i32
      %dma_wait3A_204 = tpu.memref_slice %arg11[%dma_wait3A_202, %dma_wait3A_203] : memref<4x128xi32, #tpu.memory_space<vmem>> -> memref<1x128xi32, #tpu.memory_space<vmem>>
      %dma_wait3A_205 = tpu.memref_squeeze %dma_wait3A_204 : memref<1x128xi32, #tpu.memory_space<vmem>> -> memref<128xi32, #tpu.memory_space<vmem>>
      %dma_wait3A_206 = arith.constant 0 : i32
      %dma_wait3A_207 = arith.constant 0 : i32
      %dma_wait3A_208 = tpu.memref_slice %arg2[%dma_wait3A_206, %dma_wait3A_207] : memref<10112x128xf32, #tpu.memory_space<hbm>> -> memref<10112x128xf32, #tpu.memory_space<hbm>>
      tpu.wait_indirect_dma semaphore(%arg20 : memref<!tpu.dma_semaphore, #tpu.memory_space<semaphore_mem>>) src(%dma_wait3A_208 : memref<10112x128xf32, #tpu.memory_space<hbm>>) dst(%arg16 : memref<128x128xf32, #tpu.memory_space<vmem>>)
      %dma_start3A_209 = arith.constant 1 : i32
      %dma_start3A_210 = arith.constant 0 : i32
      %dma_start3A_211 = tpu.memref_slice %arg12[%dma_start3A_209, %dma_start3A_210] : memref<4x128xi32, #tpu.memory_space<vmem>> -> memref<1x128xi32, #tpu.memory_space<vmem>>
      %dma_start3A_212 = tpu.memref_squeeze %dma_start3A_211 : memref<1x128xi32, #tpu.memory_space<vmem>> -> memref<128xi32, #tpu.memory_space<vmem>>
      %dma_start3A_213 = arith.constant 0 : i32
      %dma_start3A_214 = arith.constant 0 : i32
      %dma_start3A_215 = tpu.memref_slice %arg18[%dma_start3A_213, %dma_start3A_214] : memref<10112x128xf32, #tpu.memory_space<vmem_shared>> -> memref<10112x128xf32, #tpu.memory_space<vmem_shared>>
      tpu.enqueue_indirect_dma source(%arg16 : memref<128x128xf32, #tpu.memory_space<vmem>>) target(%dma_start3A_215 : memref<10112x128xf32, #tpu.memory_space<vmem_shared>>) offsets(%dma_start3A_212 : memref<128xi32, #tpu.memory_space<vmem>>) semaphore(%arg22 : memref<!tpu.dma_semaphore, #tpu.memory_space<semaphore_mem>>) {add = true}
      %get3A_216 = arith.constant 1 : i32
      %get3A_217 = arith.index_cast %get3A_216 : i32 to index
      %get3A_218 = arith.constant 0 : index
      %get3A_219 = tpu.vector_load %arg12[%get3A_217, %get3A_218] {strides = array<i32>} : memref<4x128xi32, #tpu.memory_space<vmem>>, vector<16xi32>,
      tpu.vector_store_idx %arg17[%get3A_219], %broadcast_in_dim3A_1 {add = true} : memref<10112xf32, #tpu.memory_space<vmem>>[vector<16xi32>], vector<16xf32>,
      %get3A_220 = arith.constant 1 : i32
      %get3A_221 = arith.index_cast %get3A_220 : i32 to index
      %get3A_222 = arith.constant 16 : index
      %get3A_223 = tpu.vector_load %arg12[%get3A_221, %get3A_222] {strides = array<i32>} : memref<4x128xi32, #tpu.memory_space<vmem>>, vector<16xi32>,
      tpu.vector_store_idx %arg17[%get3A_223], %broadcast_in_dim3A_1 {add = true} : memref<10112xf32, #tpu.memory_space<vmem>>[vector<16xi32>], vector<16xf32>,
      %get3A_224 = arith.constant 1 : i32
      %get3A_225 = arith.index_cast %get3A_224 : i32 to index
      %get3A_226 = arith.constant 32 : index
      %get3A_227 = tpu.vector_load %arg12[%get3A_225, %get3A_226] {strides = array<i32>} : memref<4x128xi32, #tpu.memory_space<vmem>>, vector<16xi32>,
      tpu.vector_store_idx %arg17[%get3A_227], %broadcast_in_dim3A_1 {add = true} : memref<10112xf32, #tpu.memory_space<vmem>>[vector<16xi32>], vector<16xf32>,
      %get3A_228 = arith.constant 1 : i32
      %get3A_229 = arith.index_cast %get3A_228 : i32 to index
      %get3A_230 = arith.constant 48 : index
      %get3A_231 = tpu.vector_load %arg12[%get3A_229, %get3A_230] {strides = array<i32>} : memref<4x128xi32, #tpu.memory_space<vmem>>, vector<16xi32>,
      tpu.vector_store_idx %arg17[%get3A_231], %broadcast_in_dim3A_1 {add = true} : memref<10112xf32, #tpu.memory_space<vmem>>[vector<16xi32>], vector<16xf32>,
      %get3A_232 = arith.constant 1 : i32
      %get3A_233 = arith.index_cast %get3A_232 : i32 to index
      %get3A_234 = arith.constant 64 : index
      %get3A_235 = tpu.vector_load %arg12[%get3A_233, %get3A_234] {strides = array<i32>} : memref<4x128xi32, #tpu.memory_space<vmem>>, vector<16xi32>,
      tpu.vector_store_idx %arg17[%get3A_235], %broadcast_in_dim3A_1 {add = true} : memref<10112xf32, #tpu.memory_space<vmem>>[vector<16xi32>], vector<16xf32>,
      %get3A_236 = arith.constant 1 : i32
      %get3A_237 = arith.index_cast %get3A_236 : i32 to index
      %get3A_238 = arith.constant 80 : index
      %get3A_239 = tpu.vector_load %arg12[%get3A_237, %get3A_238] {strides = array<i32>} : memref<4x128xi32, #tpu.memory_space<vmem>>, vector<16xi32>,
      tpu.vector_store_idx %arg17[%get3A_239], %broadcast_in_dim3A_1 {add = true} : memref<10112xf32, #tpu.memory_space<vmem>>[vector<16xi32>], vector<16xf32>,
      %get3A_240 = arith.constant 1 : i32
      %get3A_241 = arith.index_cast %get3A_240 : i32 to index
      %get3A_242 = arith.constant 96 : index
      %get3A_243 = tpu.vector_load %arg12[%get3A_241, %get3A_242] {strides = array<i32>} : memref<4x128xi32, #tpu.memory_space<vmem>>, vector<16xi32>,
      tpu.vector_store_idx %arg17[%get3A_243], %broadcast_in_dim3A_1 {add = true} : memref<10112xf32, #tpu.memory_space<vmem>>[vector<16xi32>], vector<16xf32>,
      %get3A_244 = arith.constant 1 : i32
      %get3A_245 = arith.index_cast %get3A_244 : i32 to index
      %get3A_246 = arith.constant 112 : index
      %get3A_247 = tpu.vector_load %arg12[%get3A_245, %get3A_246] {strides = array<i32>} : memref<4x128xi32, #tpu.memory_space<vmem>>, vector<16xi32>,
      tpu.vector_store_idx %arg17[%get3A_247], %broadcast_in_dim3A_1 {add = true} : memref<10112xf32, #tpu.memory_space<vmem>>[vector<16xi32>], vector<16xf32>,
      %dma_wait3A_248 = arith.constant 1 : i32
      %dma_wait3A_249 = arith.constant 0 : i32
      %dma_wait3A_250 = tpu.memref_slice %arg12[%dma_wait3A_248, %dma_wait3A_249] : memref<4x128xi32, #tpu.memory_space<vmem>> -> memref<1x128xi32, #tpu.memory_space<vmem>>
      %dma_wait3A_251 = tpu.memref_squeeze %dma_wait3A_250 : memref<1x128xi32, #tpu.memory_space<vmem>> -> memref<128xi32, #tpu.memory_space<vmem>>
      %dma_wait3A_252 = arith.constant 0 : i32
      %dma_wait3A_253 = arith.constant 0 : i32
      %dma_wait3A_254 = tpu.memref_slice %arg18[%dma_wait3A_252, %dma_wait3A_253] : memref<10112x128xf32, #tpu.memory_space<vmem_shared>> -> memref<10112x128xf32, #tpu.memory_space<vmem_shared>>
      tpu.wait_indirect_dma semaphore(%arg22 : memref<!tpu.dma_semaphore, #tpu.memory_space<semaphore_mem>>) src(%arg16 : memref<128x128xf32, #tpu.memory_space<vmem>>) dst(%dma_wait3A_254 : memref<10112x128xf32, #tpu.memory_space<vmem_shared>>)
      %dma_start3A_255 = arith.constant 3 : i32
      %dma_start3A_256 = arith.constant 0 : i32
      %dma_start3A_257 = tpu.memref_slice %arg11[%dma_start3A_255, %dma_start3A_256] : memref<4x128xi32, #tpu.memory_space<vmem>> -> memref<1x128xi32, #tpu.memory_space<vmem>>
      %dma_start3A_258 = tpu.memref_squeeze %dma_start3A_257 : memref<1x128xi32, #tpu.memory_space<vmem>> -> memref<128xi32, #tpu.memory_space<vmem>>
      %dma_start3A_259 = arith.constant 0 : i32
      %dma_start3A_260 = arith.constant 0 : i32
      %dma_start3A_261 = tpu.memref_slice %arg2[%dma_start3A_259, %dma_start3A_260] : memref<10112x128xf32, #tpu.memory_space<hbm>> -> memref<10112x128xf32, #tpu.memory_space<hbm>>
      tpu.enqueue_indirect_dma source(%dma_start3A_261 : memref<10112x128xf32, #tpu.memory_space<hbm>>) target(%arg16 : memref<128x128xf32, #tpu.memory_space<vmem>>) offsets(%dma_start3A_258 : memref<128xi32, #tpu.memory_space<vmem>>) semaphore(%arg20 : memref<!tpu.dma_semaphore, #tpu.memory_space<semaphore_mem>>)
      %dma_wait3A_262 = arith.constant 2 : i32
      %dma_wait3A_263 = arith.constant 0 : i32
      %dma_wait3A_264 = tpu.memref_slice %arg11[%dma_wait3A_262, %dma_wait3A_263] : memref<4x128xi32, #tpu.memory_space<vmem>> -> memref<1x128xi32, #tpu.memory_space<vmem>>
      %dma_wait3A_265 = tpu.memref_squeeze %dma_wait3A_264 : memref<1x128xi32, #tpu.memory_space<vmem>> -> memref<128xi32, #tpu.memory_space<vmem>>
      %dma_wait3A_266 = arith.constant 0 : i32
      %dma_wait3A_267 = arith.constant 0 : i32
      %dma_wait3A_268 = tpu.memref_slice %arg2[%dma_wait3A_266, %dma_wait3A_267] : memref<10112x128xf32, #tpu.memory_space<hbm>> -> memref<10112x128xf32, #tpu.memory_space<hbm>>
      tpu.wait_indirect_dma semaphore(%arg19 : memref<!tpu.dma_semaphore, #tpu.memory_space<semaphore_mem>>) src(%dma_wait3A_268 : memref<10112x128xf32, #tpu.memory_space<hbm>>) dst(%arg15 : memref<128x128xf32, #tpu.memory_space<vmem>>)
      %dma_start3A_269 = arith.constant 2 : i32
      %dma_start3A_270 = arith.constant 0 : i32
      %dma_start3A_271 = tpu.memref_slice %arg12[%dma_start3A_269, %dma_start3A_270] : memref<4x128xi32, #tpu.memory_space<vmem>> -> memref<1x128xi32, #tpu.memory_space<vmem>>
      %dma_start3A_272 = tpu.memref_squeeze %dma_start3A_271 : memref<1x128xi32, #tpu.memory_space<vmem>> -> memref<128xi32, #tpu.memory_space<vmem>>
      %dma_start3A_273 = arith.constant 0 : i32
      %dma_start3A_274 = arith.constant 0 : i32
      %dma_start3A_275 = tpu.memref_slice %arg18[%dma_start3A_273, %dma_start3A_274] : memref<10112x128xf32, #tpu.memory_space<vmem_shared>> -> memref<10112x128xf32, #tpu.memory_space<vmem_shared>>
      tpu.enqueue_indirect_dma source(%arg15 : memref<128x128xf32, #tpu.memory_space<vmem>>) target(%dma_start3A_275 : memref<10112x128xf32, #tpu.memory_space<vmem_shared>>) offsets(%dma_start3A_272 : memref<128xi32, #tpu.memory_space<vmem>>) semaphore(%arg21 : memref<!tpu.dma_semaphore, #tpu.memory_space<semaphore_mem>>) {add = true}
      %get3A_276 = arith.constant 2 : i32
      %get3A_277 = arith.index_cast %get3A_276 : i32 to index
      %get3A_278 = arith.constant 0 : index
      %get3A_279 = tpu.vector_load %arg12[%get3A_277, %get3A_278] {strides = array<i32>} : memref<4x128xi32, #tpu.memory_space<vmem>>, vector<16xi32>,
      tpu.vector_store_idx %arg17[%get3A_279], %broadcast_in_dim3A_1 {add = true} : memref<10112xf32, #tpu.memory_space<vmem>>[vector<16xi32>], vector<16xf32>,
      %get3A_280 = arith.constant 2 : i32
      %get3A_281 = arith.index_cast %get3A_280 : i32 to index
      %get3A_282 = arith.constant 16 : index
      %get3A_283 = tpu.vector_load %arg12[%get3A_281, %get3A_282] {strides = array<i32>} : memref<4x128xi32, #tpu.memory_space<vmem>>, vector<16xi32>,
      tpu.vector_store_idx %arg17[%get3A_283], %broadcast_in_dim3A_1 {add = true} : memref<10112xf32, #tpu.memory_space<vmem>>[vector<16xi32>], vector<16xf32>,
      %get3A_284 = arith.constant 2 : i32
      %get3A_285 = arith.index_cast %get3A_284 : i32 to index
      %get3A_286 = arith.constant 32 : index
      %get3A_287 = tpu.vector_load %arg12[%get3A_285, %get3A_286] {strides = array<i32>} : memref<4x128xi32, #tpu.memory_space<vmem>>, vector<16xi32>,
      tpu.vector_store_idx %arg17[%get3A_287], %broadcast_in_dim3A_1 {add = true} : memref<10112xf32, #tpu.memory_space<vmem>>[vector<16xi32>], vector<16xf32>,
      %get3A_288 = arith.constant 2 : i32
      %get3A_289 = arith.index_cast %get3A_288 : i32 to index
      %get3A_290 = arith.constant 48 : index
      %get3A_291 = tpu.vector_load %arg12[%get3A_289, %get3A_290] {strides = array<i32>} : memref<4x128xi32, #tpu.memory_space<vmem>>, vector<16xi32>,
      tpu.vector_store_idx %arg17[%get3A_291], %broadcast_in_dim3A_1 {add = true} : memref<10112xf32, #tpu.memory_space<vmem>>[vector<16xi32>], vector<16xf32>,
      %get3A_292 = arith.constant 2 : i32
      %get3A_293 = arith.index_cast %get3A_292 : i32 to index
      %get3A_294 = arith.constant 64 : index
      %get3A_295 = tpu.vector_load %arg12[%get3A_293, %get3A_294] {strides = array<i32>} : memref<4x128xi32, #tpu.memory_space<vmem>>, vector<16xi32>,
      tpu.vector_store_idx %arg17[%get3A_295], %broadcast_in_dim3A_1 {add = true} : memref<10112xf32, #tpu.memory_space<vmem>>[vector<16xi32>], vector<16xf32>,
      %get3A_296 = arith.constant 2 : i32
      %get3A_297 = arith.index_cast %get3A_296 : i32 to index
      %get3A_298 = arith.constant 80 : index
      %get3A_299 = tpu.vector_load %arg12[%get3A_297, %get3A_298] {strides = array<i32>} : memref<4x128xi32, #tpu.memory_space<vmem>>, vector<16xi32>,
      tpu.vector_store_idx %arg17[%get3A_299], %broadcast_in_dim3A_1 {add = true} : memref<10112xf32, #tpu.memory_space<vmem>>[vector<16xi32>], vector<16xf32>,
      %get3A_300 = arith.constant 2 : i32
      %get3A_301 = arith.index_cast %get3A_300 : i32 to index
      %get3A_302 = arith.constant 96 : index
      %get3A_303 = tpu.vector_load %arg12[%get3A_301, %get3A_302] {strides = array<i32>} : memref<4x128xi32, #tpu.memory_space<vmem>>, vector<16xi32>,
      tpu.vector_store_idx %arg17[%get3A_303], %broadcast_in_dim3A_1 {add = true} : memref<10112xf32, #tpu.memory_space<vmem>>[vector<16xi32>], vector<16xf32>,
      %get3A_304 = arith.constant 2 : i32
      %get3A_305 = arith.index_cast %get3A_304 : i32 to index
      %get3A_306 = arith.constant 112 : index
      %get3A_307 = tpu.vector_load %arg12[%get3A_305, %get3A_306] {strides = array<i32>} : memref<4x128xi32, #tpu.memory_space<vmem>>, vector<16xi32>,
      tpu.vector_store_idx %arg17[%get3A_307], %broadcast_in_dim3A_1 {add = true} : memref<10112xf32, #tpu.memory_space<vmem>>[vector<16xi32>], vector<16xf32>,
      %dma_wait3A_308 = arith.constant 0 : i32
      %dma_wait3A_309 = arith.constant 0 : i32
      %dma_wait3A_310 = tpu.memref_slice %arg3[%dma_wait3A_308, %dma_wait3A_309] : memref<2560x128xi32, #tpu.memory_space<hbm>> -> memref<4x128xi32, #tpu.memory_space<hbm>>
      %dma_wait3A_311 = arith.constant 0 : i32
      %dma_wait3A_312 = arith.constant 0 : i32
      %dma_wait3A_313 = tpu.memref_slice %arg3[%dma_wait3A_311, %dma_wait3A_312] : memref<2560x128xi32, #tpu.memory_space<hbm>> -> memref<4x128xi32, #tpu.memory_space<hbm>>
      tpu.wait_dma2 semaphore(%arg24 : memref<!tpu.dma_semaphore, #tpu.memory_space<semaphore_mem>>) src(%dma_wait3A_313 : memref<4x128xi32, #tpu.memory_space<hbm>>) dst(%arg13 : memref<4x128xi32, #tpu.memory_space<vmem>>)
      %dma_wait3A_314 = arith.constant 0 : i32
      %dma_wait3A_315 = arith.constant 0 : i32
      %dma_wait3A_316 = tpu.memref_slice %arg4[%dma_wait3A_314, %dma_wait3A_315] : memref<2560x128xi32, #tpu.memory_space<hbm>> -> memref<4x128xi32, #tpu.memory_space<hbm>>
      %dma_wait3A_317 = arith.constant 0 : i32
      %dma_wait3A_318 = arith.constant 0 : i32
      %dma_wait3A_319 = tpu.memref_slice %arg4[%dma_wait3A_317, %dma_wait3A_318] : memref<2560x128xi32, #tpu.memory_space<hbm>> -> memref<4x128xi32, #tpu.memory_space<hbm>>
      tpu.wait_dma2 semaphore(%arg24 : memref<!tpu.dma_semaphore, #tpu.memory_space<semaphore_mem>>) src(%dma_wait3A_319 : memref<4x128xi32, #tpu.memory_space<hbm>>) dst(%arg14 : memref<4x128xi32, #tpu.memory_space<vmem>>)
      %dma_wait3A_320 = arith.constant 2 : i32
      %dma_wait3A_321 = arith.constant 0 : i32
      %dma_wait3A_322 = tpu.memref_slice %arg12[%dma_wait3A_320, %dma_wait3A_321] : memref<4x128xi32, #tpu.memory_space<vmem>> -> memref<1x128xi32, #tpu.memory_space<vmem>>
      %dma_wait3A_323 = tpu.memref_squeeze %dma_wait3A_322 : memref<1x128xi32, #tpu.memory_space<vmem>> -> memref<128xi32, #tpu.memory_space<vmem>>
      %dma_wait3A_324 = arith.constant 0 : i32
      %dma_wait3A_325 = arith.constant 0 : i32
      %dma_wait3A_326 = tpu.memref_slice %arg18[%dma_wait3A_324, %dma_wait3A_325] : memref<10112x128xf32, #tpu.memory_space<vmem_shared>> -> memref<10112x128xf32, #tpu.memory_space<vmem_shared>>
      tpu.wait_indirect_dma semaphore(%arg21 : memref<!tpu.dma_semaphore, #tpu.memory_space<semaphore_mem>>) src(%arg15 : memref<128x128xf32, #tpu.memory_space<vmem>>) dst(%dma_wait3A_326 : memref<10112x128xf32, #tpu.memory_space<vmem_shared>>)
      %dma_start3A_327 = arith.constant 0 : i32
      %dma_start3A_328 = arith.constant 0 : i32
      %dma_start3A_329 = tpu.memref_slice %arg13[%dma_start3A_327, %dma_start3A_328] : memref<4x128xi32, #tpu.memory_space<vmem>> -> memref<1x128xi32, #tpu.memory_space<vmem>>
      %dma_start3A_330 = tpu.memref_squeeze %dma_start3A_329 : memref<1x128xi32, #tpu.memory_space<vmem>> -> memref<128xi32, #tpu.memory_space<vmem>>
      %dma_start3A_331 = arith.constant 0 : i32
      %dma_start3A_332 = arith.constant 0 : i32
      %dma_start3A_333 = tpu.memref_slice %arg2[%dma_start3A_331, %dma_start3A_332] : memref<10112x128xf32, #tpu.memory_space<hbm>> -> memref<10112x128xf32, #tpu.memory_space<hbm>>
      tpu.enqueue_indirect_dma source(%dma_start3A_333 : memref<10112x128xf32, #tpu.memory_space<hbm>>) target(%arg15 : memref<128x128xf32, #tpu.memory_space<vmem>>) offsets(%dma_start3A_330 : memref<128xi32, #tpu.memory_space<vmem>>) semaphore(%arg19 : memref<!tpu.dma_semaphore, #tpu.memory_space<semaphore_mem>>)
      %dma_wait3A_334 = arith.constant 3 : i32
      %dma_wait3A_335 = arith.constant 0 : i32
      %dma_wait3A_336 = tpu.memref_slice %arg11[%dma_wait3A_334, %dma_wait3A_335] : memref<4x128xi32, #tpu.memory_space<vmem>> -> memref<1x128xi32, #tpu.memory_space<vmem>>
      %dma_wait3A_337 = tpu.memref_squeeze %dma_wait3A_336 : memref<1x128xi32, #tpu.memory_space<vmem>> -> memref<128xi32, #tpu.memory_space<vmem>>
      %dma_wait3A_338 = arith.constant 0 : i32
      %dma_wait3A_339 = arith.constant 0 : i32
      %dma_wait3A_340 = tpu.memref_slice %arg2[%dma_wait3A_338, %dma_wait3A_339] : memref<10112x128xf32, #tpu.memory_space<hbm>> -> memref<10112x128xf32, #tpu.memory_space<hbm>>
      tpu.wait_indirect_dma semaphore(%arg20 : memref<!tpu.dma_semaphore, #tpu.memory_space<semaphore_mem>>) src(%dma_wait3A_340 : memref<10112x128xf32, #tpu.memory_space<hbm>>) dst(%arg16 : memref<128x128xf32, #tpu.memory_space<vmem>>)
      %dma_start3A_341 = arith.constant 3 : i32
      %dma_start3A_342 = arith.constant 0 : i32
      %dma_start3A_343 = tpu.memref_slice %arg12[%dma_start3A_341, %dma_start3A_342] : memref<4x128xi32, #tpu.memory_space<vmem>> -> memref<1x128xi32, #tpu.memory_space<vmem>>
      %dma_start3A_344 = tpu.memref_squeeze %dma_start3A_343 : memref<1x128xi32, #tpu.memory_space<vmem>> -> memref<128xi32, #tpu.memory_space<vmem>>
      %dma_start3A_345 = arith.constant 0 : i32
      %dma_start3A_346 = arith.constant 0 : i32
      %dma_start3A_347 = tpu.memref_slice %arg18[%dma_start3A_345, %dma_start3A_346] : memref<10112x128xf32, #tpu.memory_space<vmem_shared>> -> memref<10112x128xf32, #tpu.memory_space<vmem_shared>>
      tpu.enqueue_indirect_dma source(%arg16 : memref<128x128xf32, #tpu.memory_space<vmem>>) target(%dma_start3A_347 : memref<10112x128xf32, #tpu.memory_space<vmem_shared>>) offsets(%dma_start3A_344 : memref<128xi32, #tpu.memory_space<vmem>>) semaphore(%arg22 : memref<!tpu.dma_semaphore, #tpu.memory_space<semaphore_mem>>) {add = true}
      %get3A_348 = arith.constant 3 : i32
      %get3A_349 = arith.index_cast %get3A_348 : i32 to index
      %get3A_350 = arith.constant 0 : index
      %get3A_351 = tpu.vector_load %arg12[%get3A_349, %get3A_350] {strides = array<i32>} : memref<4x128xi32, #tpu.memory_space<vmem>>, vector<16xi32>,
      tpu.vector_store_idx %arg17[%get3A_351], %broadcast_in_dim3A_1 {add = true} : memref<10112xf32, #tpu.memory_space<vmem>>[vector<16xi32>], vector<16xf32>,
      %get3A_352 = arith.constant 3 : i32
      %get3A_353 = arith.index_cast %get3A_352 : i32 to index
      %get3A_354 = arith.constant 16 : index
      %get3A_355 = tpu.vector_load %arg12[%get3A_353, %get3A_354] {strides = array<i32>} : memref<4x128xi32, #tpu.memory_space<vmem>>, vector<16xi32>,
      tpu.vector_store_idx %arg17[%get3A_355], %broadcast_in_dim3A_1 {add = true} : memref<10112xf32, #tpu.memory_space<vmem>>[vector<16xi32>], vector<16xf32>,
      %get3A_356 = arith.constant 3 : i32
      %get3A_357 = arith.index_cast %get3A_356 : i32 to index
      %get3A_358 = arith.constant 32 : index
      %get3A_359 = tpu.vector_load %arg12[%get3A_357, %get3A_358] {strides = array<i32>} : memref<4x128xi32, #tpu.memory_space<vmem>>, vector<16xi32>,
      tpu.vector_store_idx %arg17[%get3A_359], %broadcast_in_dim3A_1 {add = true} : memref<10112xf32, #tpu.memory_space<vmem>>[vector<16xi32>], vector<16xf32>,
      %get3A_360 = arith.constant 3 : i32
      %get3A_361 = arith.index_cast %get3A_360 : i32 to index
      %get3A_362 = arith.constant 48 : index
      %get3A_363 = tpu.vector_load %arg12[%get3A_361, %get3A_362] {strides = array<i32>} : memref<4x128xi32, #tpu.memory_space<vmem>>, vector<16xi32>,
      tpu.vector_store_idx %arg17[%get3A_363], %broadcast_in_dim3A_1 {add = true} : memref<10112xf32, #tpu.memory_space<vmem>>[vector<16xi32>], vector<16xf32>,
      %get3A_364 = arith.constant 3 : i32
      %get3A_365 = arith.index_cast %get3A_364 : i32 to index
      %get3A_366 = arith.constant 64 : index
      %get3A_367 = tpu.vector_load %arg12[%get3A_365, %get3A_366] {strides = array<i32>} : memref<4x128xi32, #tpu.memory_space<vmem>>, vector<16xi32>,
      tpu.vector_store_idx %arg17[%get3A_367], %broadcast_in_dim3A_1 {add = true} : memref<10112xf32, #tpu.memory_space<vmem>>[vector<16xi32>], vector<16xf32>,
      %get3A_368 = arith.constant 3 : i32
      %get3A_369 = arith.index_cast %get3A_368 : i32 to index
      %get3A_370 = arith.constant 80 : index
      %get3A_371 = tpu.vector_load %arg12[%get3A_369, %get3A_370] {strides = array<i32>} : memref<4x128xi32, #tpu.memory_space<vmem>>, vector<16xi32>,
      tpu.vector_store_idx %arg17[%get3A_371], %broadcast_in_dim3A_1 {add = true} : memref<10112xf32, #tpu.memory_space<vmem>>[vector<16xi32>], vector<16xf32>,
      %get3A_372 = arith.constant 3 : i32
      %get3A_373 = arith.index_cast %get3A_372 : i32 to index
      %get3A_374 = arith.constant 96 : index
      %get3A_375 = tpu.vector_load %arg12[%get3A_373, %get3A_374] {strides = array<i32>} : memref<4x128xi32, #tpu.memory_space<vmem>>, vector<16xi32>,
      tpu.vector_store_idx %arg17[%get3A_375], %broadcast_in_dim3A_1 {add = true} : memref<10112xf32, #tpu.memory_space<vmem>>[vector<16xi32>], vector<16xf32>,
      %get3A_376 = arith.constant 3 : i32
      %get3A_377 = arith.index_cast %get3A_376 : i32 to index
      %get3A_378 = arith.constant 112 : index
      %get3A_379 = tpu.vector_load %arg12[%get3A_377, %get3A_378] {strides = array<i32>} : memref<4x128xi32, #tpu.memory_space<vmem>>, vector<16xi32>,
      tpu.vector_store_idx %arg17[%get3A_379], %broadcast_in_dim3A_1 {add = true} : memref<10112xf32, #tpu.memory_space<vmem>>[vector<16xi32>], vector<16xf32>,
      %dma_wait3A_380 = arith.constant 3 : i32
      %dma_wait3A_381 = arith.constant 0 : i32
      %dma_wait3A_382 = tpu.memref_slice %arg12[%dma_wait3A_380, %dma_wait3A_381] : memref<4x128xi32, #tpu.memory_space<vmem>> -> memref<1x128xi32, #tpu.memory_space<vmem>>
      %dma_wait3A_383 = tpu.memref_squeeze %dma_wait3A_382 : memref<1x128xi32, #tpu.memory_space<vmem>> -> memref<128xi32, #tpu.memory_space<vmem>>
      %dma_wait3A_384 = arith.constant 0 : i32
      %dma_wait3A_385 = arith.constant 0 : i32
      %dma_wait3A_386 = tpu.memref_slice %arg18[%dma_wait3A_384, %dma_wait3A_385] : memref<10112x128xf32, #tpu.memory_space<vmem_shared>> -> memref<10112x128xf32, #tpu.memory_space<vmem_shared>>
      tpu.wait_indirect_dma semaphore(%arg22 : memref<!tpu.dma_semaphore, #tpu.memory_space<semaphore_mem>>) src(%arg16 : memref<128x128xf32, #tpu.memory_space<vmem>>) dst(%dma_wait3A_386 : memref<10112x128xf32, #tpu.memory_space<vmem_shared>>)
      %dma_start3A_387 = arith.constant 1 : i32
      %dma_start3A_388 = arith.constant 0 : i32
      %dma_start3A_389 = tpu.memref_slice %arg13[%dma_start3A_387, %dma_start3A_388] : memref<4x128xi32, #tpu.memory_space<vmem>> -> memref<1x128xi32, #tpu.memory_space<vmem>>
      %dma_start3A_390 = tpu.memref_squeeze %dma_start3A_389 : memref<1x128xi32, #tpu.memory_space<vmem>> -> memref<128xi32, #tpu.memory_space<vmem>>
      %dma_start3A_391 = arith.constant 0 : i32
      %dma_start3A_392 = arith.constant 0 : i32
      %dma_start3A_393 = tpu.memref_slice %arg2[%dma_start3A_391, %dma_start3A_392] : memref<10112x128xf32, #tpu.memory_space<hbm>> -> memref<10112x128xf32, #tpu.memory_space<hbm>>
      tpu.enqueue_indirect_dma source(%dma_start3A_393 : memref<10112x128xf32, #tpu.memory_space<hbm>>) target(%arg16 : memref<128x128xf32, #tpu.memory_space<vmem>>) offsets(%dma_start3A_390 : memref<128xi32, #tpu.memory_space<vmem>>) semaphore(%arg20 : memref<!tpu.dma_semaphore, #tpu.memory_space<semaphore_mem>>)
      %dma_wait3A_394 = arith.constant 0 : i32
      %dma_wait3A_395 = arith.constant 0 : i32
      %dma_wait3A_396 = tpu.memref_slice %arg13[%dma_wait3A_394, %dma_wait3A_395] : memref<4x128xi32, #tpu.memory_space<vmem>> -> memref<1x128xi32, #tpu.memory_space<vmem>>
      %dma_wait3A_397 = tpu.memref_squeeze %dma_wait3A_396 : memref<1x128xi32, #tpu.memory_space<vmem>> -> memref<128xi32, #tpu.memory_space<vmem>>
      %dma_wait3A_398 = arith.constant 0 : i32
      %dma_wait3A_399 = arith.constant 0 : i32
      %dma_wait3A_400 = tpu.memref_slice %arg2[%dma_wait3A_398, %dma_wait3A_399] : memref<10112x128xf32, #tpu.memory_space<hbm>> -> memref<10112x128xf32, #tpu.memory_space<hbm>>
      tpu.wait_indirect_dma semaphore(%arg19 : memref<!tpu.dma_semaphore, #tpu.memory_space<semaphore_mem>>) src(%dma_wait3A_400 : memref<10112x128xf32, #tpu.memory_space<hbm>>) dst(%arg15 : memref<128x128xf32, #tpu.memory_space<vmem>>)
      %dma_start3A_401 = arith.constant 0 : i32
      %dma_start3A_402 = arith.constant 0 : i32
      %dma_start3A_403 = tpu.memref_slice %arg14[%dma_start3A_401, %dma_start3A_402] : memref<4x128xi32, #tpu.memory_space<vmem>> -> memref<1x128xi32, #tpu.memory_space<vmem>>
      %dma_start3A_404 = tpu.memref_squeeze %dma_start3A_403 : memref<1x128xi32, #tpu.memory_space<vmem>> -> memref<128xi32, #tpu.memory_space<vmem>>
      %dma_start3A_405 = arith.constant 0 : i32
      %dma_start3A_406 = arith.constant 0 : i32
      %dma_start3A_407 = tpu.memref_slice %arg18[%dma_start3A_405, %dma_start3A_406] : memref<10112x128xf32, #tpu.memory_space<vmem_shared>> -> memref<10112x128xf32, #tpu.memory_space<vmem_shared>>
      tpu.enqueue_indirect_dma source(%arg15 : memref<128x128xf32, #tpu.memory_space<vmem>>) target(%dma_start3A_407 : memref<10112x128xf32, #tpu.memory_space<vmem_shared>>) offsets(%dma_start3A_404 : memref<128xi32, #tpu.memory_space<vmem>>) semaphore(%arg21 : memref<!tpu.dma_semaphore, #tpu.memory_space<semaphore_mem>>) {add = true}
      %get3A_408 = arith.constant 0 : i32
      %get3A_409 = arith.index_cast %get3A_408 : i32 to index
      %get3A_410 = arith.constant 0 : index
      %get3A_411 = tpu.vector_load %arg14[%get3A_409, %get3A_410] {strides = array<i32>} : memref<4x128xi32, #tpu.memory_space<vmem>>, vector<16xi32>,
      tpu.vector_store_idx %arg17[%get3A_411], %broadcast_in_dim3A_1 {add = true} : memref<10112xf32, #tpu.memory_space<vmem>>[vector<16xi32>], vector<16xf32>,
      %get3A_412 = arith.constant 0 : i32
      %get3A_413 = arith.index_cast %get3A_412 : i32 to index
      %get3A_414 = arith.constant 16 : index
      %get3A_415 = tpu.vector_load %arg14[%get3A_413, %get3A_414] {strides = array<i32>} : memref<4x128xi32, #tpu.memory_space<vmem>>, vector<16xi32>,
      tpu.vector_store_idx %arg17[%get3A_415], %broadcast_in_dim3A_1 {add = true} : memref<10112xf32, #tpu.memory_space<vmem>>[vector<16xi32>], vector<16xf32>,
      %get3A_416 = arith.constant 0 : i32
      %get3A_417 = arith.index_cast %get3A_416 : i32 to index
      %get3A_418 = arith.constant 32 : index
      %get3A_419 = tpu.vector_load %arg14[%get3A_417, %get3A_418] {strides = array<i32>} : memref<4x128xi32, #tpu.memory_space<vmem>>, vector<16xi32>,
      tpu.vector_store_idx %arg17[%get3A_419], %broadcast_in_dim3A_1 {add = true} : memref<10112xf32, #tpu.memory_space<vmem>>[vector<16xi32>], vector<16xf32>,
      %get3A_420 = arith.constant 0 : i32
      %get3A_421 = arith.index_cast %get3A_420 : i32 to index
      %get3A_422 = arith.constant 48 : index
      %get3A_423 = tpu.vector_load %arg14[%get3A_421, %get3A_422] {strides = array<i32>} : memref<4x128xi32, #tpu.memory_space<vmem>>, vector<16xi32>,
      tpu.vector_store_idx %arg17[%get3A_423], %broadcast_in_dim3A_1 {add = true} : memref<10112xf32, #tpu.memory_space<vmem>>[vector<16xi32>], vector<16xf32>,
      %get3A_424 = arith.constant 0 : i32
      %get3A_425 = arith.index_cast %get3A_424 : i32 to index
      %get3A_426 = arith.constant 64 : index
      %get3A_427 = tpu.vector_load %arg14[%get3A_425, %get3A_426] {strides = array<i32>} : memref<4x128xi32, #tpu.memory_space<vmem>>, vector<16xi32>,
      tpu.vector_store_idx %arg17[%get3A_427], %broadcast_in_dim3A_1 {add = true} : memref<10112xf32, #tpu.memory_space<vmem>>[vector<16xi32>], vector<16xf32>,
      %get3A_428 = arith.constant 0 : i32
      %get3A_429 = arith.index_cast %get3A_428 : i32 to index
      %get3A_430 = arith.constant 80 : index
      %get3A_431 = tpu.vector_load %arg14[%get3A_429, %get3A_430] {strides = array<i32>} : memref<4x128xi32, #tpu.memory_space<vmem>>, vector<16xi32>,
      tpu.vector_store_idx %arg17[%get3A_431], %broadcast_in_dim3A_1 {add = true} : memref<10112xf32, #tpu.memory_space<vmem>>[vector<16xi32>], vector<16xf32>,
      %get3A_432 = arith.constant 0 : i32
      %get3A_433 = arith.index_cast %get3A_432 : i32 to index
      %get3A_434 = arith.constant 96 : index
      %get3A_435 = tpu.vector_load %arg14[%get3A_433, %get3A_434] {strides = array<i32>} : memref<4x128xi32, #tpu.memory_space<vmem>>, vector<16xi32>,
      tpu.vector_store_idx %arg17[%get3A_435], %broadcast_in_dim3A_1 {add = true} : memref<10112xf32, #tpu.memory_space<vmem>>[vector<16xi32>], vector<16xf32>,
      %get3A_436 = arith.constant 0 : i32
      %get3A_437 = arith.index_cast %get3A_436 : i32 to index
      %get3A_438 = arith.constant 112 : index
      %get3A_439 = tpu.vector_load %arg14[%get3A_437, %get3A_438] {strides = array<i32>} : memref<4x128xi32, #tpu.memory_space<vmem>>, vector<16xi32>,
      tpu.vector_store_idx %arg17[%get3A_439], %broadcast_in_dim3A_1 {add = true} : memref<10112xf32, #tpu.memory_space<vmem>>[vector<16xi32>], vector<16xf32>,
      %add3A_440 = arith.constant 1 : i32
      %add3A_441 = arith.addi %scan3A_127, %add3A_440 : i32
      %lt3A = arith.constant 10 : i32
      %lt3A_442 = arith.cmpi slt, %add3A_441, %lt3A : i32
      %convert_element_type3A = arith.extui %lt3A_442 : i1 to i32
      %cond3A = arith.constant 0 : i32
      %cond3A_443 = arith.cmpi ne, %convert_element_type3A, %cond3A : i32
      scf.if %cond3A_443 {
        %mul3A_638 = arith.constant 80 : i32
        %mul3A_639 = arith.muli %add3A, %mul3A_638 : i32
        %mul3A_640 = arith.constant 4 : i32
        %mul3A_641 = arith.muli %add3A_131, %mul3A_640 : i32
        %add3A_642 = arith.addi %mul3A_639, %mul3A_641 : i32
        %dma_start3A_643 = arith.constant 0 : i32
        %dma_start3A_644 = tpu.memref_slice %arg3[%add3A_642, %dma_start3A_643] : memref<2560x128xi32, #tpu.memory_space<hbm>> -> memref<4x128xi32, #tpu.memory_space<hbm>>
        %dma_start3A_645 = arith.constant 0 : i32
        %dma_start3A_646 = tpu.memref_slice %arg3[%add3A_642, %dma_start3A_645] : memref<2560x128xi32, #tpu.memory_space<hbm>> -> memref<4x128xi32, #tpu.memory_space<hbm>>
        tpu.enqueue_dma source(%dma_start3A_646 : memref<4x128xi32, #tpu.memory_space<hbm>>) target(%arg11 : memref<4x128xi32, #tpu.memory_space<vmem>>) target_semaphore(%arg23 : memref<!tpu.dma_semaphore, #tpu.memory_space<semaphore_mem>>)
        %mul3A_647 = arith.constant 80 : i32
        %mul3A_648 = arith.muli %add3A, %mul3A_647 : i32
        %mul3A_649 = arith.constant 4 : i32
        %mul3A_650 = arith.muli %add3A_131, %mul3A_649 : i32
        %add3A_651 = arith.addi %mul3A_648, %mul3A_650 : i32
        %dma_start3A_652 = arith.constant 0 : i32
        %dma_start3A_653 = tpu.memref_slice %arg4[%add3A_651, %dma_start3A_652] : memref<2560x128xi32, #tpu.memory_space<hbm>> -> memref<4x128xi32, #tpu.memory_space<hbm>>
        %dma_start3A_654 = arith.constant 0 : i32
        %dma_start3A_655 = tpu.memref_slice %arg4[%add3A_651, %dma_start3A_654] : memref<2560x128xi32, #tpu.memory_space<hbm>> -> memref<4x128xi32, #tpu.memory_space<hbm>>
        tpu.enqueue_dma source(%dma_start3A_655 : memref<4x128xi32, #tpu.memory_space<hbm>>) target(%arg12 : memref<4x128xi32, #tpu.memory_space<vmem>>) target_semaphore(%arg23 : memref<!tpu.dma_semaphore, #tpu.memory_space<semaphore_mem>>)
      } else {
      }
      %dma_wait3A_444 = arith.constant 0 : i32
      %dma_wait3A_445 = arith.constant 0 : i32
      %dma_wait3A_446 = tpu.memref_slice %arg14[%dma_wait3A_444, %dma_wait3A_445] : memref<4x128xi32, #tpu.memory_space<vmem>> -> memref<1x128xi32, #tpu.memory_space<vmem>>
      %dma_wait3A_447 = tpu.memref_squeeze %dma_wait3A_446 : memref<1x128xi32, #tpu.memory_space<vmem>> -> memref<128xi32, #tpu.memory_space<vmem>>
      %dma_wait3A_448 = arith.constant 0 : i32
      %dma_wait3A_449 = arith.constant 0 : i32
      %dma_wait3A_450 = tpu.memref_slice %arg18[%dma_wait3A_448, %dma_wait3A_449] : memref<10112x128xf32, #tpu.memory_space<vmem_shared>> -> memref<10112x128xf32, #tpu.memory_space<vmem_shared>>
      tpu.wait_indirect_dma semaphore(%arg21 : memref<!tpu.dma_semaphore, #tpu.memory_space<semaphore_mem>>) src(%arg15 : memref<128x128xf32, #tpu.memory_space<vmem>>) dst(%dma_wait3A_450 : memref<10112x128xf32, #tpu.memory_space<vmem_shared>>)
      %dma_start3A_451 = arith.constant 2 : i32
      %dma_start3A_452 = arith.constant 0 : i32
      %dma_start3A_453 = tpu.memref_slice %arg13[%dma_start3A_451, %dma_start3A_452] : memref<4x128xi32, #tpu.memory_space<vmem>> -> memref<1x128xi32, #tpu.memory_space<vmem>>
      %dma_start3A_454 = tpu.memref_squeeze %dma_start3A_453 : memref<1x128xi32, #tpu.memory_space<vmem>> -> memref<128xi32, #tpu.memory_space<vmem>>
      %dma_start3A_455 = arith.constant 0 : i32
      %dma_start3A_456 = arith.constant 0 : i32
      %dma_start3A_457 = tpu.memref_slice %arg2[%dma_start3A_455, %dma_start3A_456] : memref<10112x128xf32, #tpu.memory_space<hbm>> -> memref<10112x128xf32, #tpu.memory_space<hbm>>
      tpu.enqueue_indirect_dma source(%dma_start3A_457 : memref<10112x128xf32, #tpu.memory_space<hbm>>) target(%arg15 : memref<128x128xf32, #tpu.memory_space<vmem>>) offsets(%dma_start3A_454 : memref<128xi32, #tpu.memory_space<vmem>>) semaphore(%arg19 : memref<!tpu.dma_semaphore, #tpu.memory_space<semaphore_mem>>)
      %dma_wait3A_458 = arith.constant 1 : i32
      %dma_wait3A_459 = arith.constant 0 : i32
      %dma_wait3A_460 = tpu.memref_slice %arg13[%dma_wait3A_458, %dma_wait3A_459] : memref<4x128xi32, #tpu.memory_space<vmem>> -> memref<1x128xi32, #tpu.memory_space<vmem>>
      %dma_wait3A_461 = tpu.memref_squeeze %dma_wait3A_460 : memref<1x128xi32, #tpu.memory_space<vmem>> -> memref<128xi32, #tpu.memory_space<vmem>>
      %dma_wait3A_462 = arith.constant 0 : i32
      %dma_wait3A_463 = arith.constant 0 : i32
      %dma_wait3A_464 = tpu.memref_slice %arg2[%dma_wait3A_462, %dma_wait3A_463] : memref<10112x128xf32, #tpu.memory_space<hbm>> -> memref<10112x128xf32, #tpu.memory_space<hbm>>
      tpu.wait_indirect_dma semaphore(%arg20 : memref<!tpu.dma_semaphore, #tpu.memory_space<semaphore_mem>>) src(%dma_wait3A_464 : memref<10112x128xf32, #tpu.memory_space<hbm>>) dst(%arg16 : memref<128x128xf32, #tpu.memory_space<vmem>>)
      %dma_start3A_465 = arith.constant 1 : i32
      %dma_start3A_466 = arith.constant 0 : i32
      %dma_start3A_467 = tpu.memref_slice %arg14[%dma_start3A_465, %dma_start3A_466] : memref<4x128xi32, #tpu.memory_space<vmem>> -> memref<1x128xi32, #tpu.memory_space<vmem>>
      %dma_start3A_468 = tpu.memref_squeeze %dma_start3A_467 : memref<1x128xi32, #tpu.memory_space<vmem>> -> memref<128xi32, #tpu.memory_space<vmem>>
      %dma_start3A_469 = arith.constant 0 : i32
      %dma_start3A_470 = arith.constant 0 : i32
      %dma_start3A_471 = tpu.memref_slice %arg18[%dma_start3A_469, %dma_start3A_470] : memref<10112x128xf32, #tpu.memory_space<vmem_shared>> -> memref<10112x128xf32, #tpu.memory_space<vmem_shared>>
      tpu.enqueue_indirect_dma source(%arg16 : memref<128x128xf32, #tpu.memory_space<vmem>>) target(%dma_start3A_471 : memref<10112x128xf32, #tpu.memory_space<vmem_shared>>) offsets(%dma_start3A_468 : memref<128xi32, #tpu.memory_space<vmem>>) semaphore(%arg22 : memref<!tpu.dma_semaphore, #tpu.memory_space<semaphore_mem>>) {add = true}
      %get3A_472 = arith.constant 1 : i32
      %get3A_473 = arith.index_cast %get3A_472 : i32 to index
      %get3A_474 = arith.constant 0 : index
      %get3A_475 = tpu.vector_load %arg14[%get3A_473, %get3A_474] {strides = array<i32>} : memref<4x128xi32, #tpu.memory_space<vmem>>, vector<16xi32>,
      tpu.vector_store_idx %arg17[%get3A_475], %broadcast_in_dim3A_1 {add = true} : memref<10112xf32, #tpu.memory_space<vmem>>[vector<16xi32>], vector<16xf32>,
      %get3A_476 = arith.constant 1 : i32
      %get3A_477 = arith.index_cast %get3A_476 : i32 to index
      %get3A_478 = arith.constant 16 : index
      %get3A_479 = tpu.vector_load %arg14[%get3A_477, %get3A_478] {strides = array<i32>} : memref<4x128xi32, #tpu.memory_space<vmem>>, vector<16xi32>,
      tpu.vector_store_idx %arg17[%get3A_479], %broadcast_in_dim3A_1 {add = true} : memref<10112xf32, #tpu.memory_space<vmem>>[vector<16xi32>], vector<16xf32>,
      %get3A_480 = arith.constant 1 : i32
      %get3A_481 = arith.index_cast %get3A_480 : i32 to index
      %get3A_482 = arith.constant 32 : index
      %get3A_483 = tpu.vector_load %arg14[%get3A_481, %get3A_482] {strides = array<i32>} : memref<4x128xi32, #tpu.memory_space<vmem>>, vector<16xi32>,
      tpu.vector_store_idx %arg17[%get3A_483], %broadcast_in_dim3A_1 {add = true} : memref<10112xf32, #tpu.memory_space<vmem>>[vector<16xi32>], vector<16xf32>,
      %get3A_484 = arith.constant 1 : i32
      %get3A_485 = arith.index_cast %get3A_484 : i32 to index
      %get3A_486 = arith.constant 48 : index
      %get3A_487 = tpu.vector_load %arg14[%get3A_485, %get3A_486] {strides = array<i32>} : memref<4x128xi32, #tpu.memory_space<vmem>>, vector<16xi32>,
      tpu.vector_store_idx %arg17[%get3A_487], %broadcast_in_dim3A_1 {add = true} : memref<10112xf32, #tpu.memory_space<vmem>>[vector<16xi32>], vector<16xf32>,
      %get3A_488 = arith.constant 1 : i32
      %get3A_489 = arith.index_cast %get3A_488 : i32 to index
      %get3A_490 = arith.constant 64 : index
      %get3A_491 = tpu.vector_load %arg14[%get3A_489, %get3A_490] {strides = array<i32>} : memref<4x128xi32, #tpu.memory_space<vmem>>, vector<16xi32>,
      tpu.vector_store_idx %arg17[%get3A_491], %broadcast_in_dim3A_1 {add = true} : memref<10112xf32, #tpu.memory_space<vmem>>[vector<16xi32>], vector<16xf32>,
      %get3A_492 = arith.constant 1 : i32
      %get3A_493 = arith.index_cast %get3A_492 : i32 to index
      %get3A_494 = arith.constant 80 : index
      %get3A_495 = tpu.vector_load %arg14[%get3A_493, %get3A_494] {strides = array<i32>} : memref<4x128xi32, #tpu.memory_space<vmem>>, vector<16xi32>,
      tpu.vector_store_idx %arg17[%get3A_495], %broadcast_in_dim3A_1 {add = true} : memref<10112xf32, #tpu.memory_space<vmem>>[vector<16xi32>], vector<16xf32>,
      %get3A_496 = arith.constant 1 : i32
      %get3A_497 = arith.index_cast %get3A_496 : i32 to index
      %get3A_498 = arith.constant 96 : index
      %get3A_499 = tpu.vector_load %arg14[%get3A_497, %get3A_498] {strides = array<i32>} : memref<4x128xi32, #tpu.memory_space<vmem>>, vector<16xi32>,
      tpu.vector_store_idx %arg17[%get3A_499], %broadcast_in_dim3A_1 {add = true} : memref<10112xf32, #tpu.memory_space<vmem>>[vector<16xi32>], vector<16xf32>,
      %get3A_500 = arith.constant 1 : i32
      %get3A_501 = arith.index_cast %get3A_500 : i32 to index
      %get3A_502 = arith.constant 112 : index
      %get3A_503 = tpu.vector_load %arg14[%get3A_501, %get3A_502] {strides = array<i32>} : memref<4x128xi32, #tpu.memory_space<vmem>>, vector<16xi32>,
      tpu.vector_store_idx %arg17[%get3A_503], %broadcast_in_dim3A_1 {add = true} : memref<10112xf32, #tpu.memory_space<vmem>>[vector<16xi32>], vector<16xf32>,
      %dma_wait3A_504 = arith.constant 1 : i32
      %dma_wait3A_505 = arith.constant 0 : i32
      %dma_wait3A_506 = tpu.memref_slice %arg14[%dma_wait3A_504, %dma_wait3A_505] : memref<4x128xi32, #tpu.memory_space<vmem>> -> memref<1x128xi32, #tpu.memory_space<vmem>>
      %dma_wait3A_507 = tpu.memref_squeeze %dma_wait3A_506 : memref<1x128xi32, #tpu.memory_space<vmem>> -> memref<128xi32, #tpu.memory_space<vmem>>
      %dma_wait3A_508 = arith.constant 0 : i32
      %dma_wait3A_509 = arith.constant 0 : i32
      %dma_wait3A_510 = tpu.memref_slice %arg18[%dma_wait3A_508, %dma_wait3A_509] : memref<10112x128xf32, #tpu.memory_space<vmem_shared>> -> memref<10112x128xf32, #tpu.memory_space<vmem_shared>>
      tpu.wait_indirect_dma semaphore(%arg22 : memref<!tpu.dma_semaphore, #tpu.memory_space<semaphore_mem>>) src(%arg16 : memref<128x128xf32, #tpu.memory_space<vmem>>) dst(%dma_wait3A_510 : memref<10112x128xf32, #tpu.memory_space<vmem_shared>>)
      %dma_start3A_511 = arith.constant 3 : i32
      %dma_start3A_512 = arith.constant 0 : i32
      %dma_start3A_513 = tpu.memref_slice %arg13[%dma_start3A_511, %dma_start3A_512] : memref<4x128xi32, #tpu.memory_space<vmem>> -> memref<1x128xi32, #tpu.memory_space<vmem>>
      %dma_start3A_514 = tpu.memref_squeeze %dma_start3A_513 : memref<1x128xi32, #tpu.memory_space<vmem>> -> memref<128xi32, #tpu.memory_space<vmem>>
      %dma_start3A_515 = arith.constant 0 : i32
      %dma_start3A_516 = arith.constant 0 : i32
      %dma_start3A_517 = tpu.memref_slice %arg2[%dma_start3A_515, %dma_start3A_516] : memref<10112x128xf32, #tpu.memory_space<hbm>> -> memref<10112x128xf32, #tpu.memory_space<hbm>>
      tpu.enqueue_indirect_dma source(%dma_start3A_517 : memref<10112x128xf32, #tpu.memory_space<hbm>>) target(%arg16 : memref<128x128xf32, #tpu.memory_space<vmem>>) offsets(%dma_start3A_514 : memref<128xi32, #tpu.memory_space<vmem>>) semaphore(%arg20 : memref<!tpu.dma_semaphore, #tpu.memory_space<semaphore_mem>>)
      %dma_wait3A_518 = arith.constant 2 : i32
      %dma_wait3A_519 = arith.constant 0 : i32
      %dma_wait3A_520 = tpu.memref_slice %arg13[%dma_wait3A_518, %dma_wait3A_519] : memref<4x128xi32, #tpu.memory_space<vmem>> -> memref<1x128xi32, #tpu.memory_space<vmem>>
      %dma_wait3A_521 = tpu.memref_squeeze %dma_wait3A_520 : memref<1x128xi32, #tpu.memory_space<vmem>> -> memref<128xi32, #tpu.memory_space<vmem>>
      %dma_wait3A_522 = arith.constant 0 : i32
      %dma_wait3A_523 = arith.constant 0 : i32
      %dma_wait3A_524 = tpu.memref_slice %arg2[%dma_wait3A_522, %dma_wait3A_523] : memref<10112x128xf32, #tpu.memory_space<hbm>> -> memref<10112x128xf32, #tpu.memory_space<hbm>>
      tpu.wait_indirect_dma semaphore(%arg19 : memref<!tpu.dma_semaphore, #tpu.memory_space<semaphore_mem>>) src(%dma_wait3A_524 : memref<10112x128xf32, #tpu.memory_space<hbm>>) dst(%arg15 : memref<128x128xf32, #tpu.memory_space<vmem>>)
      %dma_start3A_525 = arith.constant 2 : i32
      %dma_start3A_526 = arith.constant 0 : i32
      %dma_start3A_527 = tpu.memref_slice %arg14[%dma_start3A_525, %dma_start3A_526] : memref<4x128xi32, #tpu.memory_space<vmem>> -> memref<1x128xi32, #tpu.memory_space<vmem>>
      %dma_start3A_528 = tpu.memref_squeeze %dma_start3A_527 : memref<1x128xi32, #tpu.memory_space<vmem>> -> memref<128xi32, #tpu.memory_space<vmem>>
      %dma_start3A_529 = arith.constant 0 : i32
      %dma_start3A_530 = arith.constant 0 : i32
      %dma_start3A_531 = tpu.memref_slice %arg18[%dma_start3A_529, %dma_start3A_530] : memref<10112x128xf32, #tpu.memory_space<vmem_shared>> -> memref<10112x128xf32, #tpu.memory_space<vmem_shared>>
      tpu.enqueue_indirect_dma source(%arg15 : memref<128x128xf32, #tpu.memory_space<vmem>>) target(%dma_start3A_531 : memref<10112x128xf32, #tpu.memory_space<vmem_shared>>) offsets(%dma_start3A_528 : memref<128xi32, #tpu.memory_space<vmem>>) semaphore(%arg21 : memref<!tpu.dma_semaphore, #tpu.memory_space<semaphore_mem>>) {add = true}
      %get3A_532 = arith.constant 2 : i32
      %get3A_533 = arith.index_cast %get3A_532 : i32 to index
      %get3A_534 = arith.constant 0 : index
      %get3A_535 = tpu.vector_load %arg14[%get3A_533, %get3A_534] {strides = array<i32>} : memref<4x128xi32, #tpu.memory_space<vmem>>, vector<16xi32>,
      tpu.vector_store_idx %arg17[%get3A_535], %broadcast_in_dim3A_1 {add = true} : memref<10112xf32, #tpu.memory_space<vmem>>[vector<16xi32>], vector<16xf32>,
      %get3A_536 = arith.constant 2 : i32
      %get3A_537 = arith.index_cast %get3A_536 : i32 to index
      %get3A_538 = arith.constant 16 : index
      %get3A_539 = tpu.vector_load %arg14[%get3A_537, %get3A_538] {strides = array<i32>} : memref<4x128xi32, #tpu.memory_space<vmem>>, vector<16xi32>,
      tpu.vector_store_idx %arg17[%get3A_539], %broadcast_in_dim3A_1 {add = true} : memref<10112xf32, #tpu.memory_space<vmem>>[vector<16xi32>], vector<16xf32>,
      %get3A_540 = arith.constant 2 : i32
      %get3A_541 = arith.index_cast %get3A_540 : i32 to index
      %get3A_542 = arith.constant 32 : index
      %get3A_543 = tpu.vector_load %arg14[%get3A_541, %get3A_542] {strides = array<i32>} : memref<4x128xi32, #tpu.memory_space<vmem>>, vector<16xi32>,
      tpu.vector_store_idx %arg17[%get3A_543], %broadcast_in_dim3A_1 {add = true} : memref<10112xf32, #tpu.memory_space<vmem>>[vector<16xi32>], vector<16xf32>,
      %get3A_544 = arith.constant 2 : i32
      %get3A_545 = arith.index_cast %get3A_544 : i32 to index
      %get3A_546 = arith.constant 48 : index
      %get3A_547 = tpu.vector_load %arg14[%get3A_545, %get3A_546] {strides = array<i32>} : memref<4x128xi32, #tpu.memory_space<vmem>>, vector<16xi32>,
      tpu.vector_store_idx %arg17[%get3A_547], %broadcast_in_dim3A_1 {add = true} : memref<10112xf32, #tpu.memory_space<vmem>>[vector<16xi32>], vector<16xf32>,
      %get3A_548 = arith.constant 2 : i32
      %get3A_549 = arith.index_cast %get3A_548 : i32 to index
      %get3A_550 = arith.constant 64 : index
      %get3A_551 = tpu.vector_load %arg14[%get3A_549, %get3A_550] {strides = array<i32>} : memref<4x128xi32, #tpu.memory_space<vmem>>, vector<16xi32>,
      tpu.vector_store_idx %arg17[%get3A_551], %broadcast_in_dim3A_1 {add = true} : memref<10112xf32, #tpu.memory_space<vmem>>[vector<16xi32>], vector<16xf32>,
      %get3A_552 = arith.constant 2 : i32
      %get3A_553 = arith.index_cast %get3A_552 : i32 to index
      %get3A_554 = arith.constant 80 : index
      %get3A_555 = tpu.vector_load %arg14[%get3A_553, %get3A_554] {strides = array<i32>} : memref<4x128xi32, #tpu.memory_space<vmem>>, vector<16xi32>,
      tpu.vector_store_idx %arg17[%get3A_555], %broadcast_in_dim3A_1 {add = true} : memref<10112xf32, #tpu.memory_space<vmem>>[vector<16xi32>], vector<16xf32>,
      %get3A_556 = arith.constant 2 : i32
      %get3A_557 = arith.index_cast %get3A_556 : i32 to index
      %get3A_558 = arith.constant 96 : index
      %get3A_559 = tpu.vector_load %arg14[%get3A_557, %get3A_558] {strides = array<i32>} : memref<4x128xi32, #tpu.memory_space<vmem>>, vector<16xi32>,
      tpu.vector_store_idx %arg17[%get3A_559], %broadcast_in_dim3A_1 {add = true} : memref<10112xf32, #tpu.memory_space<vmem>>[vector<16xi32>], vector<16xf32>,
      %get3A_560 = arith.constant 2 : i32
      %get3A_561 = arith.index_cast %get3A_560 : i32 to index
      %get3A_562 = arith.constant 112 : index
      %get3A_563 = tpu.vector_load %arg14[%get3A_561, %get3A_562] {strides = array<i32>} : memref<4x128xi32, #tpu.memory_space<vmem>>, vector<16xi32>,
      tpu.vector_store_idx %arg17[%get3A_563], %broadcast_in_dim3A_1 {add = true} : memref<10112xf32, #tpu.memory_space<vmem>>[vector<16xi32>], vector<16xf32>,
      %dma_wait3A_564 = arith.constant 2 : i32
      %dma_wait3A_565 = arith.constant 0 : i32
      %dma_wait3A_566 = tpu.memref_slice %arg14[%dma_wait3A_564, %dma_wait3A_565] : memref<4x128xi32, #tpu.memory_space<vmem>> -> memref<1x128xi32, #tpu.memory_space<vmem>>
      %dma_wait3A_567 = tpu.memref_squeeze %dma_wait3A_566 : memref<1x128xi32, #tpu.memory_space<vmem>> -> memref<128xi32, #tpu.memory_space<vmem>>
      %dma_wait3A_568 = arith.constant 0 : i32
      %dma_wait3A_569 = arith.constant 0 : i32
      %dma_wait3A_570 = tpu.memref_slice %arg18[%dma_wait3A_568, %dma_wait3A_569] : memref<10112x128xf32, #tpu.memory_space<vmem_shared>> -> memref<10112x128xf32, #tpu.memory_space<vmem_shared>>
      tpu.wait_indirect_dma semaphore(%arg21 : memref<!tpu.dma_semaphore, #tpu.memory_space<semaphore_mem>>) src(%arg15 : memref<128x128xf32, #tpu.memory_space<vmem>>) dst(%dma_wait3A_570 : memref<10112x128xf32, #tpu.memory_space<vmem_shared>>)
      %add3A_571 = arith.constant 1 : i32
      %add3A_572 = arith.addi %scan3A_127, %add3A_571 : i32
      %lt3A_573 = arith.constant 10 : i32
      %lt3A_574 = arith.cmpi slt, %add3A_572, %lt3A_573 : i32
      %convert_element_type3A_575 = arith.extui %lt3A_574 : i1 to i32
      %cond3A_576 = arith.constant 0 : i32
      %cond3A_577 = arith.cmpi ne, %convert_element_type3A_575, %cond3A_576 : i32
      scf.if %cond3A_577 {
        %dma_wait3A_638 = arith.constant 0 : i32
        %dma_wait3A_639 = arith.constant 0 : i32
        %dma_wait3A_640 = tpu.memref_slice %arg3[%dma_wait3A_638, %dma_wait3A_639] : memref<2560x128xi32, #tpu.memory_space<hbm>> -> memref<4x128xi32, #tpu.memory_space<hbm>>
        %dma_wait3A_641 = arith.constant 0 : i32
        %dma_wait3A_642 = arith.constant 0 : i32
        %dma_wait3A_643 = tpu.memref_slice %arg3[%dma_wait3A_641, %dma_wait3A_642] : memref<2560x128xi32, #tpu.memory_space<hbm>> -> memref<4x128xi32, #tpu.memory_space<hbm>>
        tpu.wait_dma2 semaphore(%arg23 : memref<!tpu.dma_semaphore, #tpu.memory_space<semaphore_mem>>) src(%dma_wait3A_643 : memref<4x128xi32, #tpu.memory_space<hbm>>) dst(%arg11 : memref<4x128xi32, #tpu.memory_space<vmem>>)
        %dma_wait3A_644 = arith.constant 0 : i32
        %dma_wait3A_645 = arith.constant 0 : i32
        %dma_wait3A_646 = tpu.memref_slice %arg4[%dma_wait3A_644, %dma_wait3A_645] : memref<2560x128xi32, #tpu.memory_space<hbm>> -> memref<4x128xi32, #tpu.memory_space<hbm>>
        %dma_wait3A_647 = arith.constant 0 : i32
        %dma_wait3A_648 = arith.constant 0 : i32
        %dma_wait3A_649 = tpu.memref_slice %arg4[%dma_wait3A_647, %dma_wait3A_648] : memref<2560x128xi32, #tpu.memory_space<hbm>> -> memref<4x128xi32, #tpu.memory_space<hbm>>
        tpu.wait_dma2 semaphore(%arg23 : memref<!tpu.dma_semaphore, #tpu.memory_space<semaphore_mem>>) src(%dma_wait3A_649 : memref<4x128xi32, #tpu.memory_space<hbm>>) dst(%arg12 : memref<4x128xi32, #tpu.memory_space<vmem>>)
        %dma_start3A_650 = arith.constant 0 : i32
        %dma_start3A_651 = arith.constant 0 : i32
        %dma_start3A_652 = tpu.memref_slice %arg11[%dma_start3A_650, %dma_start3A_651] : memref<4x128xi32, #tpu.memory_space<vmem>> -> memref<1x128xi32, #tpu.memory_space<vmem>>
        %dma_start3A_653 = tpu.memref_squeeze %dma_start3A_652 : memref<1x128xi32, #tpu.memory_space<vmem>> -> memref<128xi32, #tpu.memory_space<vmem>>
        %dma_start3A_654 = arith.constant 0 : i32
        %dma_start3A_655 = arith.constant 0 : i32
        %dma_start3A_656 = tpu.memref_slice %arg2[%dma_start3A_654, %dma_start3A_655] : memref<10112x128xf32, #tpu.memory_space<hbm>> -> memref<10112x128xf32, #tpu.memory_space<hbm>>
        tpu.enqueue_indirect_dma source(%dma_start3A_656 : memref<10112x128xf32, #tpu.memory_space<hbm>>) target(%arg15 : memref<128x128xf32, #tpu.memory_space<vmem>>) offsets(%dma_start3A_653 : memref<128xi32, #tpu.memory_space<vmem>>) semaphore(%arg19 : memref<!tpu.dma_semaphore, #tpu.memory_space<semaphore_mem>>)
      } else {
      }
      %dma_wait3A_578 = arith.constant 3 : i32
      %dma_wait3A_579 = arith.constant 0 : i32
      %dma_wait3A_580 = tpu.memref_slice %arg13[%dma_wait3A_578, %dma_wait3A_579] : memref<4x128xi32, #tpu.memory_space<vmem>> -> memref<1x128xi32, #tpu.memory_space<vmem>>
      %dma_wait3A_581 = tpu.memref_squeeze %dma_wait3A_580 : memref<1x128xi32, #tpu.memory_space<vmem>> -> memref<128xi32, #tpu.memory_space<vmem>>
      %dma_wait3A_582 = arith.constant 0 : i32
      %dma_wait3A_583 = arith.constant 0 : i32
      %dma_wait3A_584 = tpu.memref_slice %arg2[%dma_wait3A_582, %dma_wait3A_583] : memref<10112x128xf32, #tpu.memory_space<hbm>> -> memref<10112x128xf32, #tpu.memory_space<hbm>>
      tpu.wait_indirect_dma semaphore(%arg20 : memref<!tpu.dma_semaphore, #tpu.memory_space<semaphore_mem>>) src(%dma_wait3A_584 : memref<10112x128xf32, #tpu.memory_space<hbm>>) dst(%arg16 : memref<128x128xf32, #tpu.memory_space<vmem>>)
      %dma_start3A_585 = arith.constant 3 : i32
      %dma_start3A_586 = arith.constant 0 : i32
      %dma_start3A_587 = tpu.memref_slice %arg14[%dma_start3A_585, %dma_start3A_586] : memref<4x128xi32, #tpu.memory_space<vmem>> -> memref<1x128xi32, #tpu.memory_space<vmem>>
      %dma_start3A_588 = tpu.memref_squeeze %dma_start3A_587 : memref<1x128xi32, #tpu.memory_space<vmem>> -> memref<128xi32, #tpu.memory_space<vmem>>
      %dma_start3A_589 = arith.constant 0 : i32
      %dma_start3A_590 = arith.constant 0 : i32
      %dma_start3A_591 = tpu.memref_slice %arg18[%dma_start3A_589, %dma_start3A_590] : memref<10112x128xf32, #tpu.memory_space<vmem_shared>> -> memref<10112x128xf32, #tpu.memory_space<vmem_shared>>
      tpu.enqueue_indirect_dma source(%arg16 : memref<128x128xf32, #tpu.memory_space<vmem>>) target(%dma_start3A_591 : memref<10112x128xf32, #tpu.memory_space<vmem_shared>>) offsets(%dma_start3A_588 : memref<128xi32, #tpu.memory_space<vmem>>) semaphore(%arg22 : memref<!tpu.dma_semaphore, #tpu.memory_space<semaphore_mem>>) {add = true}
      %get3A_592 = arith.constant 3 : i32
      %get3A_593 = arith.index_cast %get3A_592 : i32 to index
      %get3A_594 = arith.constant 0 : index
      %get3A_595 = tpu.vector_load %arg14[%get3A_593, %get3A_594] {strides = array<i32>} : memref<4x128xi32, #tpu.memory_space<vmem>>, vector<16xi32>,
      tpu.vector_store_idx %arg17[%get3A_595], %broadcast_in_dim3A_1 {add = true} : memref<10112xf32, #tpu.memory_space<vmem>>[vector<16xi32>], vector<16xf32>,
      %get3A_596 = arith.constant 3 : i32
      %get3A_597 = arith.index_cast %get3A_596 : i32 to index
      %get3A_598 = arith.constant 16 : index
      %get3A_599 = tpu.vector_load %arg14[%get3A_597, %get3A_598] {strides = array<i32>} : memref<4x128xi32, #tpu.memory_space<vmem>>, vector<16xi32>,
      tpu.vector_store_idx %arg17[%get3A_599], %broadcast_in_dim3A_1 {add = true} : memref<10112xf32, #tpu.memory_space<vmem>>[vector<16xi32>], vector<16xf32>,
      %get3A_600 = arith.constant 3 : i32
      %get3A_601 = arith.index_cast %get3A_600 : i32 to index
      %get3A_602 = arith.constant 32 : index
      %get3A_603 = tpu.vector_load %arg14[%get3A_601, %get3A_602] {strides = array<i32>} : memref<4x128xi32, #tpu.memory_space<vmem>>, vector<16xi32>,
      tpu.vector_store_idx %arg17[%get3A_603], %broadcast_in_dim3A_1 {add = true} : memref<10112xf32, #tpu.memory_space<vmem>>[vector<16xi32>], vector<16xf32>,
      %get3A_604 = arith.constant 3 : i32
      %get3A_605 = arith.index_cast %get3A_604 : i32 to index
      %get3A_606 = arith.constant 48 : index
      %get3A_607 = tpu.vector_load %arg14[%get3A_605, %get3A_606] {strides = array<i32>} : memref<4x128xi32, #tpu.memory_space<vmem>>, vector<16xi32>,
      tpu.vector_store_idx %arg17[%get3A_607], %broadcast_in_dim3A_1 {add = true} : memref<10112xf32, #tpu.memory_space<vmem>>[vector<16xi32>], vector<16xf32>,
      %get3A_608 = arith.constant 3 : i32
      %get3A_609 = arith.index_cast %get3A_608 : i32 to index
      %get3A_610 = arith.constant 64 : index
      %get3A_611 = tpu.vector_load %arg14[%get3A_609, %get3A_610] {strides = array<i32>} : memref<4x128xi32, #tpu.memory_space<vmem>>, vector<16xi32>,
      tpu.vector_store_idx %arg17[%get3A_611], %broadcast_in_dim3A_1 {add = true} : memref<10112xf32, #tpu.memory_space<vmem>>[vector<16xi32>], vector<16xf32>,
      %get3A_612 = arith.constant 3 : i32
      %get3A_613 = arith.index_cast %get3A_612 : i32 to index
      %get3A_614 = arith.constant 80 : index
      %get3A_615 = tpu.vector_load %arg14[%get3A_613, %get3A_614] {strides = array<i32>} : memref<4x128xi32, #tpu.memory_space<vmem>>, vector<16xi32>,
      tpu.vector_store_idx %arg17[%get3A_615], %broadcast_in_dim3A_1 {add = true} : memref<10112xf32, #tpu.memory_space<vmem>>[vector<16xi32>], vector<16xf32>,
      %get3A_616 = arith.constant 3 : i32
      %get3A_617 = arith.index_cast %get3A_616 : i32 to index
      %get3A_618 = arith.constant 96 : index
      %get3A_619 = tpu.vector_load %arg14[%get3A_617, %get3A_618] {strides = array<i32>} : memref<4x128xi32, #tpu.memory_space<vmem>>, vector<16xi32>,
      tpu.vector_store_idx %arg17[%get3A_619], %broadcast_in_dim3A_1 {add = true} : memref<10112xf32, #tpu.memory_space<vmem>>[vector<16xi32>], vector<16xf32>,
      %get3A_620 = arith.constant 3 : i32
      %get3A_621 = arith.index_cast %get3A_620 : i32 to index
      %get3A_622 = arith.constant 112 : index
      %get3A_623 = tpu.vector_load %arg14[%get3A_621, %get3A_622] {strides = array<i32>} : memref<4x128xi32, #tpu.memory_space<vmem>>, vector<16xi32>,
      tpu.vector_store_idx %arg17[%get3A_623], %broadcast_in_dim3A_1 {add = true} : memref<10112xf32, #tpu.memory_space<vmem>>[vector<16xi32>], vector<16xf32>,
      %dma_wait3A_624 = arith.constant 3 : i32
      %dma_wait3A_625 = arith.constant 0 : i32
      %dma_wait3A_626 = tpu.memref_slice %arg14[%dma_wait3A_624, %dma_wait3A_625] : memref<4x128xi32, #tpu.memory_space<vmem>> -> memref<1x128xi32, #tpu.memory_space<vmem>>
      %dma_wait3A_627 = tpu.memref_squeeze %dma_wait3A_626 : memref<1x128xi32, #tpu.memory_space<vmem>> -> memref<128xi32, #tpu.memory_space<vmem>>
      %dma_wait3A_628 = arith.constant 0 : i32
      %dma_wait3A_629 = arith.constant 0 : i32
      %dma_wait3A_630 = tpu.memref_slice %arg18[%dma_wait3A_628, %dma_wait3A_629] : memref<10112x128xf32, #tpu.memory_space<vmem_shared>> -> memref<10112x128xf32, #tpu.memory_space<vmem_shared>>
      tpu.wait_indirect_dma semaphore(%arg22 : memref<!tpu.dma_semaphore, #tpu.memory_space<semaphore_mem>>) src(%arg16 : memref<128x128xf32, #tpu.memory_space<vmem>>) dst(%dma_wait3A_630 : memref<10112x128xf32, #tpu.memory_space<vmem_shared>>)
      %add3A_631 = arith.constant 1 : i32
      %add3A_632 = arith.addi %scan3A_127, %add3A_631 : i32
      %lt3A_633 = arith.constant 10 : i32
      %lt3A_634 = arith.cmpi slt, %add3A_632, %lt3A_633 : i32
      %convert_element_type3A_635 = arith.extui %lt3A_634 : i1 to i32
      %cond3A_636 = arith.constant 0 : i32
      %cond3A_637 = arith.cmpi ne, %convert_element_type3A_635, %cond3A_636 : i32
      scf.if %cond3A_637 {
        %mul3A_638 = arith.constant 80 : i32
        %mul3A_639 = arith.muli %add3A, %mul3A_638 : i32
        %mul3A_640 = arith.constant 4 : i32
        %mul3A_641 = arith.muli %add3A_135, %mul3A_640 : i32
        %add3A_642 = arith.addi %mul3A_639, %mul3A_641 : i32
        %dma_start3A_643 = arith.constant 0 : i32
        %dma_start3A_644 = tpu.memref_slice %arg3[%add3A_642, %dma_start3A_643] : memref<2560x128xi32, #tpu.memory_space<hbm>> -> memref<4x128xi32, #tpu.memory_space<hbm>>
        %dma_start3A_645 = arith.constant 0 : i32
        %dma_start3A_646 = tpu.memref_slice %arg3[%add3A_642, %dma_start3A_645] : memref<2560x128xi32, #tpu.memory_space<hbm>> -> memref<4x128xi32, #tpu.memory_space<hbm>>
        tpu.enqueue_dma source(%dma_start3A_646 : memref<4x128xi32, #tpu.memory_space<hbm>>) target(%arg13 : memref<4x128xi32, #tpu.memory_space<vmem>>) target_semaphore(%arg24 : memref<!tpu.dma_semaphore, #tpu.memory_space<semaphore_mem>>)
        %mul3A_647 = arith.constant 80 : i32
        %mul3A_648 = arith.muli %add3A, %mul3A_647 : i32
        %mul3A_649 = arith.constant 4 : i32
        %mul3A_650 = arith.muli %add3A_135, %mul3A_649 : i32
        %add3A_651 = arith.addi %mul3A_648, %mul3A_650 : i32
        %dma_start3A_652 = arith.constant 0 : i32
        %dma_start3A_653 = tpu.memref_slice %arg4[%add3A_651, %dma_start3A_652] : memref<2560x128xi32, #tpu.memory_space<hbm>> -> memref<4x128xi32, #tpu.memory_space<hbm>>
        %dma_start3A_654 = arith.constant 0 : i32
        %dma_start3A_655 = tpu.memref_slice %arg4[%add3A_651, %dma_start3A_654] : memref<2560x128xi32, #tpu.memory_space<hbm>> -> memref<4x128xi32, #tpu.memory_space<hbm>>
        tpu.enqueue_dma source(%dma_start3A_655 : memref<4x128xi32, #tpu.memory_space<hbm>>) target(%arg14 : memref<4x128xi32, #tpu.memory_space<vmem>>) target_semaphore(%arg24 : memref<!tpu.dma_semaphore, #tpu.memory_space<semaphore_mem>>)
      } else {
      }
    }
    %scan3A_121 = arith.constant 10 : i32
    %barrier3A_122 = arith.constant 0 : index
    tpu.barrier barrier_id(%barrier3A_122)
    %mul3A_123 = arith.constant 632 : i32
    %mul3A_124 = arith.muli %arg1, %mul3A_123 : i32
    "tpu.region"() ({
      %run_scoped3A_127 = tpu.sem_alloc : memref<!tpu.dma_semaphore, #tpu.memory_space<semaphore_mem>>
      %dma_start3A_128 = arith.constant 0 : i32
      %dma_start3A_129 = tpu.memref_slice %arg9[%arg0, %mul3A_124, %dma_start3A_128] : memref<2x10112x128xf32, #tpu.memory_space<hbm>> -> memref<1x632x128xf32, #tpu.memory_space<hbm>>
      %dma_start3A_130 = tpu.memref_squeeze %dma_start3A_129 : memref<1x632x128xf32, #tpu.memory_space<hbm>> -> memref<632x128xf32, #tpu.memory_space<hbm>>
      %dma_start3A_131 = arith.constant 0 : i32
      %dma_start3A_132 = tpu.memref_slice %arg18[%mul3A_124, %dma_start3A_131] : memref<10112x128xf32, #tpu.memory_space<vmem_shared>> -> memref<632x128xf32, #tpu.memory_space<vmem_shared>>
      tpu.enqueue_dma source(%dma_start3A_132 : memref<632x128xf32, #tpu.memory_space<vmem_shared>>) target(%dma_start3A_130 : memref<632x128xf32, #tpu.memory_space<hbm>>) target_semaphore(%run_scoped3A_127 : memref<!tpu.dma_semaphore, #tpu.memory_space<semaphore_mem>>)
      %dma_wait3A_133 = arith.constant 0 : i32
      %dma_wait3A_134 = tpu.memref_slice %arg9[%arg0, %mul3A_124, %dma_wait3A_133] : memref<2x10112x128xf32, #tpu.memory_space<hbm>> -> memref<1x632x128xf32, #tpu.memory_space<hbm>>
      %dma_wait3A_135 = tpu.memref_squeeze %dma_wait3A_134 : memref<1x632x128xf32, #tpu.memory_space<hbm>> -> memref<632x128xf32, #tpu.memory_space<hbm>>
      %dma_wait3A_136 = arith.constant 0 : i32
      %dma_wait3A_137 = tpu.memref_slice %arg18[%mul3A_124, %dma_wait3A_136] : memref<10112x128xf32, #tpu.memory_space<vmem_shared>> -> memref<632x128xf32, #tpu.memory_space<vmem_shared>>
      tpu.wait_dma2 semaphore(%run_scoped3A_127 : memref<!tpu.dma_semaphore, #tpu.memory_space<semaphore_mem>>) src(%dma_wait3A_137 : memref<632x128xf32, #tpu.memory_space<vmem_shared>>) dst(%dma_wait3A_135 : memref<632x128xf32, #tpu.memory_space<hbm>>)
      tpu.yield
    }) : () -> ()
    %mul3A_125 = arith.constant 10112 : i32
    %mul3A_126 = arith.muli %add3A, %mul3A_125 : i32
    "tpu.region"() ({
      %run_scoped3A_127 = tpu.sem_alloc : memref<!tpu.dma_semaphore, #tpu.memory_space<semaphore_mem>>
      %dma_start3A_128 = tpu.memref_slice %arg10[%mul3A_126] : memref<323584xf32, #tpu.memory_space<hbm>> -> memref<10112xf32, #tpu.memory_space<hbm>>
      %dma_start3A_129 = tpu.memref_slice %arg10[%mul3A_126] : memref<323584xf32, #tpu.memory_space<hbm>> -> memref<10112xf32, #tpu.memory_space<hbm>>
      tpu.enqueue_dma source(%arg17 : memref<10112xf32, #tpu.memory_space<vmem>>) target(%dma_start3A_129 : memref<10112xf32, #tpu.memory_space<hbm>>) target_semaphore(%run_scoped3A_127 : memref<!tpu.dma_semaphore, #tpu.memory_space<semaphore_mem>>)
      %dma_wait3A_130 = tpu.memref_slice %arg10[%mul3A_126] : memref<323584xf32, #tpu.memory_space<hbm>> -> memref<10112xf32, #tpu.memory_space<hbm>>
      %dma_wait3A_131 = tpu.memref_slice %arg10[%mul3A_126] : memref<323584xf32, #tpu.memory_space<hbm>> -> memref<10112xf32, #tpu.memory_space<hbm>>
      tpu.wait_dma2 semaphore(%run_scoped3A_127 : memref<!tpu.dma_semaphore, #tpu.memory_space<semaphore_mem>>) src(%arg17 : memref<10112xf32, #tpu.memory_space<vmem>>) dst(%dma_wait3A_131 : memref<10112xf32, #tpu.memory_space<hbm>>)
      tpu.yield
    }) : () -> ()
    return
  }
}

module attributes {stable_mosaic.version = 14 : i64} {
  func.func @_mm_body(%arg0: i32, %arg1: memref<632x128xf32, #tpu.memory_space<vmem>>, %arg2: memref<128x128xf32, #tpu.memory_space<vmem>>, %arg3: memref<1x128xf32, #tpu.memory_space<vmem>>, %arg4: memref<632x128xf32, #tpu.memory_space<vmem>>) attributes {dimension_semantics = [#tpu.dimension_semantics<arbitrary>], iteration_bounds = array<i64: 16>, scalar_prefetch = 0 : i64, scratch_operands = 0 : i64, tpu.core_type = #tpu.core_type<tc>, window_params = [{transform_indices = @transform_0, window_bounds = array<i64: 632, 128>}, {pipeline_mode = #tpu.pipeline_mode<synchronous>, transform_indices = @transform_1, window_bounds = array<i64: 128, 128>}, {pipeline_mode = #tpu.pipeline_mode<synchronous>, transform_indices = @transform_2, window_bounds = array<i64: 1, 128>}, {transform_indices = @transform_3, window_bounds = array<i64: 632, 128>}]} {
    %get3A = arith.constant 0 : index
    %get3A_0 = arith.constant 0 : index
    %get3A_1 = vector.load %arg1[%get3A, %get3A_0] : memref<632x128xf32, #tpu.memory_space<vmem>>, vector<632x128xf32>
    %get3A_2 = arith.constant 0 : index
    %get3A_3 = arith.constant 0 : index
    %get3A_4 = vector.load %arg2[%get3A_2, %get3A_3] : memref<128x128xf32, #tpu.memory_space<vmem>>, vector<128x128xf32>
    %dot_general3A = arith.constant dense<0.000000e+00> : vector<632x128xf32>
    %dot_general3A_5 = tpu.matmul %get3A_1, %get3A_4, %dot_general3A {dimension_numbers = #tpu.dot_dimension_numbers<[1], [0], [0], [1], [0, 0, 1, 1], [], []>, precision = #tpu.contract_precision<fp32>, transpose_lhs_hint = false} : vector<632x128xf32>, vector<128x128xf32>, vector<632x128xf32> -> vector<632x128xf32>
    %get3A_6 = arith.constant 0 : index
    %get3A_7 = arith.constant 0 : index
    %get3A_8 = vector.load %arg3[%get3A_6, %get3A_7] : memref<1x128xf32, #tpu.memory_space<vmem>>, vector<1x128xf32>
    %add3A = vector.broadcast %get3A_8 : vector<1x128xf32> to vector<632x128xf32>
    %add3A_9 = arith.addf %dot_general3A_5, %add3A : vector<632x128xf32>
    %mul3A = arith.constant 632 : i32
    %mul3A_10 = arith.muli %arg0, %mul3A : i32
    %iota3A = tpu.iota {dimensions = array<i32: 0>} : vector<632x1xi32>
    %add3A_11 = vector.broadcast %mul3A_10 : i32 to vector<632x1xi32>
    %add3A_12 = arith.addi %add3A_11, %iota3A : vector<632x1xi32>
    %lt3A = arith.constant 10000 : i32
    %lt3A_13 = vector.broadcast %lt3A : i32 to vector<632x1xi32>
    %lt3A_14 = arith.cmpi slt, %add3A_12, %lt3A_13 : vector<632x1xi32>
    %jit3A = arith.constant 0.000000e+00 : f32
    %broadcast_in_dim3A = vector.shape_cast %lt3A_14 : vector<632x1xi1> to vector<632x1xi1>
    %broadcast_in_dim3A_15 = vector.broadcast %broadcast_in_dim3A : vector<632x1xi1> to vector<632x128xi1>
    %broadcast_in_dim3A_16 = vector.broadcast %jit3A : f32 to vector<632x128xf32>
    %select_n3A = arith.select %broadcast_in_dim3A_15, %add3A_9, %broadcast_in_dim3A_16 : vector<632x128xi1>, vector<632x128xf32>
    %swap3A = arith.constant 0 : index
    %swap3A_17 = arith.constant 0 : index
    %swap3A_18 = vector.load %arg4[%swap3A, %swap3A_17] : memref<632x128xf32, #tpu.memory_space<vmem>>, vector<632x128xf32>
    tpu.vector_store %arg4[%swap3A, %swap3A_17], %select_n3A {strides = array<i32>} : memref<632x128xf32, #tpu.memory_space<vmem>>, vector<632x128xf32>,
    return
  }
  func.func @transform_0(%arg0: i32) -> (i32, i32) {
    %c0_i32 = arith.constant 0 : i32
    %c0_i32_0 = arith.constant 0 : i32
    return %arg0, %c0_i32 : i32, i32
  }
  func.func @transform_1(%arg0: i32) -> (i32, i32) {
    %c0_i32 = arith.constant 0 : i32
    %c0_i32_0 = arith.constant 0 : i32
    %c0_i32_1 = arith.constant 0 : i32
    return %c0_i32, %c0_i32_0 : i32, i32
  }
  func.func @transform_2(%arg0: i32) -> (i32, i32) {
    %c0_i32 = arith.constant 0 : i32
    %c0_i32_0 = arith.constant 0 : i32
    %c0_i32_1 = arith.constant 0 : i32
    return %c0_i32, %c0_i32_0 : i32, i32
  }
  func.func @transform_3(%arg0: i32) -> (i32, i32) {
    %c0_i32 = arith.constant 0 : i32
    %c0_i32_0 = arith.constant 0 : i32
    return %arg0, %c0_i32 : i32, i32
  }
}

module attributes {stable_mosaic.version = 14 : i64} {
  func.func @_comb_body(%arg0: i32, %arg1: memref<632x128xf32, #tpu.memory_space<vmem>>, %arg2: memref<632x128xf32, #tpu.memory_space<vmem>>, %arg3: memref<632x128xf32, #tpu.memory_space<vmem>>, %arg4: memref<632x32xf32, #tpu.memory_space<vmem>>, %arg5: memref<128x128xf32, #tpu.memory_space<vmem>>, %arg6: memref<128x128xf32, #tpu.memory_space<vmem>>, %arg7: memref<1x128xf32, #tpu.memory_space<vmem>>, %arg8: memref<632x128xf32, #tpu.memory_space<vmem>>) attributes {dimension_semantics = [#tpu.dimension_semantics<arbitrary>], iteration_bounds = array<i64: 16>, scalar_prefetch = 0 : i64, scratch_operands = 0 : i64, tpu.core_type = #tpu.core_type<tc>, window_params = [{transform_indices = @transform_0, window_bounds = array<i64: 632, 128>}, {transform_indices = @transform_1, window_bounds = array<i64: 632, 128>}, {transform_indices = @transform_2, window_bounds = array<i64: 632, 128>}, {transform_indices = @transform_3, window_bounds = array<i64: 632, 32>}, {pipeline_mode = #tpu.pipeline_mode<synchronous>, transform_indices = @transform_4, window_bounds = array<i64: 128, 128>}, {pipeline_mode = #tpu.pipeline_mode<synchronous>, transform_indices = @transform_5, window_bounds = array<i64: 128, 128>}, {pipeline_mode = #tpu.pipeline_mode<synchronous>, transform_indices = @transform_6, window_bounds = array<i64: 1, 128>}, {transform_indices = @transform_7, window_bounds = array<i64: 632, 128>}]} {
    %get3A = arith.constant 0 : index
    %get3A_0 = arith.constant 0 : index
    %get3A_1 = vector.load %arg4[%get3A, %get3A_0] : memref<632x32xf32, #tpu.memory_space<vmem>>, vector<632x32xf32>
    %reduce_sum3A = arith.constant dense<0.000000e+00> : vector<632xf32>
    %reduce_sum3A_2 = vector.multi_reduction <add>, %get3A_1, %reduce_sum3A [1] : vector<632x32xf32> to vector<632xf32>
    %broadcast_in_dim3A = vector.shape_cast %reduce_sum3A_2 : vector<632xf32> to vector<632x1xf32>
    %max3A = arith.constant 1.000000e+00 : f32
    %max3A_3 = vector.broadcast %max3A : f32 to vector<632x1xf32>
    %max3A_4 = arith.maximumf %broadcast_in_dim3A, %max3A_3 : vector<632x1xf32>
    %get3A_5 = arith.constant 0 : index
    %get3A_6 = arith.constant 0 : index
    %get3A_7 = vector.load %arg2[%get3A_5, %get3A_6] : memref<632x128xf32, #tpu.memory_space<vmem>>, vector<632x128xf32>
    %get3A_8 = arith.constant 0 : index
    %get3A_9 = arith.constant 0 : index
    %get3A_10 = vector.load %arg3[%get3A_8, %get3A_9] : memref<632x128xf32, #tpu.memory_space<vmem>>, vector<632x128xf32>
    %add3A = arith.addf %get3A_7, %get3A_10 : vector<632x128xf32>
    %div3A = vector.broadcast %max3A_4 : vector<632x1xf32> to vector<632x128xf32>
    %div3A_11 = arith.divf %add3A, %div3A : vector<632x128xf32>
    %max3A_12 = arith.constant 0.000000e+00 : f32
    %max3A_13 = vector.broadcast %max3A_12 : f32 to vector<632x128xf32>
    %max3A_14 = arith.maximumf %div3A_11, %max3A_13 : vector<632x128xf32>
    %get3A_15 = arith.constant 0 : index
    %get3A_16 = arith.constant 0 : index
    %get3A_17 = vector.load %arg1[%get3A_15, %get3A_16] : memref<632x128xf32, #tpu.memory_space<vmem>>, vector<632x128xf32>
    %max3A_18 = arith.constant 0.000000e+00 : f32
    %max3A_19 = vector.broadcast %max3A_18 : f32 to vector<632x128xf32>
    %max3A_20 = arith.maximumf %get3A_17, %max3A_19 : vector<632x128xf32>
    %get3A_21 = arith.constant 0 : index
    %get3A_22 = arith.constant 0 : index
    %get3A_23 = vector.load %arg5[%get3A_21, %get3A_22] : memref<128x128xf32, #tpu.memory_space<vmem>>, vector<128x128xf32>
    %dot_general3A = arith.constant dense<0.000000e+00> : vector<632x128xf32>
    %dot_general3A_24 = tpu.matmul %max3A_20, %get3A_23, %dot_general3A {dimension_numbers = #tpu.dot_dimension_numbers<[1], [0], [0], [1], [0, 0, 1, 1], [], []>, precision = #tpu.contract_precision<fp32>, transpose_lhs_hint = false} : vector<632x128xf32>, vector<128x128xf32>, vector<632x128xf32> -> vector<632x128xf32>
    %get3A_25 = arith.constant 0 : index
    %get3A_26 = arith.constant 0 : index
    %get3A_27 = vector.load %arg6[%get3A_25, %get3A_26] : memref<128x128xf32, #tpu.memory_space<vmem>>, vector<128x128xf32>
    %dot_general3A_28 = arith.constant dense<0.000000e+00> : vector<632x128xf32>
    %dot_general3A_29 = tpu.matmul %max3A_14, %get3A_27, %dot_general3A_28 {dimension_numbers = #tpu.dot_dimension_numbers<[1], [0], [0], [1], [0, 0, 1, 1], [], []>, precision = #tpu.contract_precision<fp32>, transpose_lhs_hint = false} : vector<632x128xf32>, vector<128x128xf32>, vector<632x128xf32> -> vector<632x128xf32>
    %add3A_30 = arith.addf %dot_general3A_24, %dot_general3A_29 : vector<632x128xf32>
    %get3A_31 = arith.constant 0 : index
    %get3A_32 = arith.constant 0 : index
    %get3A_33 = vector.load %arg7[%get3A_31, %get3A_32] : memref<1x128xf32, #tpu.memory_space<vmem>>, vector<1x128xf32>
    %add3A_34 = vector.broadcast %get3A_33 : vector<1x128xf32> to vector<632x128xf32>
    %add3A_35 = arith.addf %add3A_30, %add3A_34 : vector<632x128xf32>
    %mul3A = arith.constant 632 : i32
    %mul3A_36 = arith.muli %arg0, %mul3A : i32
    %iota3A = tpu.iota {dimensions = array<i32: 0>} : vector<632x1xi32>
    %add3A_37 = vector.broadcast %mul3A_36 : i32 to vector<632x1xi32>
    %add3A_38 = arith.addi %add3A_37, %iota3A : vector<632x1xi32>
    %lt3A = arith.constant 10000 : i32
    %lt3A_39 = vector.broadcast %lt3A : i32 to vector<632x1xi32>
    %lt3A_40 = arith.cmpi slt, %add3A_38, %lt3A_39 : vector<632x1xi32>
    %jit3A = arith.constant 0.000000e+00 : f32
    %broadcast_in_dim3A_41 = vector.shape_cast %lt3A_40 : vector<632x1xi1> to vector<632x1xi1>
    %broadcast_in_dim3A_42 = vector.broadcast %broadcast_in_dim3A_41 : vector<632x1xi1> to vector<632x128xi1>
    %broadcast_in_dim3A_43 = vector.broadcast %jit3A : f32 to vector<632x128xf32>
    %select_n3A = arith.select %broadcast_in_dim3A_42, %add3A_35, %broadcast_in_dim3A_43 : vector<632x128xi1>, vector<632x128xf32>
    %swap3A = arith.constant 0 : index
    %swap3A_44 = arith.constant 0 : index
    %swap3A_45 = vector.load %arg8[%swap3A, %swap3A_44] : memref<632x128xf32, #tpu.memory_space<vmem>>, vector<632x128xf32>
    tpu.vector_store %arg8[%swap3A, %swap3A_44], %select_n3A {strides = array<i32>} : memref<632x128xf32, #tpu.memory_space<vmem>>, vector<632x128xf32>,
    return
  }
  func.func @transform_0(%arg0: i32) -> (i32, i32) {
    %c0_i32 = arith.constant 0 : i32
    %c0_i32_0 = arith.constant 0 : i32
    return %arg0, %c0_i32 : i32, i32
  }
  func.func @transform_1(%arg0: i32) -> (i32, i32) {
    %c0_i32 = arith.constant 0 : i32
    %c0_i32_0 = arith.constant 0 : i32
    return %arg0, %c0_i32 : i32, i32
  }
  func.func @transform_2(%arg0: i32) -> (i32, i32) {
    %c0_i32 = arith.constant 0 : i32
    %c0_i32_0 = arith.constant 0 : i32
    return %arg0, %c0_i32 : i32, i32
  }
  func.func @transform_3(%arg0: i32) -> (i32, i32) {
    %c0_i32 = arith.constant 0 : i32
    %c0_i32_0 = arith.constant 0 : i32
    return %arg0, %c0_i32 : i32, i32
  }
  func.func @transform_4(%arg0: i32) -> (i32, i32) {
    %c0_i32 = arith.constant 0 : i32
    %c0_i32_0 = arith.constant 0 : i32
    %c0_i32_1 = arith.constant 0 : i32
    return %c0_i32, %c0_i32_0 : i32, i32
  }
  func.func @transform_5(%arg0: i32) -> (i32, i32) {
    %c0_i32 = arith.constant 0 : i32
    %c0_i32_0 = arith.constant 0 : i32
    %c0_i32_1 = arith.constant 0 : i32
    return %c0_i32, %c0_i32_0 : i32, i32
  }
  func.func @transform_6(%arg0: i32) -> (i32, i32) {
    %c0_i32 = arith.constant 0 : i32
    %c0_i32_0 = arith.constant 0 : i32
    %c0_i32_1 = arith.constant 0 : i32
    return %c0_i32, %c0_i32_0 : i32, i32
  }
  func.func @transform_7(%arg0: i32) -> (i32, i32) {
    %c0_i32 = arith.constant 0 : i32
    %c0_i32_0 = arith.constant 0 : i32
    return %arg0, %c0_i32 : i32, i32
  }
}

</mosaic_0001>

<sc_bundles>
// kernel: kernel.10.cloned.1.call-start
scs
__scs_entry_jumppad:
0x0: {  	(pc) =	sbr.rel $0x88, $3  }
0x1: {  	(tag) =	ssettag $0x0;
	lr =	simm.s32 $0x1  }
0x2: {  	[smem:$0x3F98] =	sst lr;
	_ =	strace $0xD0000000  }
0x3: {  	_ = 	snop  }
0x4: {  	_ = 	snop  }
0x5: {  	_ = 	snop  }
0x6: {  	_ = 	snop  }
0x7: {  	_ = 	snop  }
__scs_overlays_trampoline_lowered:
0x8: {  	[smem:$0x3FA7] =	sst s0  }
0x9: {  	[smem:$0x3FA8] =	sst s1  }
0xa: {  	[smem:$0x3FA9] =	sst s2  }
0xb: {  	[smem:$0x3FAA] =	sst s3  }
0xc: {  	[smem:$0x3FAB] =	sst s4  }
0xd: {  	[smem:$0x3FAC] =	sst s5  }
0xe: {  	[smem:$0x3FAD] =	sst s6  }
0xf: {  	[smem:$0x3FAE] =	sst s7  }
0x10: {  	[smem:$0x3FAF] =	sst s8  }
0x11: {  	[smem:$0x3FB0] =	sst s9;
	s0 =	simm.s32 @!p0 $0x0  }
0x12: {  	s1 =	sld [smem:$0x3F96];
	s0 =	simm.s32 @p0 $0x1  }
0x13: {  	[smem:$0x3FB1] =	sst s0;
	s0 =	simm.s32 @!p1 $0x0  }
0x14: {  	s2 =	sld [smem:$0x3F95];
	s0 =	simm.s32 @p1 $0x1  }
0x15: {  	[smem:$0x3FB2] =	sst s0;
	s0 =	simm.s32 @!p2 $0x0  }
0x16: {  	s3 =	sld [smem:$0x3FDB];
	s0 =	simm.s32 @p2 $0x1  }
0x17: {  	s4 =	simm.s32 $0x1BF5;
	[smem:$0x3FB4] =	sst s0  }
0x18: {  	s0 =	sld [smem:$0x3F97];
	_ =	swait.ge [sflag:s4], $0x0  }
0x19: {  	s7 =	sld [smem:$0x3F98]  }
0x1a: {  	s8 =	sadd.s32 $0xFFFFE003, lr  }
0x1b: {  	s9 =	sadd.s32 $0xFFFFFEF7, lr;
	s5 =	simm.s32 $0xFFFFFFFF;
	p2 =	slt.u32 s8, $0xFFFFF086  }
0x1c: {  	p1 =	slt.u32 s9, $0xF7A;
	s5 =	simm.s32 @!p2 $0x0  }
0x1d: {  	s5 =	simm.s32 @p1 $0x1;
	p0 =	seq.s32 s7, s2  }
0x1e: {  	s7 =	smul.u32 @!p0 $0xF7A, s2;
	p2 =	seq.s32 @!p0 s5, $0x0  }
0x1f: {  	s9 =	smul.u32 $0xF7A, s1;
	s8 =	simm.s32 @!p0 $0x1BF5;
	p2 =	por !p2, p0  }
0x20: {  	[sflag:s8] =	ssyncset.s32 @!p0 $0xFFFFF086;
	s6 =	sadd.s32 @!p0 s3, s7;
	s7 =	simm.s32 @!p0 $0x108  }
0x21: {  	s3 =	sadd.s32 s3, s9;
	s6 =	sadd.s32 @!p0 $0x88, s6;
	s7 =	simm.s32 @p2 $0x1082  }
0x22: {  	[simem:s7], [sflag:s8] =	dma.local @!p0 [hbm:s6], $0xF7A  }
0x23: {  	s9 =	sor.u32 $0xD0000000, s2;
	s6 =	simm.s32 $0x108;
	_ =	swait.ge @!p0 [sflag:s8], $0x0  }
0x24: {  	s3 =	sadd.s32 $0x88, s3;
	s6 =	simm.s32 @!p1 $0x1082;
	[sflag:s4] =	ssyncset.s32 $0xFFFFF086  }
0x25: {  	[simem:s6], [sflag:s4] =	dma.local [hbm:s3], $0xF7A  }
0x26: {  	[smem:$0x3F98] =	sst s1;
	(tag) =	ssettag s2;
	_ =	strace s9  }
0x27: {  	s1 =	sld [smem:$0x3FA8]  }
0x28: {  	s2 =	sld [smem:$0x3FA9]  }
0x29: {  	s4 =	sld [smem:$0x3FAB]  }
0x2a: {  	p0 =	seq.s32 s5, $0x0;
	s5 =	sld [smem:$0x3FAC]  }
0x2b: {  	s6 =	sld [smem:$0x3FAD]  }
0x2c: {  	s7 =	sld [smem:$0x3FAE]  }
0x2d: {  	s3 =	simm.s32 $0x108;
	s8 =	sld [smem:$0x3FAF]  }
0x2e: {  	s3 =	simm.s32 @!p0 $0x1082;
	s9 =	sld [smem:$0x3FB0]  }
0x2f: {  	lr =	sadd.s32 s0, s3;
	s0 =	sld [smem:$0x3FA7]  }
0x30: {  	s3 =	sld [smem:$0x3FAA]  }
0x31: {  	[smem:$0x3FB3] =	sst s10  }
0x32: {  	s10 =	sld [smem:$0x3FB1];
	_ =	sdelay $0x3  }
0x33: {  	p0 =	seq.s32 s10, $0x1;
	s10 =	sld [smem:$0x3FB3];
	_ =	sdelay $0x3  }
0x34: {  	[smem:$0x3FB3] =	sst s10  }
0x35: {  	s10 =	sld [smem:$0x3FB2];
	_ =	sdelay $0x3  }
0x36: {  	p1 =	seq.s32 s10, $0x1;
	s10 =	sld [smem:$0x3FB3];
	_ =	sdelay $0x3  }
0x37: {  	[smem:$0x3FB3] =	sst s10  }
0x38: {  	s10 =	sld [smem:$0x3FB4]  }
0x39: {  	_ = 	snop;
	(pc) =	sbr.ind lr, $3  }
0x3a: {  	_ = 	snop  }
0x3b: {  	_ = 	snop  }
0x3c: {  	p2 =	seq.s32 s10, $0x1;
	s10 =	sld [smem:$0x3FB3]  }
0x3d: {  	_ =	shalt  }
0x3e: {  	_ =	shalt  }
0x3f: {  	_ =	shalt  }
0x40: {  	_ =	shalt  }
0x41: {  	_ =	shalt  }
0x42: {  	_ =	shalt  }
0x43: {  	_ =	shalt  }
0x44: {  	_ =	shalt  }
0x45: {  	_ =	shalt  }
0x46: {  	_ =	shalt  }
0x47: {  	_ =	shalt  }
0x48: {  	_ =	shalt  }
0x49: {  	_ =	shalt  }
0x4a: {  	_ =	shalt  }
0x4b: {  	_ =	shalt  }
0x4c: {  	_ =	shalt  }
0x4d: {  	_ =	shalt  }
0x4e: {  	_ =	shalt  }
0x4f: {  	_ =	shalt  }
0x50: {  	_ =	shalt  }
0x51: {  	_ =	shalt  }
0x52: {  	_ =	shalt  }
0x53: {  	_ =	shalt  }
0x54: {  	_ =	shalt  }
0x55: {  	_ =	shalt  }
0x56: {  	_ =	shalt  }
0x57: {  	_ =	shalt  }
0x58: {  	_ =	shalt  }
0x59: {  	_ =	shalt  }
0x5a: {  	_ =	shalt  }
0x5b: {  	_ =	shalt  }
0x5c: {  	_ =	shalt  }
0x5d: {  	_ =	shalt  }
0x5e: {  	_ =	shalt  }
0x5f: {  	_ =	shalt  }
0x60: {  	_ =	shalt  }
0x61: {  	_ =	shalt  }
0x62: {  	_ =	shalt  }
0x63: {  	_ =	shalt  }
0x64: {  	_ =	shalt  }
0x65: {  	_ =	shalt  }
0x66: {  	_ =	shalt  }
0x67: {  	_ =	shalt  }
0x68: {  	_ =	shalt  }
0x69: {  	_ =	shalt  }
0x6a: {  	_ =	shalt  }
0x6b: {  	_ =	shalt  }
0x6c: {  	_ =	shalt  }
0x6d: {  	_ =	shalt  }
0x6e: {  	_ =	shalt  }
0x6f: {  	_ =	shalt  }
0x70: {  	_ =	shalt  }
0x71: {  	_ =	shalt  }
0x72: {  	_ =	shalt  }
0x73: {  	_ =	shalt  }
0x74: {  	_ =	shalt  }
0x75: {  	_ =	shalt  }
0x76: {  	_ =	shalt  }
0x77: {  	_ =	shalt  }
0x78: {  	_ =	shalt  }
0x79: {  	_ =	shalt  }
0x7a: {  	_ =	shalt  }
0x7b: {  	_ =	shalt  }
0x7c: {  	_ =	shalt  }
0x7d: {  	_ =	shalt  }
0x7e: {  	_ =	shalt  }
0x7f: {  	_ =	shalt  }
0x80: {  	_ =	shalt  }
0x81: {  	_ =	shalt  }
0x82: {  	_ =	shalt  }
0x83: {  	_ =	shalt  }
0x84: {  	_ =	shalt  }
0x85: {  	_ =	shalt  }
0x86: {  	_ =	shalt  }
0x87: {  	_ =	shalt  }
.Lfunc_end0:
.L_simem_size_0:
called_computation.1_lowered:
.L_overlay_start_0:
0x88: {  	s2 =	sld [smem:$0x3FD9]  }
0x89: {  	s3 =	sld [smem:$0x3FFE];
	_ =	sdelay $0x1  }
0x8a: {  	s1 =	srdreg.scid  }
0x8b: {  	s0 =	sand.u32 $0x1, s1  }
0x8c: {  	s17 =	sshll.u32 s0, $0xA;
	s2 =	sadd.s32 s3, s2  }
0x8d: {  	s2 =	sadd.s32 s2, s17  }
0x8e: {  	[smem:$0x3FBF] =	sst s2  }
0x8f: {  	_ = 	snop  }
0x90: {  	s2 =	sld [smem:$0x3FD0];
	(tm) =	ssettm $0x1  }
0x91: {  	s18 =	sld [smem:$0x3FFB];
	_ =	sdelay $0x3  }
0x92: {  	_ =	strace s18  }
0x93: {  	s3 =	sld [smem:$0x3FFC];
	_ =	sdelay $0x3  }
0x94: {  	_ =	strace s3  }
0x95: {  	s3 =	sld [smem:$0x3FFD];
	_ =	sdelay $0x3  }
0x96: {  	_ =	strace s3  }
0x97: {  	_ =	strace $0x8FFFFFFF  }
0x98: {  	s19 =	sld [smem:$0x3FDB];
	_ =	sdelay $0x1  }
0x99: {  	s4 =	simm.s32 $_scs_section_size  }
0x9a: {  	s5 =	simm.s32 $_size__tile_overlayer_lowered;
	s6 =	simm.s32 $_tile_overlayer_lowered  }
0x9b: {  	s22 =	simm.s32 $0x1BFF;
	s21 =	sshll.u32 s6, $0x1;
	s3 =	sadd.s32 s4, s19  }
0x9c: {  	s7 =	simm.s32 $0x0;
	s20 =	sshll.u32 s5, $0x1;
	s5 =	sadd.s32 s21, s3  }
0x9d: {  	[timem:s7], [sflag:s22] =	dma.local [hbm:s5], s20  }
0x9e: {  	_ =	swait.ge [sflag:s22], s20  }
0x9f: {  	s4 =	ssub.s32 $0x0, s20;
	[sflag:s22] =	ssyncset.done $0x0  }
0xa0: {  	[sflag:s22] =	ssyncadd.s32 s4;
	_ =	sdelay $0x1  }
0xa1: {  	s23 =	simm.s32 $0x1B8B  }
0xa2: {  	_ =	swait.ge [sflag:s23], $0x1  }
0xa3: {  	[sflag:s23] =	ssyncset.done $0x0  }
0xa4: {  	s25 =	simm.s32 $0x1B8E;
	s24 =	sld [smem:$0x3FFE];
	[sflag:s23] =	ssyncadd.s32 $0xFFFFFFFF  }
0xa5: {  	s26 =	simm.s32 $execute0_lowered;
	[smem:$0x3FD2] =	sst s25  }
0xa6: {  	s5 =	sshll.u32 s26, $0x1;
	_ =	strace $0x80000049;
	[dreg:$0x1] =	wrdreg $0xFFFFFFFF  }
0xa7: {  	s28 =	simm.s32 $_size_execute0_lowered;
	s3 =	sadd.s32 s3, s5;
	[dreg:$0x0] =	wrdreg $0x0  }
0xa8: {  	s5 =	sshll.u32 s28, $0x1;
	[dreg:$0x2] =	wrdreg s3  }
0xa9: {  	[dreg:$0x3] =	wrdreg s5  }
0xaa: {  	[dreg:$0x4] =	wrdreg $0xC0  }
0xab: {  	_ =	task [dreg:s7], $0x5FFFF  }
0xac: {  	[dreg:$0x1] =	wrdreg $0xFFFFFFFF  }
0xad: {  	[dreg:$0x0] =	wrdreg $0x60  }
0xae: {  	[dreg:$0x2] =	wrdreg s24  }
0xaf: {  	[dreg:$0x3] =	wrdreg s2  }
0xb0: {  	[dreg:$0x4] =	wrdreg $0xAF800  }
0xb1: {  	[dreg:$0x5] =	wrdreg $0x9  }
0xb2: {  	_ =	task.clear_ibuf [dreg:s7], $0x6FFFF;
	_ =	strace $0x90000049  }
0xb3: {  	s29 =	simm.s32 $0x9;
	_ =	strace $0x8000004B  }
0xb4: {  	_ =	swait.ge [sflag:s29], $0x1  }
0xb5: {  	[sflag:s29] =	ssyncadd.s32 $0xFFFFFFFF  }
0xb6: {  	_ =	strace $0x9000004B  }
0xb7: {  	_ =	sfence  }
0xb8: {  	s30 =	sld [smem:$0x0];
	_ =	sdelay $0x2  }
0xb9: {  	s31 =	sshll.u32 s1, $0xD;
	s1 =	sshrl.u32 s1, $0x2  }
0xba: {  	s3 =	sand.u32 $0x4000, s31;
	s1 =	sadd.s32 s1, s30  }
0xbb: {  	s0 =	sor.u32 s3, s0;
	s1 =	sshll.u32 s1, $0x11  }
0xbc: {  	s0 =	sor.u32 s1, s0  }
0xbd: {  	s0 =	sadd.s32 $0x8F2B, s0  }
0xbe: {  	[sflag:s0] =	ssyncadd.remote.s32 $0x1  }
0xbf: {  	_ =	sfence.sel $0xFFFF  }
0xc0: {  	[dreg:$0x0] =	wrdreg $0xFFFFFFFF;
	(pc) =	sbr.abs _section_cstart, $3  }
0xc1: {  	[dreg:$0x1] =	wrdreg $0xFFFFFFFF  }
0xc2: {  	_ =	task.clear_ibuf [dreg:s7], $0x2FFFF;
	_ =	strace $0x9FFFFFFF  }
0xc3: {  	(tm) =	ssettm $0x7FFFFFFF  }
tec
execute0_lowered:
.L_overlay_start_1:
0x0: {  	(tag) =	ssettag $0x1  }
0x1: {  	s2 =	rddreg [dreg:$0x0]  }
0x2: {  	s0 =	rddreg [dreg:$0x1]  }
0x3: {  	s1 =	rddreg [dreg:$0x2]  }
0x4: {  	s26 =	simm.s32 $0x0;
	s3 =	srdreg.scid;
	s16 =	stileid.u32  }
0x5: {  	s28 =	simm.s32 $0x80;
	s29 =	simm.s32 $0x800;
	s30 =	simm.s32 $0x1  }
0x6: {  	s31 =	simm.s32 $0x180;
	[smem:$0x7FF] =	sst s26;
	s8 =	smul.u32 $0x13C00, s16  }
0x7: {  	s4 =	sadd.s32 $0x1400, s2;
	s3 =	sand.u32 $0x1, s3;
	s12 =	smul.u32 $0x4F000, s16  }
0x8: {  	s9 =	sshll.u32 s16, $0x1;
	s18 =	sadd.s32 $0x49A00, s2;
	s6 =	smul.u32 $0x13C000, s3  }
0x9: {  	_ =	strace $0x8000004A;
	[dreg:$0x5] =	wrdreg s18;
	s18 =	smul.u32 $0xA0, s16  }
0xa: {  	s9 =	sor.u32 s3, s9;
	s11 =	ssub.s32 $0x2, s3;
	s3 =	smul.u32 $0x50, s3  }
0xb: {  	s5 =	sadd.s32 $0x3D200, s2;
	s10 =	sadd.s32 $0x47200, s2;
	s19 =	smul.u32 $0x4F0, s9  }
0xc: {  	s7 =	sadd.s32 $0xD2E00, s2;
	[dreg:$0x4] =	wrdreg s10;
	s14 =	smul.u32 $0x180, s9  }
0xd: {  	s10 =	sadd.s32 $0x99000, s2;
	s16 =	simm.s32 $0x600;
	s22 =	smul.u32 $0x1800, s9  }
0xe: {  	s13 =	sshrl.u32 s11, $0x1;
	s20 =	sshrl.u32 s12, $0x2;
	s9 =	smul.u32 $0x500, s9  }
0xf: {  	s12 =	simm.s32 $0x200;
	s6 =	sadd.s32 s8, s6;
	s8 =	ssub.s32 s11, s13  }
0x10: {  	s11 =	sadd.s32 s20, s1;
	s3 =	sadd.s32 s3, s18;
	s18 =	simm.s32 $0x500  }
0x11: {  	s6 =	sshrl.u32 s6, $0x3;
	s21 =	sshrl.u32 s14, $0x3;
	s15 =	sadd.s32 $0x80, s14  }
0x12: {  	[dreg:$0x6] =	wrdreg s11;
	s25 =	sadd.s32 s10, s22;
	s20 =	sadd.s32 s5, s9  }
0x13: {  	s22 =	sor.u32 $0x40, s9;
	s6 =	sadd.s32 s6, s2;
	s2 =	sadd.s32 s19, s2  }
0x14: {  	s23 =	sadd.s32 s7, s21;
	s24 =	sshrl.u32 s15, $0x3;
	[dreg:$0x8] =	wrdreg s25  }
0x15: {  	s13 =	sshll.u32 s15, $0x4;
	s15 =	sadd.s32 $0x100, s14;
	[dreg:$0xd] =	wrdreg s20  }
0x16: {  	s21 =	sadd.s32 s0, s9;
	s9 =	sadd.s32 s5, s22;
	[dreg:$0x7] =	wrdreg s23  }
0x17: {  	s14 =	simm.s32 $0x6;
	s20 =	simm.s32 $0x580;
	[dreg:$0xe] =	wrdreg s21  }
0x18: {  	s11 =	sadd.s32 s7, s24;
	s17 =	sshrl.u32 s15, $0x3;
	[dreg:$0xf] =	wrdreg s9  }
0x19: {  	s6 =	sadd.s32 $0x4A000, s6;
	s2 =	sadd.s32 $0x28C00, s2;
	s23 =	sshll.u32 s3, $0x4  }
0x1a: {  	s24 =	smax.u32 s8, $0x1;
	s8 =	simm.s32 $0x7;
	[dreg:$0x9] =	wrdreg s11  }
0x1b: {  	s3 =	simm.s32 $0x400;
	s9 =	simm.s32 $0x2;
	[dreg:$0x11] =	wrdreg s6  }
0x1c: {  	s11 =	sadd.s32 s10, s13;
	s7 =	sadd.s32 s7, s17;
	[dreg:$0x12] =	wrdreg s2  }
0x1d: {  	[dreg:$0x13] =	wrdreg s24;
	s25 =	sor.u32 $0xC0, s23;
	s2 =	sor.u32 $0x80, s23  }
0x1e: {  	s6 =	simm.s32 $0x4800;
	s17 =	simm.s32 $0x480;
	[dreg:$0xa] =	wrdreg s11  }
0x1f: {  	s11 =	sshll.u32 s15, $0x4;
	[dreg:$0xb] =	wrdreg s7;
	s7 =	sadd.s32 s0, s22  }
0x20: {  	s21 =	sadd.s32 s25, s5;
	s22 =	sadd.s32 s25, s0;
	s23 =	sadd.s32 s2, s5  }
0x21: {  	s24 =	sadd.s32 s2, s0;
	s25 =	simm.s32 $0x8800;
	s5 =	simm.s32 $0x600  }
0x22: {  	s0 =	simm.s32 $0x0;
	s15 =	simm.s32 $0x400;
	s19 =	sadd.s32 s10, s11  }
0x23: {  	[dreg:$0x10] =	wrdreg s7;
	s7 =	simm.s32 $0x3;
	s10 =	simm.s32 $0x100  }
0x24: {  	v0 =	vimm.f32 $1.000000000e+00;
	s11 =	simm.s32 $0x4;
	[dreg:$0xc] =	wrdreg s19;
	s19 =	simm.s32 $0x680  }
.LBB2_1:
0x25: {  	[dreg:$0x14] =	wrdreg s0  }
0x26: {  	s2 =	rddreg [dreg:$0x5]  }
0x27: {  	[tilespmem:s25], [sflag:$0x7] =	stream.linear.gather [hbm4b:s2+s26], $0x2780, $0x38;
	[tilespmem:$0x1EB80] =	vst v63  }
0x28: {  	s0 =	stileid.u32;
	_ =	swait.ge [sflag:s8], $0x2780  }
0x29: {  	s2 =	sshll.u32 s0, $0x6;
	s13 =	rddreg [dreg:$0x6]  }
0x2a: {  	s0 =	sor.u32 $0x1C07, s2;
	s2 =	rddreg [dreg:$0x4]  }
0x2b: {  	[sflag:s8] =	ssyncset.done $0x0;
	[dreg:$0x15] =	wrdreg s0;
	s13 =	sshrl.u32 s13, $0x3  }
0x2c: {  	[sflag:s8] =	ssyncadd.s32 $0xFFFFD880;
	[dreg:$0x16] =	wrdreg s13  }
0x2d: {  	[spmem:s13], [sflag:s0] =	dma.local [hbm:s2], $0x2780  }
0x2e: {  	_ =	swait.ge [sflag:s8], $0x2780  }
0x2f: {  	[sflag:s8] =	ssyncset.done $0x0  }
0x30: {  	s13 =	rddreg [dreg:$0x7];
	[sflag:s8] =	ssyncadd.s32 $0xFFFFD880  }
0x31: {  	[tilespmem:s26], [sflag:$0x7] =	stream.linear.gather [hbm4b:s13+s26], $0x80, $0x38;
	[tilespmem:$0x1EB80] =	vst v63  }
0x32: {  	_ =	swait.ge [sflag:s8], $0x80  }
0x33: {  	[sflag:s8] =	ssyncset.done $0x0  }
0x34: {  	[sflag:s8] =	ssyncadd.s32 $0xFFFFFF80  }
0x35: {  	[tilespmem:s29], [sflag:$0x1] =	stream.indirect.gather [hbm4b:s4+s28], $0x80, s26, s28, $0xb8;
	[tilespmem:$0x1EB80] =	vst v63  }
0x36: {  	_ =	swait.ge [sflag:s30], $0x4000  }
0x37: {  	[sflag:s30] =	ssyncset.done $0x0  }
0x38: {  	s0 =	rddreg [dreg:$0x8];
	[sflag:s30] =	ssyncadd.s32 $0xFFFFC000  }
0x39: {  	[hbm4b:s0+s26] =	stream.linear.scatter [tilespmem:s29], [sflag:$0x7], $0x4000, $0x38;
	[tilespmem:$0x1EB80] =	vst v63  }
0x3a: {  	_ =	swait.ge [sflag:s8], $0x4000  }
0x3b: {  	[sflag:s8] =	ssyncset.done $0x0  }
0x3c: {  	s13 =	rddreg [dreg:$0x9];
	[sflag:s8] =	ssyncadd.s32 $0xFFFFC000  }
0x3d: {  	[tilespmem:s26], [sflag:$0x7] =	stream.linear.gather [hbm4b:s13+s26], $0x80, $0x38;
	[tilespmem:$0x1EB80] =	vst v63  }
0x3e: {  	_ =	swait.ge [sflag:s8], $0x80  }
0x3f: {  	[sflag:s8] =	ssyncset.done $0x0  }
0x40: {  	[sflag:s8] =	ssyncadd.s32 $0xFFFFFF80  }
0x41: {  	[tilespmem:s29], [sflag:$0x1] =	stream.indirect.gather [hbm4b:s4+s28], $0x80, s26, s28, $0xb8;
	[tilespmem:$0x1EB80] =	vst v63  }
0x42: {  	_ =	swait.ge [sflag:s30], $0x4000  }
0x43: {  	[sflag:s30] =	ssyncset.done $0x0  }
0x44: {  	s0 =	rddreg [dreg:$0xa];
	[sflag:s30] =	ssyncadd.s32 $0xFFFFC000  }
0x45: {  	[hbm4b:s0+s26] =	stream.linear.scatter [tilespmem:s29], [sflag:$0x7], $0x4000, $0x38;
	[tilespmem:$0x1EB80] =	vst v63  }
0x46: {  	_ =	swait.ge [sflag:s8], $0x4000  }
0x47: {  	[sflag:s8] =	ssyncset.done $0x0  }
0x48: {  	s13 =	rddreg [dreg:$0xb];
	[sflag:s8] =	ssyncadd.s32 $0xFFFFC000  }
0x49: {  	[tilespmem:s26], [sflag:$0x7] =	stream.linear.gather [hbm4b:s13+s26], $0x80, $0x38;
	[tilespmem:$0x1EB80] =	vst v63  }
0x4a: {  	_ =	swait.ge [sflag:s8], $0x80  }
0x4b: {  	[sflag:s8] =	ssyncset.done $0x0  }
0x4c: {  	[sflag:s8] =	ssyncadd.s32 $0xFFFFFF80  }
0x4d: {  	[tilespmem:s29], [sflag:$0x1] =	stream.indirect.gather [hbm4b:s4+s28], $0x80, s26, s28, $0xb8;
	[tilespmem:$0x1EB80] =	vst v63  }
0x4e: {  	_ =	swait.ge [sflag:s30], $0x4000  }
0x4f: {  	[sflag:s30] =	ssyncset.done $0x0  }
0x50: {  	s0 =	rddreg [dreg:$0xc];
	[sflag:s30] =	ssyncadd.s32 $0xFFFFC000  }
0x51: {  	[hbm4b:s0+s26] =	stream.linear.scatter [tilespmem:s29], [sflag:$0x7], $0x4000, $0x38;
	[tilespmem:$0x1EB80] =	vst v63  }
0x52: {  	_ =	swait.ge [sflag:s8], $0x4000  }
0x53: {  	[sflag:s8] =	ssyncset.done $0x0  }
0x54: {  	[sflag:s8] =	ssyncadd.s32 $0xFFFFC000  }
0x55: {  	[bflag:$0x0] =	sbarrier.arrive $0xFFFF  }
0x56: {  	s13 =	rddreg [dreg:$0xd]  }
0x57: {  	[tilespmem:s26], [sflag:$0x5] =	stream.linear.gather [hbm4b:s13+s26], $0x200, $0x38;
	[tilespmem:$0x1EB80] =	vst v63  }
0x58: {  	s8 =	simm.s32 $0x5;
	s0 =	rddreg [dreg:$0xe]  }
0x59: {  	[tilespmem:s12], [sflag:$0x5] =	stream.linear.gather [hbm4b:s0+s26], $0x200, $0x38;
	[tilespmem:$0x1EB80] =	vst v63  }
0x5a: {  	_ =	swait.ge [sflag:s8], $0x200  }
0x5b: {  	[sflag:s8] =	ssyncset.done $0x0  }
0x5c: {  	[sflag:s8] =	ssyncadd.s32 $0xFFFFFE00  }
0x5d: {  	_ =	swait.ge [sflag:s8], $0x200  }
0x5e: {  	[sflag:s8] =	ssyncset.done $0x0  }
0x5f: {  	s2 =	simm.s32 $0x0;
	s12 =	rddreg [dreg:$0xf];
	[sflag:s8] =	ssyncadd.s32 $0xFFFFFE00  }
0x60: {  	[tilespmem:s3], [sflag:$0x6] =	stream.linear.gather [hbm4b:s12+s26], $0x200, $0x38;
	[tilespmem:$0x1EB80] =	vst v63  }
0x61: {  	s0 =	simm.s32 $0x700;
	s13 =	rddreg [dreg:$0x10];
	s12 =	simm.s32 $0x280  }
0x62: {  	[tilespmem:s5], [sflag:$0x6] =	stream.linear.gather [hbm4b:s13+s26], $0x200, $0x38;
	[tilespmem:$0x1EB80] =	vst v63  }
0x63: {  	s3 =	simm.s32 $0x300;
	s5 =	simm.s32 $0x380;
	s13 =	simm.s32 $0x780  }
0x64: {  	[tilespmem:s29], [sflag:$0x1] =	stream.indirect.gather [hbm4b:s4+s28], $0x80, s26, s28, $0xb8;
	[tilespmem:$0x1EB80] =	vst v63  }
.LBB2_2:
0x65: {  	[tilespmem:s6], [sflag:$0x2] =	stream.indirect.gather [hbm4b:s4+s28], $0x80, s28, s28, $0xb8;
	[tilespmem:$0x1EB80] =	vst v63  }
0x66: {  	_ =	swait.ge [sflag:s30], $0x4000  }
0x67: {  	[sflag:s30] =	ssyncset.done $0x0  }
0x68: {  	s8 =	simm.s32 $0x200;
	[sflag:s30] =	ssyncadd.s32 $0xFFFFC000  }
0x69: {  	[spmem:s1] =	stream.indirect.scatter.add.f32 [tilespmem:s29], [sflag:$0x3], $0x80, s8, s28, $0xb8;
	[tilespmem:$0x1EB80] =	vst v63  }
0x6a: {  	v1 =	vld [tilespmem:$0x200];
	_ =	sdelay $0x7  }
0x6b: {  	[tilespmem:v1+s25+$0x0] =	vst.idx.add.f32.msk $0xffff, v0  }
0x6c: {  	v1 =	vld [tilespmem:$0x210];
	_ =	sdelay $0x7  }
0x6d: {  	[tilespmem:v1+s25+$0x0] =	vst.idx.add.f32.msk $0xffff, v0  }
0x6e: {  	v1 =	vld [tilespmem:$0x220];
	_ =	sdelay $0x7  }
0x6f: {  	[tilespmem:v1+s25+$0x0] =	vst.idx.add.f32.msk $0xffff, v0  }
0x70: {  	v1 =	vld [tilespmem:$0x230];
	_ =	sdelay $0x7  }
0x71: {  	[tilespmem:v1+s25+$0x0] =	vst.idx.add.f32.msk $0xffff, v0  }
0x72: {  	v1 =	vld [tilespmem:$0x240];
	_ =	sdelay $0x7  }
0x73: {  	[tilespmem:v1+s25+$0x0] =	vst.idx.add.f32.msk $0xffff, v0  }
0x74: {  	v1 =	vld [tilespmem:$0x250];
	_ =	sdelay $0x7  }
0x75: {  	[tilespmem:v1+s25+$0x0] =	vst.idx.add.f32.msk $0xffff, v0  }
0x76: {  	v1 =	vld [tilespmem:$0x260];
	_ =	sdelay $0x7  }
0x77: {  	[tilespmem:v1+s25+$0x0] =	vst.idx.add.f32.msk $0xffff, v0  }
0x78: {  	v1 =	vld [tilespmem:$0x270];
	_ =	sdelay $0x7  }
0x79: {  	[tilespmem:v1+s25+$0x0] =	vst.idx.add.f32.msk $0xffff, v0  }
0x7a: {  	_ =	swait.ge [sflag:s7], $0x4000  }
0x7b: {  	[sflag:s7] =	ssyncset.done $0x0  }
0x7c: {  	[sflag:s7] =	ssyncadd.s32 $0xFFFFC000  }
0x7d: {  	[tilespmem:s29], [sflag:$0x1] =	stream.indirect.gather [hbm4b:s4+s28], $0x80, s10, s28, $0xb8;
	[tilespmem:$0x1EB80] =	vst v63  }
0x7e: {  	_ =	swait.ge [sflag:s9], $0x4000  }
0x7f: {  	[sflag:s9] =	ssyncset.done $0x0  }
0x80: {  	[sflag:s9] =	ssyncadd.s32 $0xFFFFC000  }
0x81: {  	[spmem:s1] =	stream.indirect.scatter.add.f32 [tilespmem:s6], [sflag:$0x4], $0x80, s12, s28, $0xb8;
	[tilespmem:$0x1EB80] =	vst v63  }
0x82: {  	v1 =	vld [tilespmem:$0x280];
	_ =	sdelay $0x7  }
0x83: {  	[tilespmem:v1+s25+$0x0] =	vst.idx.add.f32.msk $0xffff, v0  }
0x84: {  	v1 =	vld [tilespmem:$0x290];
	_ =	sdelay $0x7  }
0x85: {  	[tilespmem:v1+s25+$0x0] =	vst.idx.add.f32.msk $0xffff, v0  }
0x86: {  	v1 =	vld [tilespmem:$0x2A0];
	_ =	sdelay $0x7  }
0x87: {  	[tilespmem:v1+s25+$0x0] =	vst.idx.add.f32.msk $0xffff, v0  }
0x88: {  	v1 =	vld [tilespmem:$0x2B0];
	_ =	sdelay $0x7  }
0x89: {  	[tilespmem:v1+s25+$0x0] =	vst.idx.add.f32.msk $0xffff, v0  }
0x8a: {  	v1 =	vld [tilespmem:$0x2C0];
	_ =	sdelay $0x7  }
0x8b: {  	[tilespmem:v1+s25+$0x0] =	vst.idx.add.f32.msk $0xffff, v0  }
0x8c: {  	v1 =	vld [tilespmem:$0x2D0];
	_ =	sdelay $0x7  }
0x8d: {  	[tilespmem:v1+s25+$0x0] =	vst.idx.add.f32.msk $0xffff, v0  }
0x8e: {  	v1 =	vld [tilespmem:$0x2E0];
	_ =	sdelay $0x7  }
0x8f: {  	[tilespmem:v1+s25+$0x0] =	vst.idx.add.f32.msk $0xffff, v0  }
0x90: {  	v1 =	vld [tilespmem:$0x2F0];
	_ =	sdelay $0x7  }
0x91: {  	[tilespmem:v1+s25+$0x0] =	vst.idx.add.f32.msk $0xffff, v0  }
0x92: {  	_ =	swait.ge [sflag:s11], $0x4000  }
0x93: {  	[sflag:s11] =	ssyncset.done $0x0  }
0x94: {  	[sflag:s11] =	ssyncadd.s32 $0xFFFFC000  }
0x95: {  	[tilespmem:s6], [sflag:$0x2] =	stream.indirect.gather [hbm4b:s4+s28], $0x80, s31, s28, $0xb8;
	[tilespmem:$0x1EB80] =	vst v63  }
0x96: {  	_ =	swait.ge [sflag:s30], $0x4000  }
0x97: {  	[sflag:s30] =	ssyncset.done $0x0  }
0x98: {  	[sflag:s30] =	ssyncadd.s32 $0xFFFFC000  }
0x99: {  	[spmem:s1] =	stream.indirect.scatter.add.f32 [tilespmem:s29], [sflag:$0x3], $0x80, s3, s28, $0xb8;
	[tilespmem:$0x1EB80] =	vst v63  }
0x9a: {  	v1 =	vld [tilespmem:$0x300];
	_ =	sdelay $0x7  }
0x9b: {  	[tilespmem:v1+s25+$0x0] =	vst.idx.add.f32.msk $0xffff, v0  }
0x9c: {  	v1 =	vld [tilespmem:$0x310];
	_ =	sdelay $0x7  }
0x9d: {  	[tilespmem:v1+s25+$0x0] =	vst.idx.add.f32.msk $0xffff, v0  }
0x9e: {  	v1 =	vld [tilespmem:$0x320];
	_ =	sdelay $0x7  }
0x9f: {  	[tilespmem:v1+s25+$0x0] =	vst.idx.add.f32.msk $0xffff, v0  }
0xa0: {  	v1 =	vld [tilespmem:$0x330];
	_ =	sdelay $0x7  }
0xa1: {  	[tilespmem:v1+s25+$0x0] =	vst.idx.add.f32.msk $0xffff, v0  }
0xa2: {  	v1 =	vld [tilespmem:$0x340];
	_ =	sdelay $0x7  }
0xa3: {  	[tilespmem:v1+s25+$0x0] =	vst.idx.add.f32.msk $0xffff, v0  }
0xa4: {  	v1 =	vld [tilespmem:$0x350];
	_ =	sdelay $0x7  }
0xa5: {  	[tilespmem:v1+s25+$0x0] =	vst.idx.add.f32.msk $0xffff, v0  }
0xa6: {  	v1 =	vld [tilespmem:$0x360];
	_ =	sdelay $0x7  }
0xa7: {  	[tilespmem:v1+s25+$0x0] =	vst.idx.add.f32.msk $0xffff, v0  }
0xa8: {  	v1 =	vld [tilespmem:$0x370];
	_ =	sdelay $0x7  }
0xa9: {  	[tilespmem:v1+s25+$0x0] =	vst.idx.add.f32.msk $0xffff, v0  }
0xaa: {  	_ =	swait.ge [sflag:s14], $0x200  }
0xab: {  	[sflag:s14] =	ssyncset.done $0x0  }
0xac: {  	[sflag:s14] =	ssyncadd.s32 $0xFFFFFE00  }
0xad: {  	_ =	swait.ge [sflag:s14], $0x200  }
0xae: {  	[sflag:s14] =	ssyncset.done $0x0  }
0xaf: {  	[sflag:s14] =	ssyncadd.s32 $0xFFFFFE00  }
0xb0: {  	_ =	swait.ge [sflag:s7], $0x4000  }
0xb1: {  	[sflag:s7] =	ssyncset.done $0x0  }
0xb2: {  	[sflag:s7] =	ssyncadd.s32 $0xFFFFC000  }
0xb3: {  	[tilespmem:s29], [sflag:$0x1] =	stream.indirect.gather [hbm4b:s4+s28], $0x80, s15, s28, $0xb8;
	[tilespmem:$0x1EB80] =	vst v63  }
0xb4: {  	_ =	swait.ge [sflag:s9], $0x4000  }
0xb5: {  	[sflag:s9] =	ssyncset.done $0x0  }
0xb6: {  	[sflag:s9] =	ssyncadd.s32 $0xFFFFC000  }
0xb7: {  	[spmem:s1] =	stream.indirect.scatter.add.f32 [tilespmem:s6], [sflag:$0x4], $0x80, s5, s28, $0xb8;
	[tilespmem:$0x1EB80] =	vst v63  }
0xb8: {  	v1 =	vld [tilespmem:$0x380];
	_ =	sdelay $0x7  }
0xb9: {  	[tilespmem:v1+s25+$0x0] =	vst.idx.add.f32.msk $0xffff, v0  }
0xba: {  	v1 =	vld [tilespmem:$0x390];
	_ =	sdelay $0x7  }
0xbb: {  	[tilespmem:v1+s25+$0x0] =	vst.idx.add.f32.msk $0xffff, v0  }
0xbc: {  	v1 =	vld [tilespmem:$0x3A0];
	_ =	sdelay $0x7  }
0xbd: {  	[tilespmem:v1+s25+$0x0] =	vst.idx.add.f32.msk $0xffff, v0  }
0xbe: {  	v1 =	vld [tilespmem:$0x3B0];
	_ =	sdelay $0x7  }
0xbf: {  	[tilespmem:v1+s25+$0x0] =	vst.idx.add.f32.msk $0xffff, v0  }
0xc0: {  	v1 =	vld [tilespmem:$0x3C0];
	_ =	sdelay $0x7  }
0xc1: {  	[tilespmem:v1+s25+$0x0] =	vst.idx.add.f32.msk $0xffff, v0  }
0xc2: {  	v1 =	vld [tilespmem:$0x3D0];
	_ =	sdelay $0x7  }
0xc3: {  	[tilespmem:v1+s25+$0x0] =	vst.idx.add.f32.msk $0xffff, v0  }
0xc4: {  	v1 =	vld [tilespmem:$0x3E0];
	_ =	sdelay $0x7  }
0xc5: {  	[tilespmem:v1+s25+$0x0] =	vst.idx.add.f32.msk $0xffff, v0  }
0xc6: {  	v1 =	vld [tilespmem:$0x3F0];
	_ =	sdelay $0x7  }
0xc7: {  	[tilespmem:v1+s25+$0x0] =	vst.idx.add.f32.msk $0xffff, v0  }
0xc8: {  	_ =	swait.ge [sflag:s11], $0x4000  }
0xc9: {  	[sflag:s11] =	ssyncset.done $0x0  }
0xca: {  	[sflag:s11] =	ssyncadd.s32 $0xFFFFC000  }
0xcb: {  	[tilespmem:s6], [sflag:$0x2] =	stream.indirect.gather [hbm4b:s4+s28], $0x80, s17, s28, $0xb8;
	[tilespmem:$0x1EB80] =	vst v63  }
0xcc: {  	_ =	swait.ge [sflag:s30], $0x4000  }
0xcd: {  	[sflag:s30] =	ssyncset.done $0x0  }
0xce: {  	[sflag:s30] =	ssyncadd.s32 $0xFFFFC000  }
0xcf: {  	[spmem:s1] =	stream.indirect.scatter.add.f32 [tilespmem:s29], [sflag:$0x3], $0x80, s16, s28, $0xb8;
	[tilespmem:$0x1EB80] =	vst v63  }
0xd0: {  	v1 =	vld [tilespmem:$0x600];
	_ =	sdelay $0x7  }
0xd1: {  	[tilespmem:v1+s25+$0x0] =	vst.idx.add.f32.msk $0xffff, v0  }
0xd2: {  	v1 =	vld [tilespmem:$0x610];
	_ =	sdelay $0x7  }
0xd3: {  	[tilespmem:v1+s25+$0x0] =	vst.idx.add.f32.msk $0xffff, v0  }
0xd4: {  	v1 =	vld [tilespmem:$0x620];
	_ =	sdelay $0x7  }
0xd5: {  	[tilespmem:v1+s25+$0x0] =	vst.idx.add.f32.msk $0xffff, v0  }
0xd6: {  	v1 =	vld [tilespmem:$0x630];
	_ =	sdelay $0x7  }
0xd7: {  	[tilespmem:v1+s25+$0x0] =	vst.idx.add.f32.msk $0xffff, v0  }
0xd8: {  	v1 =	vld [tilespmem:$0x640];
	_ =	sdelay $0x7  }
0xd9: {  	[tilespmem:v1+s25+$0x0] =	vst.idx.add.f32.msk $0xffff, v0  }
0xda: {  	v1 =	vld [tilespmem:$0x650];
	_ =	sdelay $0x7  }
0xdb: {  	[tilespmem:v1+s25+$0x0] =	vst.idx.add.f32.msk $0xffff, v0  }
0xdc: {  	v1 =	vld [tilespmem:$0x660];
	_ =	sdelay $0x7  }
0xdd: {  	[tilespmem:v1+s25+$0x0] =	vst.idx.add.f32.msk $0xffff, v0  }
0xde: {  	v1 =	vld [tilespmem:$0x670];
	_ =	sdelay $0x6  }
0xdf: {  	p0 =	seq.s32 s2, $0x480  }
0xe0: {  	s26 =	simm.s32 @!p0 $0x0;
	s8 =	sadd.s32 @!p0 s2, s23;
	[tilespmem:v1+s25+$0x0] =	vst.idx.add.f32.msk $0xffff, v0  }
0xe1: {  	[tilespmem:s26], [sflag:$0x5] =	stream.linear.gather @!p0 [hbm4b:s8+s26], $0x200, $0x38;
	[tilespmem:$0x1EB80] =	vst v63  }
0xe2: {  	s10 =	simm.s32 @!p0 $0x200;
	s8 =	sadd.s32 @!p0 s2, s24  }
0xe3: {  	[tilespmem:s10], [sflag:$0x5] =	stream.linear.gather @!p0 [hbm4b:s8+s26], $0x200, $0x38;
	[tilespmem:$0x1EB80] =	vst v63  }
0xe4: {  	_ =	swait.ge [sflag:s7], $0x4000  }
0xe5: {  	[sflag:s7] =	ssyncset.done $0x0  }
0xe6: {  	[sflag:s7] =	ssyncadd.s32 $0xFFFFC000  }
0xe7: {  	[tilespmem:s29], [sflag:$0x1] =	stream.indirect.gather [hbm4b:s4+s28], $0x80, s18, s28, $0xb8;
	[tilespmem:$0x1EB80] =	vst v63  }
0xe8: {  	_ =	swait.ge [sflag:s9], $0x4000  }
0xe9: {  	[sflag:s9] =	ssyncset.done $0x0  }
0xea: {  	[sflag:s9] =	ssyncadd.s32 $0xFFFFC000  }
0xeb: {  	[spmem:s1] =	stream.indirect.scatter.add.f32 [tilespmem:s6], [sflag:$0x4], $0x80, s19, s28, $0xb8;
	[tilespmem:$0x1EB80] =	vst v63  }
0xec: {  	v1 =	vld [tilespmem:$0x680];
	_ =	sdelay $0x7  }
0xed: {  	[tilespmem:v1+s25+$0x0] =	vst.idx.add.f32.msk $0xffff, v0  }
0xee: {  	v1 =	vld [tilespmem:$0x690];
	_ =	sdelay $0x7  }
0xef: {  	[tilespmem:v1+s25+$0x0] =	vst.idx.add.f32.msk $0xffff, v0  }
0xf0: {  	v1 =	vld [tilespmem:$0x6A0];
	_ =	sdelay $0x7  }
0xf1: {  	[tilespmem:v1+s25+$0x0] =	vst.idx.add.f32.msk $0xffff, v0  }
0xf2: {  	v1 =	vld [tilespmem:$0x6B0];
	_ =	sdelay $0x7  }
0xf3: {  	[tilespmem:v1+s25+$0x0] =	vst.idx.add.f32.msk $0xffff, v0  }
0xf4: {  	v1 =	vld [tilespmem:$0x6C0];
	_ =	sdelay $0x7  }
0xf5: {  	[tilespmem:v1+s25+$0x0] =	vst.idx.add.f32.msk $0xffff, v0  }
0xf6: {  	v1 =	vld [tilespmem:$0x6D0];
	_ =	sdelay $0x7  }
0xf7: {  	[tilespmem:v1+s25+$0x0] =	vst.idx.add.f32.msk $0xffff, v0  }
0xf8: {  	v1 =	vld [tilespmem:$0x6E0];
	_ =	sdelay $0x7  }
0xf9: {  	[tilespmem:v1+s25+$0x0] =	vst.idx.add.f32.msk $0xffff, v0  }
0xfa: {  	v1 =	vld [tilespmem:$0x6F0];
	_ =	sdelay $0x7  }
0xfb: {  	[tilespmem:v1+s25+$0x0] =	vst.idx.add.f32.msk $0xffff, v0  }
0xfc: {  	_ =	swait.ge [sflag:s11], $0x4000  }
0xfd: {  	[sflag:s11] =	ssyncset.done $0x0  }
0xfe: {  	[sflag:s11] =	ssyncadd.s32 $0xFFFFC000  }
0xff: {  	[tilespmem:s6], [sflag:$0x2] =	stream.indirect.gather [hbm4b:s4+s28], $0x80, s20, s28, $0xb8;
	[tilespmem:$0x1EB80] =	vst v63  }
0x100: {  	_ =	swait.ge [sflag:s30], $0x4000  }
0x101: {  	[sflag:s30] =	ssyncset.done $0x0  }
0x102: {  	[sflag:s30] =	ssyncadd.s32 $0xFFFFC000  }
0x103: {  	[spmem:s1] =	stream.indirect.scatter.add.f32 [tilespmem:s29], [sflag:$0x3], $0x80, s0, s28, $0xb8;
	[tilespmem:$0x1EB80] =	vst v63  }
0x104: {  	v1 =	vld [tilespmem:$0x700];
	_ =	sdelay $0x7  }
0x105: {  	[tilespmem:v1+s25+$0x0] =	vst.idx.add.f32.msk $0xffff, v0  }
0x106: {  	v1 =	vld [tilespmem:$0x710];
	_ =	sdelay $0x7  }
0x107: {  	[tilespmem:v1+s25+$0x0] =	vst.idx.add.f32.msk $0xffff, v0  }
0x108: {  	v1 =	vld [tilespmem:$0x720];
	_ =	sdelay $0x7  }
0x109: {  	[tilespmem:v1+s25+$0x0] =	vst.idx.add.f32.msk $0xffff, v0  }
0x10a: {  	v1 =	vld [tilespmem:$0x730];
	_ =	sdelay $0x7  }
0x10b: {  	[tilespmem:v1+s25+$0x0] =	vst.idx.add.f32.msk $0xffff, v0  }
0x10c: {  	v1 =	vld [tilespmem:$0x740];
	_ =	sdelay $0x7  }
0x10d: {  	[tilespmem:v1+s25+$0x0] =	vst.idx.add.f32.msk $0xffff, v0  }
0x10e: {  	v1 =	vld [tilespmem:$0x750];
	_ =	sdelay $0x7  }
0x10f: {  	[tilespmem:v1+s25+$0x0] =	vst.idx.add.f32.msk $0xffff, v0  }
0x110: {  	v1 =	vld [tilespmem:$0x760];
	_ =	sdelay $0x7  }
0x111: {  	[tilespmem:v1+s25+$0x0] =	vst.idx.add.f32.msk $0xffff, v0  }
0x112: {  	v1 =	vld [tilespmem:$0x770];
	_ =	sdelay $0x7  }
0x113: {  	[tilespmem:v1+s25+$0x0] =	vst.idx.add.f32.msk $0xffff, v0  }
0x114: {  	_ =	swait.ge [sflag:s7], $0x4000  }
0x115: {  	[sflag:s7] =	ssyncset.done $0x0  }
0x116: {  	s8 =	simm.s32 @!p0 $0x5;
	[sflag:s7] =	ssyncadd.s32 $0xFFFFC000  }
0x117: {  	_ =	swait.ge @!p0 [sflag:s8], $0x200  }
0x118: {  	[sflag:s8] =	ssyncset.done @!p0 $0x0  }
0x119: {  	[sflag:s8] =	ssyncadd.s32 @!p0 $0xFFFFFE00  }
0x11a: {  	_ =	swait.ge @!p0 [sflag:s8], $0x200  }
0x11b: {  	[sflag:s8] =	ssyncset.done @!p0 $0x0  }
0x11c: {  	s10 =	simm.s32 @!p0 $0x800;
	[sflag:s8] =	ssyncadd.s32 @!p0 $0xFFFFFE00;
	s8 =	simm.s32 @!p0 $0x80  }
0x11d: {  	[tilespmem:s10], [sflag:$0x1] =	stream.indirect.gather @!p0 [hbm4b:s4+s8], $0x80, s26, s8, $0xb8;
	[tilespmem:$0x1EB80] =	vst v63  }
0x11e: {  	_ =	swait.ge [sflag:s9], $0x4000  }
0x11f: {  	[sflag:s9] =	ssyncset.done $0x0  }
0x120: {  	[sflag:s9] =	ssyncadd.s32 $0xFFFFC000  }
0x121: {  	[spmem:s1] =	stream.indirect.scatter.add.f32 [tilespmem:s6], [sflag:$0x4], $0x80, s13, s28, $0xb8;
	[tilespmem:$0x1EB80] =	vst v63  }
0x122: {  	v1 =	vld [tilespmem:$0x780];
	_ =	sdelay $0x7  }
0x123: {  	[tilespmem:v1+s25+$0x0] =	vst.idx.add.f32.msk $0xffff, v0  }
0x124: {  	v1 =	vld [tilespmem:$0x790];
	_ =	sdelay $0x7  }
0x125: {  	[tilespmem:v1+s25+$0x0] =	vst.idx.add.f32.msk $0xffff, v0  }
0x126: {  	v1 =	vld [tilespmem:$0x7A0];
	_ =	sdelay $0x7  }
0x127: {  	[tilespmem:v1+s25+$0x0] =	vst.idx.add.f32.msk $0xffff, v0  }
0x128: {  	v1 =	vld [tilespmem:$0x7B0];
	_ =	sdelay $0x7  }
0x129: {  	[tilespmem:v1+s25+$0x0] =	vst.idx.add.f32.msk $0xffff, v0  }
0x12a: {  	v1 =	vld [tilespmem:$0x7C0];
	_ =	sdelay $0x7  }
0x12b: {  	[tilespmem:v1+s25+$0x0] =	vst.idx.add.f32.msk $0xffff, v0  }
0x12c: {  	v1 =	vld [tilespmem:$0x7D0];
	_ =	sdelay $0x7  }
0x12d: {  	[tilespmem:v1+s25+$0x0] =	vst.idx.add.f32.msk $0xffff, v0  }
0x12e: {  	v1 =	vld [tilespmem:$0x7E0];
	_ =	sdelay $0x7  }
0x12f: {  	[tilespmem:v1+s25+$0x0] =	vst.idx.add.f32.msk $0xffff, v0  }
0x130: {  	v1 =	vld [tilespmem:$0x7F0];
	_ =	sdelay $0x7  }
0x131: {  	[tilespmem:v1+s25+$0x0] =	vst.idx.add.f32.msk $0xffff, v0  }
0x132: {  	_ =	swait.ge [sflag:s11], $0x4000  }
0x133: {  	[sflag:s11] =	ssyncset.done $0x0  }
0x134: {  	s8 =	sadd.s32 @!p0 s2, s21;
	s10 =	simm.s32 @!p0 $0x400;
	[sflag:s11] =	ssyncadd.s32 $0xFFFFC000  }
0x135: {  	[tilespmem:s10], [sflag:$0x6] =	stream.linear.gather @!p0 [hbm4b:s8+s26], $0x200, $0x38;
	[tilespmem:$0x1EB80] =	vst v63  }
0x136: {  	s8 =	sadd.s32 @!p0 s2, s22;
	s2 =	sadd.s32 @!p0 $0x80, s2  }
0x137: {  	s10 =	simm.s32 @!p0 $0x600;
	p1 =	sne.s32 @!p0 s2, $0x500  }
0x138: {  	[tilespmem:s10], [sflag:$0x6] =	stream.linear.gather @!p0 [hbm4b:s8+s26], $0x200, $0x38;
	[tilespmem:$0x1EB80] =	vst v63  }
0x139: {  	p0 =	por p0, !p1  }
.Ltmp0:
0x13a: {  	_ = 	snop;
	(pc) =	sbr.rel @!p0 .LBB2_2-.Ltmp0, $2  }
0x13b: {  	_ =	sdelay $0x2  }
0x13c: {  	s10 =	simm.s32 $0x100  }
0x13d: {  	[bflag:$0x0] =	sbarrier.arrive $0xFFFF  }
0x13e: {  	s2 =	rddreg [dreg:$0x11]  }
0x13f: {  	s0 =	rddreg [dreg:$0x15]  }
0x140: {  	s8 =	simm.s32 $0x7;
	s3 =	rddreg [dreg:$0x16]  }
0x141: {  	[hbm:s2], [sflag:s0] =	dma.local [spmem:s3], $0x2780  }
0x142: {  	_ =	swait.ge [sflag:s8], $0x2780  }
0x143: {  	[sflag:s8] =	ssyncset.done $0x0  }
0x144: {  	s26 =	simm.s32 $0x0;
	s5 =	rddreg [dreg:$0x12];
	[sflag:s8] =	ssyncadd.s32 $0xFFFFD880  }
0x145: {  	[hbm4b:s5+s26] =	stream.linear.scatter [tilespmem:s25], [sflag:$0x7], $0x2780, $0x38;
	[tilespmem:$0x1EB80] =	vst v63  }
0x146: {  	_ =	swait.ge [sflag:s8], $0x2780  }
0x147: {  	s12 =	rddreg [dreg:$0x14]  }
0x148: {  	s13 =	rddreg [dreg:$0x13];
	s0 =	sadd.s32 $0x1, s12  }
0x149: {  	p0 =	sne.s32 s0, s13  }
.Ltmp1:
0x14a: {  	_ = 	snop;
	(pc) =	sbr.rel @p0 .LBB2_1-.Ltmp1, $3  }
0x14b: {  	_ =	sdelay $0x1  }
0x14c: {  	s3 =	simm.s32 $0x400;
	[sflag:s8] =	ssyncset.done $0x0  }
0x14d: {  	s5 =	simm.s32 $0x600;
	[sflag:s8] =	ssyncadd.s32 $0xFFFFD880;
	s12 =	simm.s32 $0x200  }
0x14e: {  	_ =	sfence.sel $0x180000  }
0x14f: {  	[bflag:$0x0] =	sbarrier.arrive $0xFFFF  }
0x150: {  	_ =	strace $0x9000004A  }
0x151: {  	s0 =	stileid.u32;
	[bflag:$0x2] =	sbarrier.arrive $0xFFFF  }
0x152: {  	p0 =	sne.s32 s0, $0x0;
	s0 =	rddreg [dreg:$0x3]  }
0x153: {  	s0 =	sadd.s32 @!p0 $0x100000, s0  }
0x154: {  	[sflag:s0] =	ssyncadd.tile.s32 @!p0 $0x1;
	_ =	shalt  }
.Lfunc_end2:
_tile_overlayer_lowered:
.L_overlay_start_2:
0x155: {  	(tag) =	ssettag $0x2  }
0x156: {  	s0 =	rddreg [dreg:$0x0];
	s2 =	stileid.u32  }
0x157: {  	s1 =	rddreg [dreg:$0x1];
	p0 =	sne.s32 s2, $0x0  }
0x158: {  	s3 =	rddreg [dreg:$0x2];
	[bflag:$0x3] =	sbarrier.arrive $0xFFFF;
	s2 =	simm.s32 @!p0 $0x1C07  }
0x159: {  	[timem:s3], [sflag:s2] =	dma.local @!p0 [hbm:s0], s1  }
0x15a: {  	s0 =	simm.s32 @!p0 $0x7  }
0x15b: {  	_ =	swait.ge @!p0 [sflag:s0], s1  }
0x15c: {  	s1 =	ssub.s32 @!p0 $0x0, s1;
	[sflag:s0] =	ssyncset.done @!p0 $0x0  }
0x15d: {  	[sflag:s0] =	ssyncadd.s32 @!p0 s1  }
0x15e: {  	[bflag:$0x3] =	sbarrier.arrive $0xFFFF  }
0x15f: {  	_ =	shalt  }

// kernel: kernel.7.cloned.1.call-start
scs
__scs_entry_jumppad:
0x0: {  	(pc) =	sbr.rel $0x88, $3  }
0x1: {  	(tag) =	ssettag $0x0;
	lr =	simm.s32 $0x1  }
0x2: {  	[smem:$0x3F98] =	sst lr;
	_ =	strace $0xD0000000  }
0x3: {  	_ = 	snop  }
0x4: {  	_ = 	snop  }
0x5: {  	_ = 	snop  }
0x6: {  	_ = 	snop  }
0x7: {  	_ = 	snop  }
__scs_overlays_trampoline_lowered:
0x8: {  	[smem:$0x3FA7] =	sst s0  }
0x9: {  	[smem:$0x3FA8] =	sst s1  }
0xa: {  	[smem:$0x3FA9] =	sst s2  }
0xb: {  	[smem:$0x3FAA] =	sst s3  }
0xc: {  	[smem:$0x3FAB] =	sst s4  }
0xd: {  	[smem:$0x3FAC] =	sst s5  }
0xe: {  	[smem:$0x3FAD] =	sst s6  }
0xf: {  	[smem:$0x3FAE] =	sst s7  }
0x10: {  	[smem:$0x3FAF] =	sst s8  }
0x11: {  	[smem:$0x3FB0] =	sst s9;
	s0 =	simm.s32 @!p0 $0x0  }
0x12: {  	s1 =	sld [smem:$0x3F96];
	s0 =	simm.s32 @p0 $0x1  }
0x13: {  	[smem:$0x3FB1] =	sst s0;
	s0 =	simm.s32 @!p1 $0x0  }
0x14: {  	s2 =	sld [smem:$0x3F95];
	s0 =	simm.s32 @p1 $0x1  }
0x15: {  	[smem:$0x3FB2] =	sst s0;
	s0 =	simm.s32 @!p2 $0x0  }
0x16: {  	s3 =	sld [smem:$0x3FDB];
	s0 =	simm.s32 @p2 $0x1  }
0x17: {  	s4 =	simm.s32 $0x1BF5;
	[smem:$0x3FB4] =	sst s0  }
0x18: {  	s0 =	sld [smem:$0x3F97];
	_ =	swait.ge [sflag:s4], $0x0  }
0x19: {  	s7 =	sld [smem:$0x3F98]  }
0x1a: {  	s8 =	sadd.s32 $0xFFFFE003, lr  }
0x1b: {  	s9 =	sadd.s32 $0xFFFFFEF7, lr;
	s5 =	simm.s32 $0xFFFFFFFF;
	p2 =	slt.u32 s8, $0xFFFFF086  }
0x1c: {  	p1 =	slt.u32 s9, $0xF7A;
	s5 =	simm.s32 @!p2 $0x0  }
0x1d: {  	s5 =	simm.s32 @p1 $0x1;
	p0 =	seq.s32 s7, s2  }
0x1e: {  	s7 =	smul.u32 @!p0 $0xF7A, s2;
	p2 =	seq.s32 @!p0 s5, $0x0  }
0x1f: {  	s9 =	smul.u32 $0xF7A, s1;
	s8 =	simm.s32 @!p0 $0x1BF5;
	p2 =	por !p2, p0  }
0x20: {  	[sflag:s8] =	ssyncset.s32 @!p0 $0xFFFFF086;
	s6 =	sadd.s32 @!p0 s3, s7;
	s7 =	simm.s32 @!p0 $0x108  }
0x21: {  	s3 =	sadd.s32 s3, s9;
	s6 =	sadd.s32 @!p0 $0x88, s6;
	s7 =	simm.s32 @p2 $0x1082  }
0x22: {  	[simem:s7], [sflag:s8] =	dma.local @!p0 [hbm:s6], $0xF7A  }
0x23: {  	s9 =	sor.u32 $0xD0000000, s2;
	s6 =	simm.s32 $0x108;
	_ =	swait.ge @!p0 [sflag:s8], $0x0  }
0x24: {  	s3 =	sadd.s32 $0x88, s3;
	s6 =	simm.s32 @!p1 $0x1082;
	[sflag:s4] =	ssyncset.s32 $0xFFFFF086  }
0x25: {  	[simem:s6], [sflag:s4] =	dma.local [hbm:s3], $0xF7A  }
0x26: {  	[smem:$0x3F98] =	sst s1;
	(tag) =	ssettag s2;
	_ =	strace s9  }
0x27: {  	s1 =	sld [smem:$0x3FA8]  }
0x28: {  	s2 =	sld [smem:$0x3FA9]  }
0x29: {  	s4 =	sld [smem:$0x3FAB]  }
0x2a: {  	p0 =	seq.s32 s5, $0x0;
	s5 =	sld [smem:$0x3FAC]  }
0x2b: {  	s6 =	sld [smem:$0x3FAD]  }
0x2c: {  	s7 =	sld [smem:$0x3FAE]  }
0x2d: {  	s3 =	simm.s32 $0x108;
	s8 =	sld [smem:$0x3FAF]  }
0x2e: {  	s3 =	simm.s32 @!p0 $0x1082;
	s9 =	sld [smem:$0x3FB0]  }
0x2f: {  	lr =	sadd.s32 s0, s3;
	s0 =	sld [smem:$0x3FA7]  }
0x30: {  	s3 =	sld [smem:$0x3FAA]  }
0x31: {  	[smem:$0x3FB3] =	sst s10  }
0x32: {  	s10 =	sld [smem:$0x3FB1];
	_ =	sdelay $0x3  }
0x33: {  	p0 =	seq.s32 s10, $0x1;
	s10 =	sld [smem:$0x3FB3];
	_ =	sdelay $0x3  }
0x34: {  	[smem:$0x3FB3] =	sst s10  }
0x35: {  	s10 =	sld [smem:$0x3FB2];
	_ =	sdelay $0x3  }
0x36: {  	p1 =	seq.s32 s10, $0x1;
	s10 =	sld [smem:$0x3FB3];
	_ =	sdelay $0x3  }
0x37: {  	[smem:$0x3FB3] =	sst s10  }
0x38: {  	s10 =	sld [smem:$0x3FB4]  }
0x39: {  	_ = 	snop;
	(pc) =	sbr.ind lr, $3  }
0x3a: {  	_ = 	snop  }
0x3b: {  	_ = 	snop  }
0x3c: {  	p2 =	seq.s32 s10, $0x1;
	s10 =	sld [smem:$0x3FB3]  }
0x3d: {  	_ =	shalt  }
0x3e: {  	_ =	shalt  }
0x3f: {  	_ =	shalt  }
0x40: {  	_ =	shalt  }
0x41: {  	_ =	shalt  }
0x42: {  	_ =	shalt  }
0x43: {  	_ =	shalt  }
0x44: {  	_ =	shalt  }
0x45: {  	_ =	shalt  }
0x46: {  	_ =	shalt  }
0x47: {  	_ =	shalt  }
0x48: {  	_ =	shalt  }
0x49: {  	_ =	shalt  }
0x4a: {  	_ =	shalt  }
0x4b: {  	_ =	shalt  }
0x4c: {  	_ =	shalt  }
0x4d: {  	_ =	shalt  }
0x4e: {  	_ =	shalt  }
0x4f: {  	_ =	shalt  }
0x50: {  	_ =	shalt  }
0x51: {  	_ =	shalt  }
0x52: {  	_ =	shalt  }
0x53: {  	_ =	shalt  }
0x54: {  	_ =	shalt  }
0x55: {  	_ =	shalt  }
0x56: {  	_ =	shalt  }
0x57: {  	_ =	shalt  }
0x58: {  	_ =	shalt  }
0x59: {  	_ =	shalt  }
0x5a: {  	_ =	shalt  }
0x5b: {  	_ =	shalt  }
0x5c: {  	_ =	shalt  }
0x5d: {  	_ =	shalt  }
0x5e: {  	_ =	shalt  }
0x5f: {  	_ =	shalt  }
0x60: {  	_ =	shalt  }
0x61: {  	_ =	shalt  }
0x62: {  	_ =	shalt  }
0x63: {  	_ =	shalt  }
0x64: {  	_ =	shalt  }
0x65: {  	_ =	shalt  }
0x66: {  	_ =	shalt  }
0x67: {  	_ =	shalt  }
0x68: {  	_ =	shalt  }
0x69: {  	_ =	shalt  }
0x6a: {  	_ =	shalt  }
0x6b: {  	_ =	shalt  }
0x6c: {  	_ =	shalt  }
0x6d: {  	_ =	shalt  }
0x6e: {  	_ =	shalt  }
0x6f: {  	_ =	shalt  }
0x70: {  	_ =	shalt  }
0x71: {  	_ =	shalt  }
0x72: {  	_ =	shalt  }
0x73: {  	_ =	shalt  }
0x74: {  	_ =	shalt  }
0x75: {  	_ =	shalt  }
0x76: {  	_ =	shalt  }
0x77: {  	_ =	shalt  }
0x78: {  	_ =	shalt  }
0x79: {  	_ =	shalt  }
0x7a: {  	_ =	shalt  }
0x7b: {  	_ =	shalt  }
0x7c: {  	_ =	shalt  }
0x7d: {  	_ =	shalt  }
0x7e: {  	_ =	shalt  }
0x7f: {  	_ =	shalt  }
0x80: {  	_ =	shalt  }
0x81: {  	_ =	shalt  }
0x82: {  	_ =	shalt  }
0x83: {  	_ =	shalt  }
0x84: {  	_ =	shalt  }
0x85: {  	_ =	shalt  }
0x86: {  	_ =	shalt  }
0x87: {  	_ =	shalt  }
.Lfunc_end0:
.L_simem_size_0:
called_computation_lowered:
.L_overlay_start_0:
0x88: {  	s2 =	sld [smem:$0x3FD9]  }
0x89: {  	s3 =	sld [smem:$0x3FFE];
	_ =	sdelay $0x1  }
0x8a: {  	s1 =	srdreg.scid  }
0x8b: {  	s0 =	sand.u32 $0x1, s1  }
0x8c: {  	s16 =	sshll.u32 s0, $0xA;
	s2 =	sadd.s32 s3, s2  }
0x8d: {  	s2 =	sadd.s32 s2, s16  }
0x8e: {  	[smem:$0x3FBF] =	sst s2  }
0x8f: {  	_ = 	snop  }
0x90: {  	(tm) =	ssettm $0x1  }
0x91: {  	s17 =	sld [smem:$0x3FFB];
	_ =	sdelay $0x3  }
0x92: {  	_ =	strace s17  }
0x93: {  	s2 =	sld [smem:$0x3FFC];
	_ =	sdelay $0x3  }
0x94: {  	_ =	strace s2  }
0x95: {  	s2 =	sld [smem:$0x3FFD];
	_ =	sdelay $0x3  }
0x96: {  	_ =	strace s2  }
0x97: {  	_ =	strace $0x8FFFFFFF  }
0x98: {  	s18 =	sld [smem:$0x3FDB];
	_ =	sdelay $0x1  }
0x99: {  	s19 =	simm.s32 $_scs_section_size  }
0x9a: {  	s4 =	simm.s32 $_size__tile_overlayer_lowered;
	s5 =	simm.s32 $_tile_overlayer_lowered  }
0x9b: {  	s22 =	simm.s32 $0x1BFF;
	s21 =	sshll.u32 s5, $0x1;
	s2 =	sadd.s32 s19, s18  }
0x9c: {  	s6 =	simm.s32 $0x0;
	s20 =	sshll.u32 s4, $0x1;
	s4 =	sadd.s32 s21, s2  }
0x9d: {  	[timem:s6], [sflag:s22] =	dma.local [hbm:s4], s20  }
0x9e: {  	_ =	swait.ge [sflag:s22], s20  }
0x9f: {  	s3 =	ssub.s32 $0x0, s20;
	[sflag:s22] =	ssyncset.done $0x0  }
0xa0: {  	[sflag:s22] =	ssyncadd.s32 s3;
	_ =	sdelay $0x1  }
0xa1: {  	s23 =	simm.s32 $0x1B8B  }
0xa2: {  	_ =	swait.ge [sflag:s23], $0x1  }
0xa3: {  	[sflag:s23] =	ssyncset.done $0x0  }
0xa4: {  	s25 =	simm.s32 $0x1B8E;
	s24 =	sld [smem:$0x3FFE];
	[sflag:s23] =	ssyncadd.s32 $0xFFFFFFFF  }
0xa5: {  	s26 =	simm.s32 $execute0_lowered;
	[smem:$0x3FD2] =	sst s25  }
0xa6: {  	s4 =	sshll.u32 s26, $0x1;
	_ =	strace $0x80000046;
	[dreg:$0x1] =	wrdreg $0xFFFFFFFF  }
0xa7: {  	s28 =	simm.s32 $_size_execute0_lowered;
	s2 =	sadd.s32 s2, s4;
	[dreg:$0x0] =	wrdreg $0x0  }
0xa8: {  	s4 =	sshll.u32 s28, $0x1;
	[dreg:$0x2] =	wrdreg s2  }
0xa9: {  	[dreg:$0x3] =	wrdreg s4  }
0xaa: {  	[dreg:$0x4] =	wrdreg $0xC0  }
0xab: {  	_ =	task [dreg:s6], $0x5FFFF  }
0xac: {  	[dreg:$0x1] =	wrdreg $0xFFFFFFFF  }
0xad: {  	[dreg:$0x0] =	wrdreg $0x60  }
0xae: {  	[dreg:$0x2] =	wrdreg s24  }
0xaf: {  	[dreg:$0x3] =	wrdreg $0xAF800  }
0xb0: {  	[dreg:$0x4] =	wrdreg $0x9  }
0xb1: {  	_ =	task.clear_ibuf [dreg:s6], $0x5FFFF;
	_ =	strace $0x90000046  }
0xb2: {  	s29 =	simm.s32 $0x9;
	_ =	strace $0x80000048  }
0xb3: {  	_ =	swait.ge [sflag:s29], $0x1  }
0xb4: {  	[sflag:s29] =	ssyncadd.s32 $0xFFFFFFFF  }
0xb5: {  	_ =	strace $0x90000048  }
0xb6: {  	_ =	sfence  }
0xb7: {  	s30 =	sld [smem:$0x0];
	_ =	sdelay $0x2  }
0xb8: {  	s31 =	sshll.u32 s1, $0xD;
	s1 =	sshrl.u32 s1, $0x2  }
0xb9: {  	s3 =	sand.u32 $0x4000, s31;
	s1 =	sadd.s32 s1, s30  }
0xba: {  	s0 =	sor.u32 s3, s0;
	s1 =	sshll.u32 s1, $0x11  }
0xbb: {  	s0 =	sor.u32 s1, s0  }
0xbc: {  	s0 =	sadd.s32 $0x8F2B, s0  }
0xbd: {  	[sflag:s0] =	ssyncadd.remote.s32 $0x1  }
0xbe: {  	_ =	sfence.sel $0xFFFF  }
0xbf: {  	[dreg:$0x0] =	wrdreg $0xFFFFFFFF;
	(pc) =	sbr.abs _section_cstart, $3  }
0xc0: {  	[dreg:$0x1] =	wrdreg $0xFFFFFFFF  }
0xc1: {  	_ =	task.clear_ibuf [dreg:s6], $0x2FFFF;
	_ =	strace $0x9FFFFFFF  }
0xc2: {  	(tm) =	ssettm $0x7FFFFFFF  }
0xc3: {  	_ =	shalt  }
tec
execute0_lowered:
.L_overlay_start_1:
0x0: {  	(tag) =	ssettag $0x1  }
0x1: {  	s0 =	rddreg [dreg:$0x0]  }
0x2: {  	s1 =	rddreg [dreg:$0x1];
	s26 =	simm.s32 $0x0  }
0x3: {  	s2 =	srdreg.scid;
	s16 =	stileid.u32;
	s28 =	simm.s32 $0x80  }
0x4: {  	s29 =	simm.s32 $0x800;
	s30 =	simm.s32 $0x1;
	s31 =	simm.s32 $0x180  }
0x5: {  	[smem:$0x7FF] =	sst s26;
	s4 =	sadd.s32 $0x1A00, s0;
	s8 =	smul.u32 $0x13C00, s16  }
0x6: {  	s3 =	sadd.s32 $0x33200, s0;
	s2 =	sand.u32 $0x1, s2;
	s12 =	smul.u32 $0x4F000, s16  }
0x7: {  	s9 =	sshll.u32 s16, $0x1;
	s18 =	sadd.s32 $0x49A00, s0;
	s6 =	smul.u32 $0x13C000, s2  }
0x8: {  	_ =	strace $0x80000047;
	[dreg:$0x4] =	wrdreg s18;
	s18 =	smul.u32 $0xA0, s16  }
0x9: {  	s9 =	sor.u32 s2, s9;
	s11 =	ssub.s32 $0x2, s2;
	s2 =	smul.u32 $0x50, s2  }
0xa: {  	s5 =	sadd.s32 $0x29200, s0;
	s10 =	sadd.s32 $0x47200, s0;
	s19 =	smul.u32 $0x4F0, s9  }
0xb: {  	s7 =	sadd.s32 $0x1400, s0;
	[dreg:$0x3] =	wrdreg s10;
	s14 =	smul.u32 $0x180, s9  }
0xc: {  	s10 =	sadd.s32 $0xA2E00, s0;
	s16 =	simm.s32 $0x600;
	s22 =	smul.u32 $0x1800, s9  }
0xd: {  	s13 =	sshrl.u32 s11, $0x1;
	s20 =	sshrl.u32 s12, $0x2;
	s9 =	smul.u32 $0x500, s9  }
0xe: {  	s12 =	simm.s32 $0x200;
	s6 =	sadd.s32 s8, s6;
	s8 =	ssub.s32 s11, s13  }
0xf: {  	s11 =	sadd.s32 s20, s1;
	s2 =	sadd.s32 s2, s18;
	s18 =	simm.s32 $0x500  }
0x10: {  	s6 =	sshrl.u32 s6, $0x3;
	s21 =	sshrl.u32 s14, $0x3;
	s15 =	sadd.s32 $0x80, s14  }
0x11: {  	[dreg:$0x5] =	wrdreg s11;
	s25 =	sadd.s32 s10, s22;
	s20 =	sadd.s32 s3, s9  }
0x12: {  	s22 =	sor.u32 $0x40, s9;
	s6 =	sadd.s32 s6, s0;
	s0 =	sadd.s32 s19, s0  }
0x13: {  	s23 =	sadd.s32 s7, s21;
	s24 =	sshrl.u32 s15, $0x3;
	[dreg:$0x7] =	wrdreg s25  }
0x14: {  	s13 =	sshll.u32 s15, $0x4;
	s15 =	sadd.s32 $0x100, s14;
	[dreg:$0xc] =	wrdreg s20  }
0x15: {  	s21 =	sadd.s32 s5, s9;
	s9 =	sadd.s32 s3, s22;
	[dreg:$0x6] =	wrdreg s23  }
0x16: {  	s14 =	simm.s32 $0x6;
	s20 =	simm.s32 $0x580;
	[dreg:$0xd] =	wrdreg s21  }
0x17: {  	s11 =	sadd.s32 s7, s24;
	s17 =	sshrl.u32 s15, $0x3;
	[dreg:$0xe] =	wrdreg s9  }
0x18: {  	s6 =	sadd.s32 $0x4A000, s6;
	s0 =	sadd.s32 $0x99000, s0;
	[dreg:$0x8] =	wrdreg s11  }
0x19: {  	s23 =	sshll.u32 s2, $0x4;
	s24 =	smax.u32 s8, $0x1;
	[dreg:$0x10] =	wrdreg s6  }
0x1a: {  	s8 =	simm.s32 $0x7;
	s9 =	simm.s32 $0x2;
	[dreg:$0x11] =	wrdreg s0  }
0x1b: {  	s11 =	sadd.s32 s10, s13;
	s7 =	sadd.s32 s7, s17;
	[dreg:$0x12] =	wrdreg s24  }
0x1c: {  	s25 =	sor.u32 $0xC0, s23;
	s0 =	sor.u32 $0x80, s23;
	s6 =	simm.s32 $0x4800  }
0x1d: {  	s17 =	simm.s32 $0x480;
	[dreg:$0x9] =	wrdreg s11;
	s11 =	sshll.u32 s15, $0x4  }
0x1e: {  	[dreg:$0xa] =	wrdreg s7;
	s7 =	sadd.s32 s5, s22;
	s21 =	sadd.s32 s25, s3  }
0x1f: {  	s22 =	sadd.s32 s25, s5;
	s23 =	sadd.s32 s0, s3;
	s24 =	sadd.s32 s0, s5  }
0x20: {  	s25 =	simm.s32 $0x8800;
	s3 =	simm.s32 $0x400;
	s5 =	simm.s32 $0x600  }
0x21: {  	s0 =	simm.s32 $0x0;
	s15 =	simm.s32 $0x400;
	s19 =	sadd.s32 s10, s11  }
0x22: {  	[dreg:$0xf] =	wrdreg s7;
	s7 =	simm.s32 $0x3;
	s10 =	simm.s32 $0x100  }
0x23: {  	v0 =	vimm.f32 $1.000000000e+00;
	s11 =	simm.s32 $0x4;
	[dreg:$0xb] =	wrdreg s19;
	s19 =	simm.s32 $0x680  }
.LBB2_1:
0x24: {  	[dreg:$0x13] =	wrdreg s0  }
0x25: {  	s2 =	rddreg [dreg:$0x4]  }
0x26: {  	[tilespmem:s25], [sflag:$0x7] =	stream.linear.gather [hbm4b:s2+s26], $0x2780, $0x38;
	[tilespmem:$0x1EB80] =	vst v63  }
0x27: {  	s0 =	stileid.u32;
	_ =	swait.ge [sflag:s8], $0x2780  }
0x28: {  	s2 =	sshll.u32 s0, $0x6;
	s13 =	rddreg [dreg:$0x5]  }
0x29: {  	s0 =	sor.u32 $0x1C07, s2;
	s2 =	rddreg [dreg:$0x3]  }
0x2a: {  	[sflag:s8] =	ssyncset.done $0x0;
	[dreg:$0x14] =	wrdreg s0;
	s13 =	sshrl.u32 s13, $0x3  }
0x2b: {  	[sflag:s8] =	ssyncadd.s32 $0xFFFFD880;
	[dreg:$0x15] =	wrdreg s13  }
0x2c: {  	[spmem:s13], [sflag:s0] =	dma.local [hbm:s2], $0x2780  }
0x2d: {  	_ =	swait.ge [sflag:s8], $0x2780  }
0x2e: {  	[sflag:s8] =	ssyncset.done $0x0  }
0x2f: {  	s13 =	rddreg [dreg:$0x6];
	[sflag:s8] =	ssyncadd.s32 $0xFFFFD880  }
0x30: {  	[tilespmem:s26], [sflag:$0x7] =	stream.linear.gather [hbm4b:s13+s26], $0x80, $0x38;
	[tilespmem:$0x1EB80] =	vst v63  }
0x31: {  	_ =	swait.ge [sflag:s8], $0x80  }
0x32: {  	[sflag:s8] =	ssyncset.done $0x0  }
0x33: {  	[sflag:s8] =	ssyncadd.s32 $0xFFFFFF80  }
0x34: {  	[tilespmem:s29], [sflag:$0x1] =	stream.indirect.gather [hbm4b:s4+s28], $0x80, s26, s28, $0xb8;
	[tilespmem:$0x1EB80] =	vst v63  }
0x35: {  	_ =	swait.ge [sflag:s30], $0x4000  }
0x36: {  	[sflag:s30] =	ssyncset.done $0x0  }
0x37: {  	s0 =	rddreg [dreg:$0x7];
	[sflag:s30] =	ssyncadd.s32 $0xFFFFC000  }
0x38: {  	[hbm4b:s0+s26] =	stream.linear.scatter [tilespmem:s29], [sflag:$0x7], $0x4000, $0x38;
	[tilespmem:$0x1EB80] =	vst v63  }
0x39: {  	_ =	swait.ge [sflag:s8], $0x4000  }
0x3a: {  	[sflag:s8] =	ssyncset.done $0x0  }
0x3b: {  	s13 =	rddreg [dreg:$0x8];
	[sflag:s8] =	ssyncadd.s32 $0xFFFFC000  }
0x3c: {  	[tilespmem:s26], [sflag:$0x7] =	stream.linear.gather [hbm4b:s13+s26], $0x80, $0x38;
	[tilespmem:$0x1EB80] =	vst v63  }
0x3d: {  	_ =	swait.ge [sflag:s8], $0x80  }
0x3e: {  	[sflag:s8] =	ssyncset.done $0x0  }
0x3f: {  	[sflag:s8] =	ssyncadd.s32 $0xFFFFFF80  }
0x40: {  	[tilespmem:s29], [sflag:$0x1] =	stream.indirect.gather [hbm4b:s4+s28], $0x80, s26, s28, $0xb8;
	[tilespmem:$0x1EB80] =	vst v63  }
0x41: {  	_ =	swait.ge [sflag:s30], $0x4000  }
0x42: {  	[sflag:s30] =	ssyncset.done $0x0  }
0x43: {  	s0 =	rddreg [dreg:$0x9];
	[sflag:s30] =	ssyncadd.s32 $0xFFFFC000  }
0x44: {  	[hbm4b:s0+s26] =	stream.linear.scatter [tilespmem:s29], [sflag:$0x7], $0x4000, $0x38;
	[tilespmem:$0x1EB80] =	vst v63  }
0x45: {  	_ =	swait.ge [sflag:s8], $0x4000  }
0x46: {  	[sflag:s8] =	ssyncset.done $0x0  }
0x47: {  	s13 =	rddreg [dreg:$0xa];
	[sflag:s8] =	ssyncadd.s32 $0xFFFFC000  }
0x48: {  	[tilespmem:s26], [sflag:$0x7] =	stream.linear.gather [hbm4b:s13+s26], $0x80, $0x38;
	[tilespmem:$0x1EB80] =	vst v63  }
0x49: {  	_ =	swait.ge [sflag:s8], $0x80  }
0x4a: {  	[sflag:s8] =	ssyncset.done $0x0  }
0x4b: {  	[sflag:s8] =	ssyncadd.s32 $0xFFFFFF80  }
0x4c: {  	[tilespmem:s29], [sflag:$0x1] =	stream.indirect.gather [hbm4b:s4+s28], $0x80, s26, s28, $0xb8;
	[tilespmem:$0x1EB80] =	vst v63  }
0x4d: {  	_ =	swait.ge [sflag:s30], $0x4000  }
0x4e: {  	[sflag:s30] =	ssyncset.done $0x0  }
0x4f: {  	s0 =	rddreg [dreg:$0xb];
	[sflag:s30] =	ssyncadd.s32 $0xFFFFC000  }
0x50: {  	[hbm4b:s0+s26] =	stream.linear.scatter [tilespmem:s29], [sflag:$0x7], $0x4000, $0x38;
	[tilespmem:$0x1EB80] =	vst v63  }
0x51: {  	_ =	swait.ge [sflag:s8], $0x4000  }
0x52: {  	[sflag:s8] =	ssyncset.done $0x0  }
0x53: {  	[sflag:s8] =	ssyncadd.s32 $0xFFFFC000  }
0x54: {  	[bflag:$0x0] =	sbarrier.arrive $0xFFFF  }
0x55: {  	s13 =	rddreg [dreg:$0xc]  }
0x56: {  	[tilespmem:s26], [sflag:$0x5] =	stream.linear.gather [hbm4b:s13+s26], $0x200, $0x38;
	[tilespmem:$0x1EB80] =	vst v63  }
0x57: {  	s8 =	simm.s32 $0x5;
	s0 =	rddreg [dreg:$0xd]  }
0x58: {  	[tilespmem:s12], [sflag:$0x5] =	stream.linear.gather [hbm4b:s0+s26], $0x200, $0x38;
	[tilespmem:$0x1EB80] =	vst v63  }
0x59: {  	_ =	swait.ge [sflag:s8], $0x200  }
0x5a: {  	[sflag:s8] =	ssyncset.done $0x0  }
0x5b: {  	[sflag:s8] =	ssyncadd.s32 $0xFFFFFE00  }
0x5c: {  	_ =	swait.ge [sflag:s8], $0x200  }
0x5d: {  	[sflag:s8] =	ssyncset.done $0x0  }
0x5e: {  	s2 =	simm.s32 $0x0;
	s12 =	rddreg [dreg:$0xe];
	[sflag:s8] =	ssyncadd.s32 $0xFFFFFE00  }
0x5f: {  	[tilespmem:s3], [sflag:$0x6] =	stream.linear.gather [hbm4b:s12+s26], $0x200, $0x38;
	[tilespmem:$0x1EB80] =	vst v63  }
0x60: {  	s0 =	simm.s32 $0x700;
	s13 =	rddreg [dreg:$0xf];
	s12 =	simm.s32 $0x280  }
0x61: {  	[tilespmem:s5], [sflag:$0x6] =	stream.linear.gather [hbm4b:s13+s26], $0x200, $0x38;
	[tilespmem:$0x1EB80] =	vst v63  }
0x62: {  	s3 =	simm.s32 $0x300;
	s5 =	simm.s32 $0x380;
	s13 =	simm.s32 $0x780  }
0x63: {  	[tilespmem:s29], [sflag:$0x1] =	stream.indirect.gather [hbm4b:s4+s28], $0x80, s26, s28, $0xb8;
	[tilespmem:$0x1EB80] =	vst v63  }
.LBB2_2:
0x64: {  	[tilespmem:s6], [sflag:$0x2] =	stream.indirect.gather [hbm4b:s4+s28], $0x80, s28, s28, $0xb8;
	[tilespmem:$0x1EB80] =	vst v63  }
0x65: {  	_ =	swait.ge [sflag:s30], $0x4000  }
0x66: {  	[sflag:s30] =	ssyncset.done $0x0  }
0x67: {  	s8 =	simm.s32 $0x200;
	[sflag:s30] =	ssyncadd.s32 $0xFFFFC000  }
0x68: {  	[spmem:s1] =	stream.indirect.scatter.add.f32 [tilespmem:s29], [sflag:$0x3], $0x80, s8, s28, $0xb8;
	[tilespmem:$0x1EB80] =	vst v63  }
0x69: {  	v1 =	vld [tilespmem:$0x200];
	_ =	sdelay $0x7  }
0x6a: {  	[tilespmem:v1+s25+$0x0] =	vst.idx.add.f32.msk $0xffff, v0  }
0x6b: {  	v1 =	vld [tilespmem:$0x210];
	_ =	sdelay $0x7  }
0x6c: {  	[tilespmem:v1+s25+$0x0] =	vst.idx.add.f32.msk $0xffff, v0  }
0x6d: {  	v1 =	vld [tilespmem:$0x220];
	_ =	sdelay $0x7  }
0x6e: {  	[tilespmem:v1+s25+$0x0] =	vst.idx.add.f32.msk $0xffff, v0  }
0x6f: {  	v1 =	vld [tilespmem:$0x230];
	_ =	sdelay $0x7  }
0x70: {  	[tilespmem:v1+s25+$0x0] =	vst.idx.add.f32.msk $0xffff, v0  }
0x71: {  	v1 =	vld [tilespmem:$0x240];
	_ =	sdelay $0x7  }
0x72: {  	[tilespmem:v1+s25+$0x0] =	vst.idx.add.f32.msk $0xffff, v0  }
0x73: {  	v1 =	vld [tilespmem:$0x250];
	_ =	sdelay $0x7  }
0x74: {  	[tilespmem:v1+s25+$0x0] =	vst.idx.add.f32.msk $0xffff, v0  }
0x75: {  	v1 =	vld [tilespmem:$0x260];
	_ =	sdelay $0x7  }
0x76: {  	[tilespmem:v1+s25+$0x0] =	vst.idx.add.f32.msk $0xffff, v0  }
0x77: {  	v1 =	vld [tilespmem:$0x270];
	_ =	sdelay $0x7  }
0x78: {  	[tilespmem:v1+s25+$0x0] =	vst.idx.add.f32.msk $0xffff, v0  }
0x79: {  	_ =	swait.ge [sflag:s7], $0x4000  }
0x7a: {  	[sflag:s7] =	ssyncset.done $0x0  }
0x7b: {  	[sflag:s7] =	ssyncadd.s32 $0xFFFFC000  }
0x7c: {  	[tilespmem:s29], [sflag:$0x1] =	stream.indirect.gather [hbm4b:s4+s28], $0x80, s10, s28, $0xb8;
	[tilespmem:$0x1EB80] =	vst v63  }
0x7d: {  	_ =	swait.ge [sflag:s9], $0x4000  }
0x7e: {  	[sflag:s9] =	ssyncset.done $0x0  }
0x7f: {  	[sflag:s9] =	ssyncadd.s32 $0xFFFFC000  }
0x80: {  	[spmem:s1] =	stream.indirect.scatter.add.f32 [tilespmem:s6], [sflag:$0x4], $0x80, s12, s28, $0xb8;
	[tilespmem:$0x1EB80] =	vst v63  }
0x81: {  	v1 =	vld [tilespmem:$0x280];
	_ =	sdelay $0x7  }
0x82: {  	[tilespmem:v1+s25+$0x0] =	vst.idx.add.f32.msk $0xffff, v0  }
0x83: {  	v1 =	vld [tilespmem:$0x290];
	_ =	sdelay $0x7  }
0x84: {  	[tilespmem:v1+s25+$0x0] =	vst.idx.add.f32.msk $0xffff, v0  }
0x85: {  	v1 =	vld [tilespmem:$0x2A0];
	_ =	sdelay $0x7  }
0x86: {  	[tilespmem:v1+s25+$0x0] =	vst.idx.add.f32.msk $0xffff, v0  }
0x87: {  	v1 =	vld [tilespmem:$0x2B0];
	_ =	sdelay $0x7  }
0x88: {  	[tilespmem:v1+s25+$0x0] =	vst.idx.add.f32.msk $0xffff, v0  }
0x89: {  	v1 =	vld [tilespmem:$0x2C0];
	_ =	sdelay $0x7  }
0x8a: {  	[tilespmem:v1+s25+$0x0] =	vst.idx.add.f32.msk $0xffff, v0  }
0x8b: {  	v1 =	vld [tilespmem:$0x2D0];
	_ =	sdelay $0x7  }
0x8c: {  	[tilespmem:v1+s25+$0x0] =	vst.idx.add.f32.msk $0xffff, v0  }
0x8d: {  	v1 =	vld [tilespmem:$0x2E0];
	_ =	sdelay $0x7  }
0x8e: {  	[tilespmem:v1+s25+$0x0] =	vst.idx.add.f32.msk $0xffff, v0  }
0x8f: {  	v1 =	vld [tilespmem:$0x2F0];
	_ =	sdelay $0x7  }
0x90: {  	[tilespmem:v1+s25+$0x0] =	vst.idx.add.f32.msk $0xffff, v0  }
0x91: {  	_ =	swait.ge [sflag:s11], $0x4000  }
0x92: {  	[sflag:s11] =	ssyncset.done $0x0  }
0x93: {  	[sflag:s11] =	ssyncadd.s32 $0xFFFFC000  }
0x94: {  	[tilespmem:s6], [sflag:$0x2] =	stream.indirect.gather [hbm4b:s4+s28], $0x80, s31, s28, $0xb8;
	[tilespmem:$0x1EB80] =	vst v63  }
0x95: {  	_ =	swait.ge [sflag:s30], $0x4000  }
0x96: {  	[sflag:s30] =	ssyncset.done $0x0  }
0x97: {  	[sflag:s30] =	ssyncadd.s32 $0xFFFFC000  }
0x98: {  	[spmem:s1] =	stream.indirect.scatter.add.f32 [tilespmem:s29], [sflag:$0x3], $0x80, s3, s28, $0xb8;
	[tilespmem:$0x1EB80] =	vst v63  }
0x99: {  	v1 =	vld [tilespmem:$0x300];
	_ =	sdelay $0x7  }
0x9a: {  	[tilespmem:v1+s25+$0x0] =	vst.idx.add.f32.msk $0xffff, v0  }
0x9b: {  	v1 =	vld [tilespmem:$0x310];
	_ =	sdelay $0x7  }
0x9c: {  	[tilespmem:v1+s25+$0x0] =	vst.idx.add.f32.msk $0xffff, v0  }
0x9d: {  	v1 =	vld [tilespmem:$0x320];
	_ =	sdelay $0x7  }
0x9e: {  	[tilespmem:v1+s25+$0x0] =	vst.idx.add.f32.msk $0xffff, v0  }
0x9f: {  	v1 =	vld [tilespmem:$0x330];
	_ =	sdelay $0x7  }
0xa0: {  	[tilespmem:v1+s25+$0x0] =	vst.idx.add.f32.msk $0xffff, v0  }
0xa1: {  	v1 =	vld [tilespmem:$0x340];
	_ =	sdelay $0x7  }
0xa2: {  	[tilespmem:v1+s25+$0x0] =	vst.idx.add.f32.msk $0xffff, v0  }
0xa3: {  	v1 =	vld [tilespmem:$0x350];
	_ =	sdelay $0x7  }
0xa4: {  	[tilespmem:v1+s25+$0x0] =	vst.idx.add.f32.msk $0xffff, v0  }
0xa5: {  	v1 =	vld [tilespmem:$0x360];
	_ =	sdelay $0x7  }
0xa6: {  	[tilespmem:v1+s25+$0x0] =	vst.idx.add.f32.msk $0xffff, v0  }
0xa7: {  	v1 =	vld [tilespmem:$0x370];
	_ =	sdelay $0x7  }
0xa8: {  	[tilespmem:v1+s25+$0x0] =	vst.idx.add.f32.msk $0xffff, v0  }
0xa9: {  	_ =	swait.ge [sflag:s14], $0x200  }
0xaa: {  	[sflag:s14] =	ssyncset.done $0x0  }
0xab: {  	[sflag:s14] =	ssyncadd.s32 $0xFFFFFE00  }
0xac: {  	_ =	swait.ge [sflag:s14], $0x200  }
0xad: {  	[sflag:s14] =	ssyncset.done $0x0  }
0xae: {  	[sflag:s14] =	ssyncadd.s32 $0xFFFFFE00  }
0xaf: {  	_ =	swait.ge [sflag:s7], $0x4000  }
0xb0: {  	[sflag:s7] =	ssyncset.done $0x0  }
0xb1: {  	[sflag:s7] =	ssyncadd.s32 $0xFFFFC000  }
0xb2: {  	[tilespmem:s29], [sflag:$0x1] =	stream.indirect.gather [hbm4b:s4+s28], $0x80, s15, s28, $0xb8;
	[tilespmem:$0x1EB80] =	vst v63  }
0xb3: {  	_ =	swait.ge [sflag:s9], $0x4000  }
0xb4: {  	[sflag:s9] =	ssyncset.done $0x0  }
0xb5: {  	[sflag:s9] =	ssyncadd.s32 $0xFFFFC000  }
0xb6: {  	[spmem:s1] =	stream.indirect.scatter.add.f32 [tilespmem:s6], [sflag:$0x4], $0x80, s5, s28, $0xb8;
	[tilespmem:$0x1EB80] =	vst v63  }
0xb7: {  	v1 =	vld [tilespmem:$0x380];
	_ =	sdelay $0x7  }
0xb8: {  	[tilespmem:v1+s25+$0x0] =	vst.idx.add.f32.msk $0xffff, v0  }
0xb9: {  	v1 =	vld [tilespmem:$0x390];
	_ =	sdelay $0x7  }
0xba: {  	[tilespmem:v1+s25+$0x0] =	vst.idx.add.f32.msk $0xffff, v0  }
0xbb: {  	v1 =	vld [tilespmem:$0x3A0];
	_ =	sdelay $0x7  }
0xbc: {  	[tilespmem:v1+s25+$0x0] =	vst.idx.add.f32.msk $0xffff, v0  }
0xbd: {  	v1 =	vld [tilespmem:$0x3B0];
	_ =	sdelay $0x7  }
0xbe: {  	[tilespmem:v1+s25+$0x0] =	vst.idx.add.f32.msk $0xffff, v0  }
0xbf: {  	v1 =	vld [tilespmem:$0x3C0];
	_ =	sdelay $0x7  }
0xc0: {  	[tilespmem:v1+s25+$0x0] =	vst.idx.add.f32.msk $0xffff, v0  }
0xc1: {  	v1 =	vld [tilespmem:$0x3D0];
	_ =	sdelay $0x7  }
0xc2: {  	[tilespmem:v1+s25+$0x0] =	vst.idx.add.f32.msk $0xffff, v0  }
0xc3: {  	v1 =	vld [tilespmem:$0x3E0];
	_ =	sdelay $0x7  }
0xc4: {  	[tilespmem:v1+s25+$0x0] =	vst.idx.add.f32.msk $0xffff, v0  }
0xc5: {  	v1 =	vld [tilespmem:$0x3F0];
	_ =	sdelay $0x7  }
0xc6: {  	[tilespmem:v1+s25+$0x0] =	vst.idx.add.f32.msk $0xffff, v0  }
0xc7: {  	_ =	swait.ge [sflag:s11], $0x4000  }
0xc8: {  	[sflag:s11] =	ssyncset.done $0x0  }
0xc9: {  	[sflag:s11] =	ssyncadd.s32 $0xFFFFC000  }
0xca: {  	[tilespmem:s6], [sflag:$0x2] =	stream.indirect.gather [hbm4b:s4+s28], $0x80, s17, s28, $0xb8;
	[tilespmem:$0x1EB80] =	vst v63  }
0xcb: {  	_ =	swait.ge [sflag:s30], $0x4000  }
0xcc: {  	[sflag:s30] =	ssyncset.done $0x0  }
0xcd: {  	[sflag:s30] =	ssyncadd.s32 $0xFFFFC000  }
0xce: {  	[spmem:s1] =	stream.indirect.scatter.add.f32 [tilespmem:s29], [sflag:$0x3], $0x80, s16, s28, $0xb8;
	[tilespmem:$0x1EB80] =	vst v63  }
0xcf: {  	v1 =	vld [tilespmem:$0x600];
	_ =	sdelay $0x7  }
0xd0: {  	[tilespmem:v1+s25+$0x0] =	vst.idx.add.f32.msk $0xffff, v0  }
0xd1: {  	v1 =	vld [tilespmem:$0x610];
	_ =	sdelay $0x7  }
0xd2: {  	[tilespmem:v1+s25+$0x0] =	vst.idx.add.f32.msk $0xffff, v0  }
0xd3: {  	v1 =	vld [tilespmem:$0x620];
	_ =	sdelay $0x7  }
0xd4: {  	[tilespmem:v1+s25+$0x0] =	vst.idx.add.f32.msk $0xffff, v0  }
0xd5: {  	v1 =	vld [tilespmem:$0x630];
	_ =	sdelay $0x7  }
0xd6: {  	[tilespmem:v1+s25+$0x0] =	vst.idx.add.f32.msk $0xffff, v0  }
0xd7: {  	v1 =	vld [tilespmem:$0x640];
	_ =	sdelay $0x7  }
0xd8: {  	[tilespmem:v1+s25+$0x0] =	vst.idx.add.f32.msk $0xffff, v0  }
0xd9: {  	v1 =	vld [tilespmem:$0x650];
	_ =	sdelay $0x7  }
0xda: {  	[tilespmem:v1+s25+$0x0] =	vst.idx.add.f32.msk $0xffff, v0  }
0xdb: {  	v1 =	vld [tilespmem:$0x660];
	_ =	sdelay $0x7  }
0xdc: {  	[tilespmem:v1+s25+$0x0] =	vst.idx.add.f32.msk $0xffff, v0  }
0xdd: {  	v1 =	vld [tilespmem:$0x670];
	_ =	sdelay $0x6  }
0xde: {  	p0 =	seq.s32 s2, $0x480  }
0xdf: {  	s26 =	simm.s32 @!p0 $0x0;
	s8 =	sadd.s32 @!p0 s2, s23;
	[tilespmem:v1+s25+$0x0] =	vst.idx.add.f32.msk $0xffff, v0  }
0xe0: {  	[tilespmem:s26], [sflag:$0x5] =	stream.linear.gather @!p0 [hbm4b:s8+s26], $0x200, $0x38;
	[tilespmem:$0x1EB80] =	vst v63  }
0xe1: {  	s10 =	simm.s32 @!p0 $0x200;
	s8 =	sadd.s32 @!p0 s2, s24  }
0xe2: {  	[tilespmem:s10], [sflag:$0x5] =	stream.linear.gather @!p0 [hbm4b:s8+s26], $0x200, $0x38;
	[tilespmem:$0x1EB80] =	vst v63  }
0xe3: {  	_ =	swait.ge [sflag:s7], $0x4000  }
0xe4: {  	[sflag:s7] =	ssyncset.done $0x0  }
0xe5: {  	[sflag:s7] =	ssyncadd.s32 $0xFFFFC000  }
0xe6: {  	[tilespmem:s29], [sflag:$0x1] =	stream.indirect.gather [hbm4b:s4+s28], $0x80, s18, s28, $0xb8;
	[tilespmem:$0x1EB80] =	vst v63  }
0xe7: {  	_ =	swait.ge [sflag:s9], $0x4000  }
0xe8: {  	[sflag:s9] =	ssyncset.done $0x0  }
0xe9: {  	[sflag:s9] =	ssyncadd.s32 $0xFFFFC000  }
0xea: {  	[spmem:s1] =	stream.indirect.scatter.add.f32 [tilespmem:s6], [sflag:$0x4], $0x80, s19, s28, $0xb8;
	[tilespmem:$0x1EB80] =	vst v63  }
0xeb: {  	v1 =	vld [tilespmem:$0x680];
	_ =	sdelay $0x7  }
0xec: {  	[tilespmem:v1+s25+$0x0] =	vst.idx.add.f32.msk $0xffff, v0  }
0xed: {  	v1 =	vld [tilespmem:$0x690];
	_ =	sdelay $0x7  }
0xee: {  	[tilespmem:v1+s25+$0x0] =	vst.idx.add.f32.msk $0xffff, v0  }
0xef: {  	v1 =	vld [tilespmem:$0x6A0];
	_ =	sdelay $0x7  }
0xf0: {  	[tilespmem:v1+s25+$0x0] =	vst.idx.add.f32.msk $0xffff, v0  }
0xf1: {  	v1 =	vld [tilespmem:$0x6B0];
	_ =	sdelay $0x7  }
0xf2: {  	[tilespmem:v1+s25+$0x0] =	vst.idx.add.f32.msk $0xffff, v0  }
0xf3: {  	v1 =	vld [tilespmem:$0x6C0];
	_ =	sdelay $0x7  }
0xf4: {  	[tilespmem:v1+s25+$0x0] =	vst.idx.add.f32.msk $0xffff, v0  }
0xf5: {  	v1 =	vld [tilespmem:$0x6D0];
	_ =	sdelay $0x7  }
0xf6: {  	[tilespmem:v1+s25+$0x0] =	vst.idx.add.f32.msk $0xffff, v0  }
0xf7: {  	v1 =	vld [tilespmem:$0x6E0];
	_ =	sdelay $0x7  }
0xf8: {  	[tilespmem:v1+s25+$0x0] =	vst.idx.add.f32.msk $0xffff, v0  }
0xf9: {  	v1 =	vld [tilespmem:$0x6F0];
	_ =	sdelay $0x7  }
0xfa: {  	[tilespmem:v1+s25+$0x0] =	vst.idx.add.f32.msk $0xffff, v0  }
0xfb: {  	_ =	swait.ge [sflag:s11], $0x4000  }
0xfc: {  	[sflag:s11] =	ssyncset.done $0x0  }
0xfd: {  	[sflag:s11] =	ssyncadd.s32 $0xFFFFC000  }
0xfe: {  	[tilespmem:s6], [sflag:$0x2] =	stream.indirect.gather [hbm4b:s4+s28], $0x80, s20, s28, $0xb8;
	[tilespmem:$0x1EB80] =	vst v63  }
0xff: {  	_ =	swait.ge [sflag:s30], $0x4000  }
0x100: {  	[sflag:s30] =	ssyncset.done $0x0  }
0x101: {  	[sflag:s30] =	ssyncadd.s32 $0xFFFFC000  }
0x102: {  	[spmem:s1] =	stream.indirect.scatter.add.f32 [tilespmem:s29], [sflag:$0x3], $0x80, s0, s28, $0xb8;
	[tilespmem:$0x1EB80] =	vst v63  }
0x103: {  	v1 =	vld [tilespmem:$0x700];
	_ =	sdelay $0x7  }
0x104: {  	[tilespmem:v1+s25+$0x0] =	vst.idx.add.f32.msk $0xffff, v0  }
0x105: {  	v1 =	vld [tilespmem:$0x710];
	_ =	sdelay $0x7  }
0x106: {  	[tilespmem:v1+s25+$0x0] =	vst.idx.add.f32.msk $0xffff, v0  }
0x107: {  	v1 =	vld [tilespmem:$0x720];
	_ =	sdelay $0x7  }
0x108: {  	[tilespmem:v1+s25+$0x0] =	vst.idx.add.f32.msk $0xffff, v0  }
0x109: {  	v1 =	vld [tilespmem:$0x730];
	_ =	sdelay $0x7  }
0x10a: {  	[tilespmem:v1+s25+$0x0] =	vst.idx.add.f32.msk $0xffff, v0  }
0x10b: {  	v1 =	vld [tilespmem:$0x740];
	_ =	sdelay $0x7  }
0x10c: {  	[tilespmem:v1+s25+$0x0] =	vst.idx.add.f32.msk $0xffff, v0  }
0x10d: {  	v1 =	vld [tilespmem:$0x750];
	_ =	sdelay $0x7  }
0x10e: {  	[tilespmem:v1+s25+$0x0] =	vst.idx.add.f32.msk $0xffff, v0  }
0x10f: {  	v1 =	vld [tilespmem:$0x760];
	_ =	sdelay $0x7  }
0x110: {  	[tilespmem:v1+s25+$0x0] =	vst.idx.add.f32.msk $0xffff, v0  }
0x111: {  	v1 =	vld [tilespmem:$0x770];
	_ =	sdelay $0x7  }
0x112: {  	[tilespmem:v1+s25+$0x0] =	vst.idx.add.f32.msk $0xffff, v0  }
0x113: {  	_ =	swait.ge [sflag:s7], $0x4000  }
0x114: {  	[sflag:s7] =	ssyncset.done $0x0  }
0x115: {  	s8 =	simm.s32 @!p0 $0x5;
	[sflag:s7] =	ssyncadd.s32 $0xFFFFC000  }
0x116: {  	_ =	swait.ge @!p0 [sflag:s8], $0x200  }
0x117: {  	[sflag:s8] =	ssyncset.done @!p0 $0x0  }
0x118: {  	[sflag:s8] =	ssyncadd.s32 @!p0 $0xFFFFFE00  }
0x119: {  	_ =	swait.ge @!p0 [sflag:s8], $0x200  }
0x11a: {  	[sflag:s8] =	ssyncset.done @!p0 $0x0  }
0x11b: {  	s10 =	simm.s32 @!p0 $0x800;
	[sflag:s8] =	ssyncadd.s32 @!p0 $0xFFFFFE00;
	s8 =	simm.s32 @!p0 $0x80  }
0x11c: {  	[tilespmem:s10], [sflag:$0x1] =	stream.indirect.gather @!p0 [hbm4b:s4+s8], $0x80, s26, s8, $0xb8;
	[tilespmem:$0x1EB80] =	vst v63  }
0x11d: {  	_ =	swait.ge [sflag:s9], $0x4000  }
0x11e: {  	[sflag:s9] =	ssyncset.done $0x0  }
0x11f: {  	[sflag:s9] =	ssyncadd.s32 $0xFFFFC000  }
0x120: {  	[spmem:s1] =	stream.indirect.scatter.add.f32 [tilespmem:s6], [sflag:$0x4], $0x80, s13, s28, $0xb8;
	[tilespmem:$0x1EB80] =	vst v63  }
0x121: {  	v1 =	vld [tilespmem:$0x780];
	_ =	sdelay $0x7  }
0x122: {  	[tilespmem:v1+s25+$0x0] =	vst.idx.add.f32.msk $0xffff, v0  }
0x123: {  	v1 =	vld [tilespmem:$0x790];
	_ =	sdelay $0x7  }
0x124: {  	[tilespmem:v1+s25+$0x0] =	vst.idx.add.f32.msk $0xffff, v0  }
0x125: {  	v1 =	vld [tilespmem:$0x7A0];
	_ =	sdelay $0x7  }
0x126: {  	[tilespmem:v1+s25+$0x0] =	vst.idx.add.f32.msk $0xffff, v0  }
0x127: {  	v1 =	vld [tilespmem:$0x7B0];
	_ =	sdelay $0x7  }
0x128: {  	[tilespmem:v1+s25+$0x0] =	vst.idx.add.f32.msk $0xffff, v0  }
0x129: {  	v1 =	vld [tilespmem:$0x7C0];
	_ =	sdelay $0x7  }
0x12a: {  	[tilespmem:v1+s25+$0x0] =	vst.idx.add.f32.msk $0xffff, v0  }
0x12b: {  	v1 =	vld [tilespmem:$0x7D0];
	_ =	sdelay $0x7  }
0x12c: {  	[tilespmem:v1+s25+$0x0] =	vst.idx.add.f32.msk $0xffff, v0  }
0x12d: {  	v1 =	vld [tilespmem:$0x7E0];
	_ =	sdelay $0x7  }
0x12e: {  	[tilespmem:v1+s25+$0x0] =	vst.idx.add.f32.msk $0xffff, v0  }
0x12f: {  	v1 =	vld [tilespmem:$0x7F0];
	_ =	sdelay $0x7  }
0x130: {  	[tilespmem:v1+s25+$0x0] =	vst.idx.add.f32.msk $0xffff, v0  }
0x131: {  	_ =	swait.ge [sflag:s11], $0x4000  }
0x132: {  	[sflag:s11] =	ssyncset.done $0x0  }
0x133: {  	s8 =	sadd.s32 @!p0 s2, s21;
	s10 =	simm.s32 @!p0 $0x400;
	[sflag:s11] =	ssyncadd.s32 $0xFFFFC000  }
0x134: {  	[tilespmem:s10], [sflag:$0x6] =	stream.linear.gather @!p0 [hbm4b:s8+s26], $0x200, $0x38;
	[tilespmem:$0x1EB80] =	vst v63  }
0x135: {  	s8 =	sadd.s32 @!p0 s2, s22;
	s2 =	sadd.s32 @!p0 $0x80, s2  }
0x136: {  	s10 =	simm.s32 @!p0 $0x600;
	p1 =	sne.s32 @!p0 s2, $0x500  }
0x137: {  	[tilespmem:s10], [sflag:$0x6] =	stream.linear.gather @!p0 [hbm4b:s8+s26], $0x200, $0x38;
	[tilespmem:$0x1EB80] =	vst v63  }
0x138: {  	p0 =	por p0, !p1  }
.Ltmp0:
0x139: {  	_ = 	snop;
	(pc) =	sbr.rel @!p0 .LBB2_2-.Ltmp0, $2  }
0x13a: {  	_ =	sdelay $0x2  }
0x13b: {  	s10 =	simm.s32 $0x100  }
0x13c: {  	[bflag:$0x0] =	sbarrier.arrive $0xFFFF  }
0x13d: {  	s2 =	rddreg [dreg:$0x10]  }
0x13e: {  	s0 =	rddreg [dreg:$0x14]  }
0x13f: {  	s8 =	simm.s32 $0x7;
	s3 =	rddreg [dreg:$0x15]  }
0x140: {  	[hbm:s2], [sflag:s0] =	dma.local [spmem:s3], $0x2780  }
0x141: {  	_ =	swait.ge [sflag:s8], $0x2780  }
0x142: {  	[sflag:s8] =	ssyncset.done $0x0  }
0x143: {  	s26 =	simm.s32 $0x0;
	s5 =	rddreg [dreg:$0x11];
	[sflag:s8] =	ssyncadd.s32 $0xFFFFD880  }
0x144: {  	[hbm4b:s5+s26] =	stream.linear.scatter [tilespmem:s25], [sflag:$0x7], $0x2780, $0x38;
	[tilespmem:$0x1EB80] =	vst v63  }
0x145: {  	_ =	swait.ge [sflag:s8], $0x2780  }
0x146: {  	s12 =	rddreg [dreg:$0x13]  }
0x147: {  	s13 =	rddreg [dreg:$0x12];
	s0 =	sadd.s32 $0x1, s12  }
0x148: {  	p0 =	sne.s32 s0, s13  }
.Ltmp1:
0x149: {  	_ = 	snop;
	(pc) =	sbr.rel @p0 .LBB2_1-.Ltmp1, $3  }
0x14a: {  	_ =	sdelay $0x1  }
0x14b: {  	s3 =	simm.s32 $0x400;
	[sflag:s8] =	ssyncset.done $0x0  }
0x14c: {  	s5 =	simm.s32 $0x600;
	[sflag:s8] =	ssyncadd.s32 $0xFFFFD880;
	s12 =	simm.s32 $0x200  }
0x14d: {  	_ =	sfence.sel $0x180000  }
0x14e: {  	[bflag:$0x0] =	sbarrier.arrive $0xFFFF  }
0x14f: {  	_ =	strace $0x90000047  }
0x150: {  	s0 =	stileid.u32;
	[bflag:$0x2] =	sbarrier.arrive $0xFFFF  }
0x151: {  	p0 =	sne.s32 s0, $0x0;
	s0 =	rddreg [dreg:$0x2]  }
0x152: {  	s0 =	sadd.s32 @!p0 $0x100000, s0  }
0x153: {  	[sflag:s0] =	ssyncadd.tile.s32 @!p0 $0x1;
	_ =	shalt  }
.Lfunc_end2:
_tile_overlayer_lowered:
.L_overlay_start_2:
0x154: {  	(tag) =	ssettag $0x2  }
0x155: {  	s0 =	rddreg [dreg:$0x0];
	s2 =	stileid.u32  }
0x156: {  	s1 =	rddreg [dreg:$0x1];
	p0 =	sne.s32 s2, $0x0  }
0x157: {  	s3 =	rddreg [dreg:$0x2];
	[bflag:$0x3] =	sbarrier.arrive $0xFFFF;
	s2 =	simm.s32 @!p0 $0x1C07  }
0x158: {  	[timem:s3], [sflag:s2] =	dma.local @!p0 [hbm:s0], s1  }
0x159: {  	s0 =	simm.s32 @!p0 $0x7  }
0x15a: {  	_ =	swait.ge @!p0 [sflag:s0], s1  }
0x15b: {  	s1 =	ssub.s32 @!p0 $0x0, s1;
	[sflag:s0] =	ssyncset.done @!p0 $0x0  }
0x15c: {  	[sflag:s0] =	ssyncadd.s32 @!p0 s1  }
0x15d: {  	[bflag:$0x3] =	sbarrier.arrive $0xFFFF  }
0x15e: {  	_ =	shalt  }

</sc_bundles>
